<compile_context>
chip_gen: v7x
topology: tpu7x:2x2x1
jax: 0.10.2.dev20260603
libtpu: 0.0.44.dev20260713+nightly
codegen_flags: <defaults>
</compile_context>

<pallas_src>
import functools

import jax
import jax.numpy as jnp
from jax import lax
from jax.experimental import pallas as pl
from jax.experimental.pallas import tpu as pltpu
from jax.experimental.pallas import tpu_sc as plsc

NB_NEIGHBORS = 16
NB_FEATURES = 1024
BATCH = 1024
GATHER_COLS = NB_FEATURES * NB_NEIGHBORS
OUT_COLS = 1 + GATHER_COLS
COLS_PAD = 16512

NUM_WORKERS = 32
ROWS_PER_W = BATCH // NUM_WORKERS
COL_BLOCK = 512
N_BLOCKS = GATHER_COLS // COL_BLOCK
CHUNKS_PER_BLOCK = COL_BLOCK // 16


def _topk_body(coords_ref, nbr_ref):
    X = coords_ref[...]
    xtx = lax.dot_general(
        X, X, (((0,), (0,)), ((), ())), preferred_element_type=jnp.float32
    )
    xx = jnp.sum(jnp.square(X), axis=0)
    d = xtx * -2.0
    d = d + xx[None, :]
    d = d + xx[:, None]
    d = jnp.maximum(d, 0.0)
    d = jnp.sqrt(d)

    lane = lax.broadcasted_iota(
        jnp.int32, (NB_FEATURES, NB_FEATURES), 1).astype(jnp.float32)
    klane = lax.broadcasted_iota(jnp.int32, (NB_FEATURES, NB_NEIGHBORS), 1)
    nbr = jnp.zeros((NB_FEATURES, NB_NEIGHBORS), dtype=jnp.float32)
    work = d
    big = jnp.float32(2**30)
    for k in range(NB_NEIGHBORS):
        m = jnp.min(work, axis=1, keepdims=True)
        idx = jnp.min(jnp.where(work == m, lane, big), axis=1, keepdims=True)
        nbr = jnp.where(klane == k, idx, nbr)
        work = jnp.where(lane == idx, jnp.float32(jnp.inf), work)
    nbr_ref[...] = nbr.astype(jnp.int32)


def _sc_gather(in_hbm, cols_hbm, out_hbm, cols_v, in_v, buf_a, buf_b,
               colbuf, sem_a, sem_b):
    wid = lax.axis_index("s") * 2 + lax.axis_index("c")
    row0 = wid * ROWS_PER_W
    pltpu.sync_copy(cols_hbm, cols_v)
    pltpu.sync_copy(in_hbm.at[pl.ds(row0 * NB_FEATURES, ROWS_PER_W * NB_FEATURES)],
                    in_v)

    zeros16 = jnp.zeros((16,), jnp.int32)

    def fill(cb, buf):
        @plsc.parallel_loop(0, CHUNKS_PER_BLOCK, unroll=2)
        def chunk_body(c):
            idx = cols_v[pl.ds(cb * COL_BLOCK + c * 16, 16)]
            for b in range(ROWS_PER_W):
                vals = plsc.load_gather(in_v, [idx + jnp.int32(b * NB_FEATURES)])
                buf[b, pl.ds(c * 16, 16)] = vals

    def out_block(cb):
        return out_hbm.at[pl.ds(row0, ROWS_PER_W),
                          pl.ds(cb * COL_BLOCK, COL_BLOCK)]

    def pair_body(p, carry):
        for phase, (buf, sem) in enumerate(((buf_a, sem_a), (buf_b, sem_b))):
            cb = p * 2 + phase

            @pl.when(p > 0)
            def _wait():
                pltpu.make_async_copy(buf, out_block(cb - 2), sem).wait()

            fill(cb, buf)
            pltpu.async_copy(buf, out_block(cb), sem)
        return carry

    lax.fori_loop(0, N_BLOCKS // 2, pair_body, 0)

    cstar = plsc.load_gather(cols_v, [jnp.full((16,), GATHER_COLS, jnp.int32)])
    for h in range(2):
        rows = lax.iota(jnp.int32, 16) + jnp.int32(h * 16)
        vals = plsc.load_gather(in_v, [cstar + rows * NB_FEATURES])
        plsc.store_scatter(colbuf, [rows, zeros16], vals)
    pltpu.make_async_copy(buf_a, out_block(N_BLOCKS - 2), sem_a).wait()
    pltpu.make_async_copy(buf_b, out_block(N_BLOCKS - 1), sem_b).wait()
    pltpu.sync_copy(colbuf, out_hbm.at[pl.ds(row0, ROWS_PER_W),
                                       pl.ds(GATHER_COLS, 1)])


@jax.jit
def kernel(inputs, coordinates):
    nbr = pl.pallas_call(
        _topk_body,
        out_shape=jax.ShapeDtypeStruct((NB_FEATURES, NB_NEIGHBORS), jnp.int32),
    )(coordinates)

    cols = jnp.concatenate([
        jnp.zeros((1,), dtype=jnp.int32),
        nbr.reshape(-1),
        jnp.zeros((COLS_PAD - OUT_COLS,), dtype=jnp.int32),
    ])
    in_flat = inputs.reshape(-1)

    sc_call = functools.partial(
        pl.kernel,
        mesh=plsc.VectorSubcoreMesh(core_axis_name="c", subcore_axis_name="s"),
        compiler_params=pltpu.CompilerParams(needs_layout_passes=False),
        out_type=jax.ShapeDtypeStruct((BATCH, OUT_COLS), jnp.float32),
        scratch_types=[
            pltpu.VMEM((COLS_PAD,), jnp.int32),
            pltpu.VMEM((ROWS_PER_W * NB_FEATURES,), jnp.float32),
            pltpu.VMEM((ROWS_PER_W, COL_BLOCK), jnp.float32),
            pltpu.VMEM((ROWS_PER_W, COL_BLOCK), jnp.float32),
            pltpu.VMEM((ROWS_PER_W, 1), jnp.float32),
            pltpu.SemaphoreType.DMA,
            pltpu.SemaphoreType.DMA,
        ],
    )(_sc_gather)
    out = sc_call(in_flat, cols)
    return out[:, None, :, None]

# --- scband reference (transcript-rebuilt; emitter-appended) ---
"""Pipeline reference for scband-phngb-38474317037901 (READ-ONLY COPY).

The authoritative reference and input builder live on the scoring server;
editing this copy changes nothing except your own understanding.
"""

import jax, jax.numpy as jnp
import numpy as np

NB_NEIGHBORS = 16
NB_FEATURES = 1024
BATCH = 1024
COORD_DIM = 3


def _euclidean_distances(X):
    XX = jnp.expand_dims(jnp.sum(jnp.square(X), axis=1), 0)
    YY = jnp.transpose(XX)
    d = jnp.dot(X, jnp.transpose(X))
    d = d * -2.0
    d = d + XX
    d = d + YY
    d = jnp.maximum(d, jnp.asarray(0.0, dtype=d.dtype))
    return jnp.sqrt(d)


def setup_inputs(seed: int = 0) -> dict:
    key = jax.random.key(seed)
    k1, k2 = jax.random.split(key)
    inputs = jax.random.normal(k1, (BATCH, NB_FEATURES), dtype=jnp.float32)
    coordinates = jax.random.normal(k2, (COORD_DIM, NB_FEATURES), dtype=jnp.float32)
    return {"inputs": inputs, "coordinates": coordinates}


def reference(inputs, coordinates):
    # dist computed in __init__ of the Keras layer: pairwise distances between
    # the NB_FEATURES points given by coordinates.T (shape [NB_FEATURES, 3])
    dist = _euclidean_distances(jnp.transpose(coordinates))
    _, neighbor_indexes = jax.lax.top_k(-dist, NB_NEIGHBORS)  # [NB_FEATURES, NB_NEIGHBORS]
    # Faithful reproduction of the concat loop:
    # output starts with inputs[:, 0], then for feature 0 its k neighbors,
    # then for feature 1..NB_FEATURES-1 their k neighbors.
    cols = jnp.concatenate([
        jnp.zeros((1,), dtype=neighbor_indexes.dtype),
        neighbor_indexes.reshape(-1),
    ])
    output = jnp.take(inputs, cols, axis=1)  # [BATCH, 1 + NB_FEATURES*NB_NEIGHBORS]
    output = jnp.expand_dims(output, 1)
    output = jnp.expand_dims(output, 3)
    return output

if __name__ == "__main__":
    import jax
    _d = setup_inputs()
    print(jax.jit(kernel)(*tuple(_d.values())))

</pallas_src>

<mosaic_0001>
#map = affine_map<(d0, d1) -> (0)>
#map1 = affine_map<(d0, d1) -> (0, 0)>
module attributes {stable_mosaic.version = 14 : i64} {
  func.func @_sc_gather(%arg0: i32, %arg1: i32, %arg2: memref<1048576xf32, #tpu.memory_space<hbm>>, %arg3: memref<16512xi32, #tpu.memory_space<hbm>>, %arg4: memref<1024x16385xf32, #tpu.memory_space<hbm>>, %arg5: memref<16512xi32, #tpu.memory_space<vmem>>, %arg6: memref<32768xf32, #tpu.memory_space<vmem>>, %arg7: memref<32x512xf32, #tpu.memory_space<vmem>>, %arg8: memref<32x512xf32, #tpu.memory_space<vmem>>, %arg9: memref<32x1xf32, #tpu.memory_space<vmem>>, %arg10: memref<!tpu.dma_semaphore, #tpu.memory_space<semaphore_mem>>, %arg11: memref<!tpu.dma_semaphore, #tpu.memory_space<semaphore_mem>>) attributes {dimension_semantics = [#tpu.dimension_semantics<core_parallel>, #tpu.dimension_semantics<subcore_parallel>], iteration_bounds = array<i64: 2, 16>, scalar_prefetch = 0 : i64, scratch_operands = 7 : i64, tpu.core_type = #tpu.core_type<sc_vector_subcore>, window_params = [{transform_indices = #map}, {transform_indices = #map}, {transform_indices = #map1}]} {
    %mul3A = arith.constant 2 : i32
    %mul3A_0 = arith.muli %arg1, %mul3A : i32
    %add3A = arith.addi %mul3A_0, %arg0 : i32
    %mul3A_1 = arith.constant 32 : i32
    %mul3A_2 = arith.muli %add3A, %mul3A_1 : i32
    "tpu.region"() ({
      %run_scoped3A = tpu.sem_alloc : memref<!tpu.dma_semaphore, #tpu.memory_space<semaphore_mem>>
      tpu.enqueue_dma source(%arg3 : memref<16512xi32, #tpu.memory_space<hbm>>) target(%arg5 : memref<16512xi32, #tpu.memory_space<vmem>>) target_semaphore(%run_scoped3A : memref<!tpu.dma_semaphore, #tpu.memory_space<semaphore_mem>>)
      tpu.wait_dma2 semaphore(%run_scoped3A : memref<!tpu.dma_semaphore, #tpu.memory_space<semaphore_mem>>) src(%arg3 : memref<16512xi32, #tpu.memory_space<hbm>>) dst(%arg5 : memref<16512xi32, #tpu.memory_space<vmem>>)
      tpu.yield
    }) : () -> ()
    %mul3A_3 = arith.constant 1024 : i32
    %mul3A_4 = arith.muli %mul3A_2, %mul3A_3 : i32
    "tpu.region"() ({
      %run_scoped3A = tpu.sem_alloc : memref<!tpu.dma_semaphore, #tpu.memory_space<semaphore_mem>>
      %dma_start3A = tpu.memref_slice %arg2[%mul3A_4] : memref<1048576xf32, #tpu.memory_space<hbm>> -> memref<32768xf32, #tpu.memory_space<hbm>>
      %dma_start3A_37 = tpu.memref_slice %arg2[%mul3A_4] : memref<1048576xf32, #tpu.memory_space<hbm>> -> memref<32768xf32, #tpu.memory_space<hbm>>
      tpu.enqueue_dma source(%dma_start3A_37 : memref<32768xf32, #tpu.memory_space<hbm>>) target(%arg6 : memref<32768xf32, #tpu.memory_space<vmem>>) target_semaphore(%run_scoped3A : memref<!tpu.dma_semaphore, #tpu.memory_space<semaphore_mem>>)
      %dma_wait3A_38 = tpu.memref_slice %arg2[%mul3A_4] : memref<1048576xf32, #tpu.memory_space<hbm>> -> memref<32768xf32, #tpu.memory_space<hbm>>
      %dma_wait3A_39 = tpu.memref_slice %arg2[%mul3A_4] : memref<1048576xf32, #tpu.memory_space<hbm>> -> memref<32768xf32, #tpu.memory_space<hbm>>
      tpu.wait_dma2 semaphore(%run_scoped3A : memref<!tpu.dma_semaphore, #tpu.memory_space<semaphore_mem>>) src(%dma_wait3A_39 : memref<32768xf32, #tpu.memory_space<hbm>>) dst(%arg6 : memref<32768xf32, #tpu.memory_space<vmem>>)
      tpu.yield
    }) : () -> ()
    %broadcast_in_dim3A = arith.constant 0 : i32
    %broadcast_in_dim3A_5 = vector.broadcast %broadcast_in_dim3A : i32 to vector<16xi32>
    %scan3A = arith.constant 0 : i32
    %scan3A_6 = arith.constant 0 : i32
    %scan3A_7 = arith.constant 16 : i32
    %scan3A_8 = arith.addi %scan3A_6, %scan3A_7 : i32
    %scan3A_9 = arith.constant 1 : i32
    scf.for %scan3A_37 = %scan3A_6 to %scan3A_8 step %scan3A_9  : i32 {
      %mul3A_38 = arith.constant 2 : i32
      %mul3A_39 = arith.muli %scan3A_37, %mul3A_38 : i32
      %add3A_40 = arith.constant 0 : i32
      %add3A_41 = arith.addi %mul3A_39, %add3A_40 : i32
      %gt3A = arith.constant 0 : i32
      %gt3A_42 = arith.cmpi sgt, %scan3A_37, %gt3A : i32
      %convert_element_type3A = arith.extui %gt3A_42 : i1 to i32
      %cond3A = arith.constant 0 : i32
      %cond3A_43 = arith.cmpi ne, %convert_element_type3A, %cond3A : i32
      scf.if %cond3A_43 {
        %sub3A = arith.constant 2 : i32
        %sub3A_65 = arith.subi %add3A_41, %sub3A : i32
        %mul3A_66 = arith.constant 512 : i32
        %mul3A_67 = arith.muli %sub3A_65, %mul3A_66 : i32
        %dma_wait3A_68 = tpu.memref_slice %arg4[%mul3A_2, %mul3A_67] : memref<1024x16385xf32, #tpu.memory_space<hbm>> -> memref<32x512xf32, #tpu.memory_space<hbm>>
        %dma_wait3A_69 = tpu.memref_slice %arg4[%mul3A_2, %mul3A_67] : memref<1024x16385xf32, #tpu.memory_space<hbm>> -> memref<32x512xf32, #tpu.memory_space<hbm>>
        tpu.wait_dma2 semaphore(%arg10 : memref<!tpu.dma_semaphore, #tpu.memory_space<semaphore_mem>>) src(%arg7 : memref<32x512xf32, #tpu.memory_space<vmem>>) dst(%dma_wait3A_69 : memref<32x512xf32, #tpu.memory_space<hbm>>)
      } else {
      }
      %parallel_loop3A = arith.constant 0 : i32
      %parallel_loop3A_44 = arith.constant 32 : i32
      %parallel_loop3A_45 = arith.constant 1 : i32
      scf.for %parallel_loop3A_65 = %parallel_loop3A to %parallel_loop3A_44 step %parallel_loop3A_45  : i32 {
        %parallel_loop3A_66 = arith.constant 512 : i32
        %parallel_loop3A_67 = arith.muli %add3A_41, %parallel_loop3A_66 : i32
        %parallel_loop3A_68 = arith.constant 16 : i32
        %parallel_loop3A_69 = arith.muli %parallel_loop3A_65, %parallel_loop3A_68 : i32
        %parallel_loop3A_70 = arith.addi %parallel_loop3A_67, %parallel_loop3A_69 : i32
        %parallel_loop3A_71 = arith.index_cast %parallel_loop3A_70 : i32 to index
        %parallel_loop3A_72 = tpu.vector_load %arg5[%parallel_loop3A_71] {strides = array<i32>} : memref<16512xi32, #tpu.memory_space<vmem>>, vector<16xi32>,
        %parallel_loop3A_73 = arith.constant 0 : i32
        %parallel_loop3A_74 = vector.broadcast %parallel_loop3A_73 : i32 to vector<16xi32>
        %parallel_loop3A_75 = arith.addi %parallel_loop3A_72, %parallel_loop3A_74 : vector<16xi32>
        %parallel_loop3A_76 = tpu.vector_load_idx %arg6[%parallel_loop3A_75] : memref<32768xf32, #tpu.memory_space<vmem>>[vector<16xi32>], vector<16xf32>,
        %parallel_loop3A_77 = arith.constant 16 : i32
        %parallel_loop3A_78 = arith.muli %parallel_loop3A_65, %parallel_loop3A_77 : i32
        %parallel_loop3A_79 = arith.constant 0 : i32
        %parallel_loop3A_80 = arith.index_cast %parallel_loop3A_79 : i32 to index
        %parallel_loop3A_81 = arith.index_cast %parallel_loop3A_78 : i32 to index
        %parallel_loop3A_82 = tpu.vector_load %arg7[%parallel_loop3A_80, %parallel_loop3A_81] {strides = array<i32>} : memref<32x512xf32, #tpu.memory_space<vmem>>, vector<16xf32>,
        tpu.vector_store %arg7[%parallel_loop3A_80, %parallel_loop3A_81], %parallel_loop3A_76 {strides = array<i32>} : memref<32x512xf32, #tpu.memory_space<vmem>>, vector<16xf32>,
        %parallel_loop3A_83 = arith.constant 1024 : i32
        %parallel_loop3A_84 = vector.broadcast %parallel_loop3A_83 : i32 to vector<16xi32>
        %parallel_loop3A_85 = arith.addi %parallel_loop3A_72, %parallel_loop3A_84 : vector<16xi32>
        %parallel_loop3A_86 = tpu.vector_load_idx %arg6[%parallel_loop3A_85] : memref<32768xf32, #tpu.memory_space<vmem>>[vector<16xi32>], vector<16xf32>,
        %parallel_loop3A_87 = arith.constant 16 : i32
        %parallel_loop3A_88 = arith.muli %parallel_loop3A_65, %parallel_loop3A_87 : i32
        %parallel_loop3A_89 = arith.constant 1 : i32
        %parallel_loop3A_90 = arith.index_cast %parallel_loop3A_89 : i32 to index
        %parallel_loop3A_91 = arith.index_cast %parallel_loop3A_88 : i32 to index
        %parallel_loop3A_92 = tpu.vector_load %arg7[%parallel_loop3A_90, %parallel_loop3A_91] {strides = array<i32>} : memref<32x512xf32, #tpu.memory_space<vmem>>, vector<16xf32>,
        tpu.vector_store %arg7[%parallel_loop3A_90, %parallel_loop3A_91], %parallel_loop3A_86 {strides = array<i32>} : memref<32x512xf32, #tpu.memory_space<vmem>>, vector<16xf32>,
        %parallel_loop3A_93 = arith.constant 2048 : i32
        %parallel_loop3A_94 = vector.broadcast %parallel_loop3A_93 : i32 to vector<16xi32>
        %parallel_loop3A_95 = arith.addi %parallel_loop3A_72, %parallel_loop3A_94 : vector<16xi32>
        %parallel_loop3A_96 = tpu.vector_load_idx %arg6[%parallel_loop3A_95] : memref<32768xf32, #tpu.memory_space<vmem>>[vector<16xi32>], vector<16xf32>,
        %parallel_loop3A_97 = arith.constant 16 : i32
        %parallel_loop3A_98 = arith.muli %parallel_loop3A_65, %parallel_loop3A_97 : i32
        %parallel_loop3A_99 = arith.constant 2 : i32
        %parallel_loop3A_100 = arith.index_cast %parallel_loop3A_99 : i32 to index
        %parallel_loop3A_101 = arith.index_cast %parallel_loop3A_98 : i32 to index
        %parallel_loop3A_102 = tpu.vector_load %arg7[%parallel_loop3A_100, %parallel_loop3A_101] {strides = array<i32>} : memref<32x512xf32, #tpu.memory_space<vmem>>, vector<16xf32>,
        tpu.vector_store %arg7[%parallel_loop3A_100, %parallel_loop3A_101], %parallel_loop3A_96 {strides = array<i32>} : memref<32x512xf32, #tpu.memory_space<vmem>>, vector<16xf32>,
        %parallel_loop3A_103 = arith.constant 3072 : i32
        %parallel_loop3A_104 = vector.broadcast %parallel_loop3A_103 : i32 to vector<16xi32>
        %parallel_loop3A_105 = arith.addi %parallel_loop3A_72, %parallel_loop3A_104 : vector<16xi32>
        %parallel_loop3A_106 = tpu.vector_load_idx %arg6[%parallel_loop3A_105] : memref<32768xf32, #tpu.memory_space<vmem>>[vector<16xi32>], vector<16xf32>,
        %parallel_loop3A_107 = arith.constant 16 : i32
        %parallel_loop3A_108 = arith.muli %parallel_loop3A_65, %parallel_loop3A_107 : i32
        %parallel_loop3A_109 = arith.constant 3 : i32
        %parallel_loop3A_110 = arith.index_cast %parallel_loop3A_109 : i32 to index
        %parallel_loop3A_111 = arith.index_cast %parallel_loop3A_108 : i32 to index
        %parallel_loop3A_112 = tpu.vector_load %arg7[%parallel_loop3A_110, %parallel_loop3A_111] {strides = array<i32>} : memref<32x512xf32, #tpu.memory_space<vmem>>, vector<16xf32>,
        tpu.vector_store %arg7[%parallel_loop3A_110, %parallel_loop3A_111], %parallel_loop3A_106 {strides = array<i32>} : memref<32x512xf32, #tpu.memory_space<vmem>>, vector<16xf32>,
        %parallel_loop3A_113 = arith.constant 4096 : i32
        %parallel_loop3A_114 = vector.broadcast %parallel_loop3A_113 : i32 to vector<16xi32>
        %parallel_loop3A_115 = arith.addi %parallel_loop3A_72, %parallel_loop3A_114 : vector<16xi32>
        %parallel_loop3A_116 = tpu.vector_load_idx %arg6[%parallel_loop3A_115] : memref<32768xf32, #tpu.memory_space<vmem>>[vector<16xi32>], vector<16xf32>,
        %parallel_loop3A_117 = arith.constant 16 : i32
        %parallel_loop3A_118 = arith.muli %parallel_loop3A_65, %parallel_loop3A_117 : i32
        %parallel_loop3A_119 = arith.constant 4 : i32
        %parallel_loop3A_120 = arith.index_cast %parallel_loop3A_119 : i32 to index
        %parallel_loop3A_121 = arith.index_cast %parallel_loop3A_118 : i32 to index
        %parallel_loop3A_122 = tpu.vector_load %arg7[%parallel_loop3A_120, %parallel_loop3A_121] {strides = array<i32>} : memref<32x512xf32, #tpu.memory_space<vmem>>, vector<16xf32>,
        tpu.vector_store %arg7[%parallel_loop3A_120, %parallel_loop3A_121], %parallel_loop3A_116 {strides = array<i32>} : memref<32x512xf32, #tpu.memory_space<vmem>>, vector<16xf32>,
        %parallel_loop3A_123 = arith.constant 5120 : i32
        %parallel_loop3A_124 = vector.broadcast %parallel_loop3A_123 : i32 to vector<16xi32>
        %parallel_loop3A_125 = arith.addi %parallel_loop3A_72, %parallel_loop3A_124 : vector<16xi32>
        %parallel_loop3A_126 = tpu.vector_load_idx %arg6[%parallel_loop3A_125] : memref<32768xf32, #tpu.memory_space<vmem>>[vector<16xi32>], vector<16xf32>,
        %parallel_loop3A_127 = arith.constant 16 : i32
        %parallel_loop3A_128 = arith.muli %parallel_loop3A_65, %parallel_loop3A_127 : i32
        %parallel_loop3A_129 = arith.constant 5 : i32
        %parallel_loop3A_130 = arith.index_cast %parallel_loop3A_129 : i32 to index
        %parallel_loop3A_131 = arith.index_cast %parallel_loop3A_128 : i32 to index
        %parallel_loop3A_132 = tpu.vector_load %arg7[%parallel_loop3A_130, %parallel_loop3A_131] {strides = array<i32>} : memref<32x512xf32, #tpu.memory_space<vmem>>, vector<16xf32>,
        tpu.vector_store %arg7[%parallel_loop3A_130, %parallel_loop3A_131], %parallel_loop3A_126 {strides = array<i32>} : memref<32x512xf32, #tpu.memory_space<vmem>>, vector<16xf32>,
        %parallel_loop3A_133 = arith.constant 6144 : i32
        %parallel_loop3A_134 = vector.broadcast %parallel_loop3A_133 : i32 to vector<16xi32>
        %parallel_loop3A_135 = arith.addi %parallel_loop3A_72, %parallel_loop3A_134 : vector<16xi32>
        %parallel_loop3A_136 = tpu.vector_load_idx %arg6[%parallel_loop3A_135] : memref<32768xf32, #tpu.memory_space<vmem>>[vector<16xi32>], vector<16xf32>,
        %parallel_loop3A_137 = arith.constant 16 : i32
        %parallel_loop3A_138 = arith.muli %parallel_loop3A_65, %parallel_loop3A_137 : i32
        %parallel_loop3A_139 = arith.constant 6 : i32
        %parallel_loop3A_140 = arith.index_cast %parallel_loop3A_139 : i32 to index
        %parallel_loop3A_141 = arith.index_cast %parallel_loop3A_138 : i32 to index
        %parallel_loop3A_142 = tpu.vector_load %arg7[%parallel_loop3A_140, %parallel_loop3A_141] {strides = array<i32>} : memref<32x512xf32, #tpu.memory_space<vmem>>, vector<16xf32>,
        tpu.vector_store %arg7[%parallel_loop3A_140, %parallel_loop3A_141], %parallel_loop3A_136 {strides = array<i32>} : memref<32x512xf32, #tpu.memory_space<vmem>>, vector<16xf32>,
        %parallel_loop3A_143 = arith.constant 7168 : i32
        %parallel_loop3A_144 = vector.broadcast %parallel_loop3A_143 : i32 to vector<16xi32>
        %parallel_loop3A_145 = arith.addi %parallel_loop3A_72, %parallel_loop3A_144 : vector<16xi32>
        %parallel_loop3A_146 = tpu.vector_load_idx %arg6[%parallel_loop3A_145] : memref<32768xf32, #tpu.memory_space<vmem>>[vector<16xi32>], vector<16xf32>,
        %parallel_loop3A_147 = arith.constant 16 : i32
        %parallel_loop3A_148 = arith.muli %parallel_loop3A_65, %parallel_loop3A_147 : i32
        %parallel_loop3A_149 = arith.constant 7 : i32
        %parallel_loop3A_150 = arith.index_cast %parallel_loop3A_149 : i32 to index
        %parallel_loop3A_151 = arith.index_cast %parallel_loop3A_148 : i32 to index
        %parallel_loop3A_152 = tpu.vector_load %arg7[%parallel_loop3A_150, %parallel_loop3A_151] {strides = array<i32>} : memref<32x512xf32, #tpu.memory_space<vmem>>, vector<16xf32>,
        tpu.vector_store %arg7[%parallel_loop3A_150, %parallel_loop3A_151], %parallel_loop3A_146 {strides = array<i32>} : memref<32x512xf32, #tpu.memory_space<vmem>>, vector<16xf32>,
        %parallel_loop3A_153 = arith.constant 8192 : i32
        %parallel_loop3A_154 = vector.broadcast %parallel_loop3A_153 : i32 to vector<16xi32>
        %parallel_loop3A_155 = arith.addi %parallel_loop3A_72, %parallel_loop3A_154 : vector<16xi32>
        %parallel_loop3A_156 = tpu.vector_load_idx %arg6[%parallel_loop3A_155] : memref<32768xf32, #tpu.memory_space<vmem>>[vector<16xi32>], vector<16xf32>,
        %parallel_loop3A_157 = arith.constant 16 : i32
        %parallel_loop3A_158 = arith.muli %parallel_loop3A_65, %parallel_loop3A_157 : i32
        %parallel_loop3A_159 = arith.constant 8 : i32
        %parallel_loop3A_160 = arith.index_cast %parallel_loop3A_159 : i32 to index
        %parallel_loop3A_161 = arith.index_cast %parallel_loop3A_158 : i32 to index
        %parallel_loop3A_162 = tpu.vector_load %arg7[%parallel_loop3A_160, %parallel_loop3A_161] {strides = array<i32>} : memref<32x512xf32, #tpu.memory_space<vmem>>, vector<16xf32>,
        tpu.vector_store %arg7[%parallel_loop3A_160, %parallel_loop3A_161], %parallel_loop3A_156 {strides = array<i32>} : memref<32x512xf32, #tpu.memory_space<vmem>>, vector<16xf32>,
        %parallel_loop3A_163 = arith.constant 9216 : i32
        %parallel_loop3A_164 = vector.broadcast %parallel_loop3A_163 : i32 to vector<16xi32>
        %parallel_loop3A_165 = arith.addi %parallel_loop3A_72, %parallel_loop3A_164 : vector<16xi32>
        %parallel_loop3A_166 = tpu.vector_load_idx %arg6[%parallel_loop3A_165] : memref<32768xf32, #tpu.memory_space<vmem>>[vector<16xi32>], vector<16xf32>,
        %parallel_loop3A_167 = arith.constant 16 : i32
        %parallel_loop3A_168 = arith.muli %parallel_loop3A_65, %parallel_loop3A_167 : i32
        %parallel_loop3A_169 = arith.constant 9 : i32
        %parallel_loop3A_170 = arith.index_cast %parallel_loop3A_169 : i32 to index
        %parallel_loop3A_171 = arith.index_cast %parallel_loop3A_168 : i32 to index
        %parallel_loop3A_172 = tpu.vector_load %arg7[%parallel_loop3A_170, %parallel_loop3A_171] {strides = array<i32>} : memref<32x512xf32, #tpu.memory_space<vmem>>, vector<16xf32>,
        tpu.vector_store %arg7[%parallel_loop3A_170, %parallel_loop3A_171], %parallel_loop3A_166 {strides = array<i32>} : memref<32x512xf32, #tpu.memory_space<vmem>>, vector<16xf32>,
        %parallel_loop3A_173 = arith.constant 10240 : i32
        %parallel_loop3A_174 = vector.broadcast %parallel_loop3A_173 : i32 to vector<16xi32>
        %parallel_loop3A_175 = arith.addi %parallel_loop3A_72, %parallel_loop3A_174 : vector<16xi32>
        %parallel_loop3A_176 = tpu.vector_load_idx %arg6[%parallel_loop3A_175] : memref<32768xf32, #tpu.memory_space<vmem>>[vector<16xi32>], vector<16xf32>,
        %parallel_loop3A_177 = arith.constant 16 : i32
        %parallel_loop3A_178 = arith.muli %parallel_loop3A_65, %parallel_loop3A_177 : i32
        %parallel_loop3A_179 = arith.constant 10 : i32
        %parallel_loop3A_180 = arith.index_cast %parallel_loop3A_179 : i32 to index
        %parallel_loop3A_181 = arith.index_cast %parallel_loop3A_178 : i32 to index
        %parallel_loop3A_182 = tpu.vector_load %arg7[%parallel_loop3A_180, %parallel_loop3A_181] {strides = array<i32>} : memref<32x512xf32, #tpu.memory_space<vmem>>, vector<16xf32>,
        tpu.vector_store %arg7[%parallel_loop3A_180, %parallel_loop3A_181], %parallel_loop3A_176 {strides = array<i32>} : memref<32x512xf32, #tpu.memory_space<vmem>>, vector<16xf32>,
        %parallel_loop3A_183 = arith.constant 11264 : i32
        %parallel_loop3A_184 = vector.broadcast %parallel_loop3A_183 : i32 to vector<16xi32>
        %parallel_loop3A_185 = arith.addi %parallel_loop3A_72, %parallel_loop3A_184 : vector<16xi32>
        %parallel_loop3A_186 = tpu.vector_load_idx %arg6[%parallel_loop3A_185] : memref<32768xf32, #tpu.memory_space<vmem>>[vector<16xi32>], vector<16xf32>,
        %parallel_loop3A_187 = arith.constant 16 : i32
        %parallel_loop3A_188 = arith.muli %parallel_loop3A_65, %parallel_loop3A_187 : i32
        %parallel_loop3A_189 = arith.constant 11 : i32
        %parallel_loop3A_190 = arith.index_cast %parallel_loop3A_189 : i32 to index
        %parallel_loop3A_191 = arith.index_cast %parallel_loop3A_188 : i32 to index
        %parallel_loop3A_192 = tpu.vector_load %arg7[%parallel_loop3A_190, %parallel_loop3A_191] {strides = array<i32>} : memref<32x512xf32, #tpu.memory_space<vmem>>, vector<16xf32>,
        tpu.vector_store %arg7[%parallel_loop3A_190, %parallel_loop3A_191], %parallel_loop3A_186 {strides = array<i32>} : memref<32x512xf32, #tpu.memory_space<vmem>>, vector<16xf32>,
        %parallel_loop3A_193 = arith.constant 12288 : i32
        %parallel_loop3A_194 = vector.broadcast %parallel_loop3A_193 : i32 to vector<16xi32>
        %parallel_loop3A_195 = arith.addi %parallel_loop3A_72, %parallel_loop3A_194 : vector<16xi32>
        %parallel_loop3A_196 = tpu.vector_load_idx %arg6[%parallel_loop3A_195] : memref<32768xf32, #tpu.memory_space<vmem>>[vector<16xi32>], vector<16xf32>,
        %parallel_loop3A_197 = arith.constant 16 : i32
        %parallel_loop3A_198 = arith.muli %parallel_loop3A_65, %parallel_loop3A_197 : i32
        %parallel_loop3A_199 = arith.constant 12 : i32
        %parallel_loop3A_200 = arith.index_cast %parallel_loop3A_199 : i32 to index
        %parallel_loop3A_201 = arith.index_cast %parallel_loop3A_198 : i32 to index
        %parallel_loop3A_202 = tpu.vector_load %arg7[%parallel_loop3A_200, %parallel_loop3A_201] {strides = array<i32>} : memref<32x512xf32, #tpu.memory_space<vmem>>, vector<16xf32>,
        tpu.vector_store %arg7[%parallel_loop3A_200, %parallel_loop3A_201], %parallel_loop3A_196 {strides = array<i32>} : memref<32x512xf32, #tpu.memory_space<vmem>>, vector<16xf32>,
        %parallel_loop3A_203 = arith.constant 13312 : i32
        %parallel_loop3A_204 = vector.broadcast %parallel_loop3A_203 : i32 to vector<16xi32>
        %parallel_loop3A_205 = arith.addi %parallel_loop3A_72, %parallel_loop3A_204 : vector<16xi32>
        %parallel_loop3A_206 = tpu.vector_load_idx %arg6[%parallel_loop3A_205] : memref<32768xf32, #tpu.memory_space<vmem>>[vector<16xi32>], vector<16xf32>,
        %parallel_loop3A_207 = arith.constant 16 : i32
        %parallel_loop3A_208 = arith.muli %parallel_loop3A_65, %parallel_loop3A_207 : i32
        %parallel_loop3A_209 = arith.constant 13 : i32
        %parallel_loop3A_210 = arith.index_cast %parallel_loop3A_209 : i32 to index
        %parallel_loop3A_211 = arith.index_cast %parallel_loop3A_208 : i32 to index
        %parallel_loop3A_212 = tpu.vector_load %arg7[%parallel_loop3A_210, %parallel_loop3A_211] {strides = array<i32>} : memref<32x512xf32, #tpu.memory_space<vmem>>, vector<16xf32>,
        tpu.vector_store %arg7[%parallel_loop3A_210, %parallel_loop3A_211], %parallel_loop3A_206 {strides = array<i32>} : memref<32x512xf32, #tpu.memory_space<vmem>>, vector<16xf32>,
        %parallel_loop3A_213 = arith.constant 14336 : i32
        %parallel_loop3A_214 = vector.broadcast %parallel_loop3A_213 : i32 to vector<16xi32>
        %parallel_loop3A_215 = arith.addi %parallel_loop3A_72, %parallel_loop3A_214 : vector<16xi32>
        %parallel_loop3A_216 = tpu.vector_load_idx %arg6[%parallel_loop3A_215] : memref<32768xf32, #tpu.memory_space<vmem>>[vector<16xi32>], vector<16xf32>,
        %parallel_loop3A_217 = arith.constant 16 : i32
        %parallel_loop3A_218 = arith.muli %parallel_loop3A_65, %parallel_loop3A_217 : i32
        %parallel_loop3A_219 = arith.constant 14 : i32
        %parallel_loop3A_220 = arith.index_cast %parallel_loop3A_219 : i32 to index
        %parallel_loop3A_221 = arith.index_cast %parallel_loop3A_218 : i32 to index
        %parallel_loop3A_222 = tpu.vector_load %arg7[%parallel_loop3A_220, %parallel_loop3A_221] {strides = array<i32>} : memref<32x512xf32, #tpu.memory_space<vmem>>, vector<16xf32>,
        tpu.vector_store %arg7[%parallel_loop3A_220, %parallel_loop3A_221], %parallel_loop3A_216 {strides = array<i32>} : memref<32x512xf32, #tpu.memory_space<vmem>>, vector<16xf32>,
        %parallel_loop3A_223 = arith.constant 15360 : i32
        %parallel_loop3A_224 = vector.broadcast %parallel_loop3A_223 : i32 to vector<16xi32>
        %parallel_loop3A_225 = arith.addi %parallel_loop3A_72, %parallel_loop3A_224 : vector<16xi32>
        %parallel_loop3A_226 = tpu.vector_load_idx %arg6[%parallel_loop3A_225] : memref<32768xf32, #tpu.memory_space<vmem>>[vector<16xi32>], vector<16xf32>,
        %parallel_loop3A_227 = arith.constant 16 : i32
        %parallel_loop3A_228 = arith.muli %parallel_loop3A_65, %parallel_loop3A_227 : i32
        %parallel_loop3A_229 = arith.constant 15 : i32
        %parallel_loop3A_230 = arith.index_cast %parallel_loop3A_229 : i32 to index
        %parallel_loop3A_231 = arith.index_cast %parallel_loop3A_228 : i32 to index
        %parallel_loop3A_232 = tpu.vector_load %arg7[%parallel_loop3A_230, %parallel_loop3A_231] {strides = array<i32>} : memref<32x512xf32, #tpu.memory_space<vmem>>, vector<16xf32>,
        tpu.vector_store %arg7[%parallel_loop3A_230, %parallel_loop3A_231], %parallel_loop3A_226 {strides = array<i32>} : memref<32x512xf32, #tpu.memory_space<vmem>>, vector<16xf32>,
        %parallel_loop3A_233 = arith.constant 16384 : i32
        %parallel_loop3A_234 = vector.broadcast %parallel_loop3A_233 : i32 to vector<16xi32>
        %parallel_loop3A_235 = arith.addi %parallel_loop3A_72, %parallel_loop3A_234 : vector<16xi32>
        %parallel_loop3A_236 = tpu.vector_load_idx %arg6[%parallel_loop3A_235] : memref<32768xf32, #tpu.memory_space<vmem>>[vector<16xi32>], vector<16xf32>,
        %parallel_loop3A_237 = arith.constant 16 : i32
        %parallel_loop3A_238 = arith.muli %parallel_loop3A_65, %parallel_loop3A_237 : i32
        %parallel_loop3A_239 = arith.constant 16 : i32
        %parallel_loop3A_240 = arith.index_cast %parallel_loop3A_239 : i32 to index
        %parallel_loop3A_241 = arith.index_cast %parallel_loop3A_238 : i32 to index
        %parallel_loop3A_242 = tpu.vector_load %arg7[%parallel_loop3A_240, %parallel_loop3A_241] {strides = array<i32>} : memref<32x512xf32, #tpu.memory_space<vmem>>, vector<16xf32>,
        tpu.vector_store %arg7[%parallel_loop3A_240, %parallel_loop3A_241], %parallel_loop3A_236 {strides = array<i32>} : memref<32x512xf32, #tpu.memory_space<vmem>>, vector<16xf32>,
        %parallel_loop3A_243 = arith.constant 17408 : i32
        %parallel_loop3A_244 = vector.broadcast %parallel_loop3A_243 : i32 to vector<16xi32>
        %parallel_loop3A_245 = arith.addi %parallel_loop3A_72, %parallel_loop3A_244 : vector<16xi32>
        %parallel_loop3A_246 = tpu.vector_load_idx %arg6[%parallel_loop3A_245] : memref<32768xf32, #tpu.memory_space<vmem>>[vector<16xi32>], vector<16xf32>,
        %parallel_loop3A_247 = arith.constant 16 : i32
        %parallel_loop3A_248 = arith.muli %parallel_loop3A_65, %parallel_loop3A_247 : i32
        %parallel_loop3A_249 = arith.constant 17 : i32
        %parallel_loop3A_250 = arith.index_cast %parallel_loop3A_249 : i32 to index
        %parallel_loop3A_251 = arith.index_cast %parallel_loop3A_248 : i32 to index
        %parallel_loop3A_252 = tpu.vector_load %arg7[%parallel_loop3A_250, %parallel_loop3A_251] {strides = array<i32>} : memref<32x512xf32, #tpu.memory_space<vmem>>, vector<16xf32>,
        tpu.vector_store %arg7[%parallel_loop3A_250, %parallel_loop3A_251], %parallel_loop3A_246 {strides = array<i32>} : memref<32x512xf32, #tpu.memory_space<vmem>>, vector<16xf32>,
        %parallel_loop3A_253 = arith.constant 18432 : i32
        %parallel_loop3A_254 = vector.broadcast %parallel_loop3A_253 : i32 to vector<16xi32>
        %parallel_loop3A_255 = arith.addi %parallel_loop3A_72, %parallel_loop3A_254 : vector<16xi32>
        %parallel_loop3A_256 = tpu.vector_load_idx %arg6[%parallel_loop3A_255] : memref<32768xf32, #tpu.memory_space<vmem>>[vector<16xi32>], vector<16xf32>,
        %parallel_loop3A_257 = arith.constant 16 : i32
        %parallel_loop3A_258 = arith.muli %parallel_loop3A_65, %parallel_loop3A_257 : i32
        %parallel_loop3A_259 = arith.constant 18 : i32
        %parallel_loop3A_260 = arith.index_cast %parallel_loop3A_259 : i32 to index
        %parallel_loop3A_261 = arith.index_cast %parallel_loop3A_258 : i32 to index
        %parallel_loop3A_262 = tpu.vector_load %arg7[%parallel_loop3A_260, %parallel_loop3A_261] {strides = array<i32>} : memref<32x512xf32, #tpu.memory_space<vmem>>, vector<16xf32>,
        tpu.vector_store %arg7[%parallel_loop3A_260, %parallel_loop3A_261], %parallel_loop3A_256 {strides = array<i32>} : memref<32x512xf32, #tpu.memory_space<vmem>>, vector<16xf32>,
        %parallel_loop3A_263 = arith.constant 19456 : i32
        %parallel_loop3A_264 = vector.broadcast %parallel_loop3A_263 : i32 to vector<16xi32>
        %parallel_loop3A_265 = arith.addi %parallel_loop3A_72, %parallel_loop3A_264 : vector<16xi32>
        %parallel_loop3A_266 = tpu.vector_load_idx %arg6[%parallel_loop3A_265] : memref<32768xf32, #tpu.memory_space<vmem>>[vector<16xi32>], vector<16xf32>,
        %parallel_loop3A_267 = arith.constant 16 : i32
        %parallel_loop3A_268 = arith.muli %parallel_loop3A_65, %parallel_loop3A_267 : i32
        %parallel_loop3A_269 = arith.constant 19 : i32
        %parallel_loop3A_270 = arith.index_cast %parallel_loop3A_269 : i32 to index
        %parallel_loop3A_271 = arith.index_cast %parallel_loop3A_268 : i32 to index
        %parallel_loop3A_272 = tpu.vector_load %arg7[%parallel_loop3A_270, %parallel_loop3A_271] {strides = array<i32>} : memref<32x512xf32, #tpu.memory_space<vmem>>, vector<16xf32>,
        tpu.vector_store %arg7[%parallel_loop3A_270, %parallel_loop3A_271], %parallel_loop3A_266 {strides = array<i32>} : memref<32x512xf32, #tpu.memory_space<vmem>>, vector<16xf32>,
        %parallel_loop3A_273 = arith.constant 20480 : i32
        %parallel_loop3A_274 = vector.broadcast %parallel_loop3A_273 : i32 to vector<16xi32>
        %parallel_loop3A_275 = arith.addi %parallel_loop3A_72, %parallel_loop3A_274 : vector<16xi32>
        %parallel_loop3A_276 = tpu.vector_load_idx %arg6[%parallel_loop3A_275] : memref<32768xf32, #tpu.memory_space<vmem>>[vector<16xi32>], vector<16xf32>,
        %parallel_loop3A_277 = arith.constant 16 : i32
        %parallel_loop3A_278 = arith.muli %parallel_loop3A_65, %parallel_loop3A_277 : i32
        %parallel_loop3A_279 = arith.constant 20 : i32
        %parallel_loop3A_280 = arith.index_cast %parallel_loop3A_279 : i32 to index
        %parallel_loop3A_281 = arith.index_cast %parallel_loop3A_278 : i32 to index
        %parallel_loop3A_282 = tpu.vector_load %arg7[%parallel_loop3A_280, %parallel_loop3A_281] {strides = array<i32>} : memref<32x512xf32, #tpu.memory_space<vmem>>, vector<16xf32>,
        tpu.vector_store %arg7[%parallel_loop3A_280, %parallel_loop3A_281], %parallel_loop3A_276 {strides = array<i32>} : memref<32x512xf32, #tpu.memory_space<vmem>>, vector<16xf32>,
        %parallel_loop3A_283 = arith.constant 21504 : i32
        %parallel_loop3A_284 = vector.broadcast %parallel_loop3A_283 : i32 to vector<16xi32>
        %parallel_loop3A_285 = arith.addi %parallel_loop3A_72, %parallel_loop3A_284 : vector<16xi32>
        %parallel_loop3A_286 = tpu.vector_load_idx %arg6[%parallel_loop3A_285] : memref<32768xf32, #tpu.memory_space<vmem>>[vector<16xi32>], vector<16xf32>,
        %parallel_loop3A_287 = arith.constant 16 : i32
        %parallel_loop3A_288 = arith.muli %parallel_loop3A_65, %parallel_loop3A_287 : i32
        %parallel_loop3A_289 = arith.constant 21 : i32
        %parallel_loop3A_290 = arith.index_cast %parallel_loop3A_289 : i32 to index
        %parallel_loop3A_291 = arith.index_cast %parallel_loop3A_288 : i32 to index
        %parallel_loop3A_292 = tpu.vector_load %arg7[%parallel_loop3A_290, %parallel_loop3A_291] {strides = array<i32>} : memref<32x512xf32, #tpu.memory_space<vmem>>, vector<16xf32>,
        tpu.vector_store %arg7[%parallel_loop3A_290, %parallel_loop3A_291], %parallel_loop3A_286 {strides = array<i32>} : memref<32x512xf32, #tpu.memory_space<vmem>>, vector<16xf32>,
        %parallel_loop3A_293 = arith.constant 22528 : i32
        %parallel_loop3A_294 = vector.broadcast %parallel_loop3A_293 : i32 to vector<16xi32>
        %parallel_loop3A_295 = arith.addi %parallel_loop3A_72, %parallel_loop3A_294 : vector<16xi32>
        %parallel_loop3A_296 = tpu.vector_load_idx %arg6[%parallel_loop3A_295] : memref<32768xf32, #tpu.memory_space<vmem>>[vector<16xi32>], vector<16xf32>,
        %parallel_loop3A_297 = arith.constant 16 : i32
        %parallel_loop3A_298 = arith.muli %parallel_loop3A_65, %parallel_loop3A_297 : i32
        %parallel_loop3A_299 = arith.constant 22 : i32
        %parallel_loop3A_300 = arith.index_cast %parallel_loop3A_299 : i32 to index
        %parallel_loop3A_301 = arith.index_cast %parallel_loop3A_298 : i32 to index
        %parallel_loop3A_302 = tpu.vector_load %arg7[%parallel_loop3A_300, %parallel_loop3A_301] {strides = array<i32>} : memref<32x512xf32, #tpu.memory_space<vmem>>, vector<16xf32>,
        tpu.vector_store %arg7[%parallel_loop3A_300, %parallel_loop3A_301], %parallel_loop3A_296 {strides = array<i32>} : memref<32x512xf32, #tpu.memory_space<vmem>>, vector<16xf32>,
        %parallel_loop3A_303 = arith.constant 23552 : i32
        %parallel_loop3A_304 = vector.broadcast %parallel_loop3A_303 : i32 to vector<16xi32>
        %parallel_loop3A_305 = arith.addi %parallel_loop3A_72, %parallel_loop3A_304 : vector<16xi32>
        %parallel_loop3A_306 = tpu.vector_load_idx %arg6[%parallel_loop3A_305] : memref<32768xf32, #tpu.memory_space<vmem>>[vector<16xi32>], vector<16xf32>,
        %parallel_loop3A_307 = arith.constant 16 : i32
        %parallel_loop3A_308 = arith.muli %parallel_loop3A_65, %parallel_loop3A_307 : i32
        %parallel_loop3A_309 = arith.constant 23 : i32
        %parallel_loop3A_310 = arith.index_cast %parallel_loop3A_309 : i32 to index
        %parallel_loop3A_311 = arith.index_cast %parallel_loop3A_308 : i32 to index
        %parallel_loop3A_312 = tpu.vector_load %arg7[%parallel_loop3A_310, %parallel_loop3A_311] {strides = array<i32>} : memref<32x512xf32, #tpu.memory_space<vmem>>, vector<16xf32>,
        tpu.vector_store %arg7[%parallel_loop3A_310, %parallel_loop3A_311], %parallel_loop3A_306 {strides = array<i32>} : memref<32x512xf32, #tpu.memory_space<vmem>>, vector<16xf32>,
        %parallel_loop3A_313 = arith.constant 24576 : i32
        %parallel_loop3A_314 = vector.broadcast %parallel_loop3A_313 : i32 to vector<16xi32>
        %parallel_loop3A_315 = arith.addi %parallel_loop3A_72, %parallel_loop3A_314 : vector<16xi32>
        %parallel_loop3A_316 = tpu.vector_load_idx %arg6[%parallel_loop3A_315] : memref<32768xf32, #tpu.memory_space<vmem>>[vector<16xi32>], vector<16xf32>,
        %parallel_loop3A_317 = arith.constant 16 : i32
        %parallel_loop3A_318 = arith.muli %parallel_loop3A_65, %parallel_loop3A_317 : i32
        %parallel_loop3A_319 = arith.constant 24 : i32
        %parallel_loop3A_320 = arith.index_cast %parallel_loop3A_319 : i32 to index
        %parallel_loop3A_321 = arith.index_cast %parallel_loop3A_318 : i32 to index
        %parallel_loop3A_322 = tpu.vector_load %arg7[%parallel_loop3A_320, %parallel_loop3A_321] {strides = array<i32>} : memref<32x512xf32, #tpu.memory_space<vmem>>, vector<16xf32>,
        tpu.vector_store %arg7[%parallel_loop3A_320, %parallel_loop3A_321], %parallel_loop3A_316 {strides = array<i32>} : memref<32x512xf32, #tpu.memory_space<vmem>>, vector<16xf32>,
        %parallel_loop3A_323 = arith.constant 25600 : i32
        %parallel_loop3A_324 = vector.broadcast %parallel_loop3A_323 : i32 to vector<16xi32>
        %parallel_loop3A_325 = arith.addi %parallel_loop3A_72, %parallel_loop3A_324 : vector<16xi32>
        %parallel_loop3A_326 = tpu.vector_load_idx %arg6[%parallel_loop3A_325] : memref<32768xf32, #tpu.memory_space<vmem>>[vector<16xi32>], vector<16xf32>,
        %parallel_loop3A_327 = arith.constant 16 : i32
        %parallel_loop3A_328 = arith.muli %parallel_loop3A_65, %parallel_loop3A_327 : i32
        %parallel_loop3A_329 = arith.constant 25 : i32
        %parallel_loop3A_330 = arith.index_cast %parallel_loop3A_329 : i32 to index
        %parallel_loop3A_331 = arith.index_cast %parallel_loop3A_328 : i32 to index
        %parallel_loop3A_332 = tpu.vector_load %arg7[%parallel_loop3A_330, %parallel_loop3A_331] {strides = array<i32>} : memref<32x512xf32, #tpu.memory_space<vmem>>, vector<16xf32>,
        tpu.vector_store %arg7[%parallel_loop3A_330, %parallel_loop3A_331], %parallel_loop3A_326 {strides = array<i32>} : memref<32x512xf32, #tpu.memory_space<vmem>>, vector<16xf32>,
        %parallel_loop3A_333 = arith.constant 26624 : i32
        %parallel_loop3A_334 = vector.broadcast %parallel_loop3A_333 : i32 to vector<16xi32>
        %parallel_loop3A_335 = arith.addi %parallel_loop3A_72, %parallel_loop3A_334 : vector<16xi32>
        %parallel_loop3A_336 = tpu.vector_load_idx %arg6[%parallel_loop3A_335] : memref<32768xf32, #tpu.memory_space<vmem>>[vector<16xi32>], vector<16xf32>,
        %parallel_loop3A_337 = arith.constant 16 : i32
        %parallel_loop3A_338 = arith.muli %parallel_loop3A_65, %parallel_loop3A_337 : i32
        %parallel_loop3A_339 = arith.constant 26 : i32
        %parallel_loop3A_340 = arith.index_cast %parallel_loop3A_339 : i32 to index
        %parallel_loop3A_341 = arith.index_cast %parallel_loop3A_338 : i32 to index
        %parallel_loop3A_342 = tpu.vector_load %arg7[%parallel_loop3A_340, %parallel_loop3A_341] {strides = array<i32>} : memref<32x512xf32, #tpu.memory_space<vmem>>, vector<16xf32>,
        tpu.vector_store %arg7[%parallel_loop3A_340, %parallel_loop3A_341], %parallel_loop3A_336 {strides = array<i32>} : memref<32x512xf32, #tpu.memory_space<vmem>>, vector<16xf32>,
        %parallel_loop3A_343 = arith.constant 27648 : i32
        %parallel_loop3A_344 = vector.broadcast %parallel_loop3A_343 : i32 to vector<16xi32>
        %parallel_loop3A_345 = arith.addi %parallel_loop3A_72, %parallel_loop3A_344 : vector<16xi32>
        %parallel_loop3A_346 = tpu.vector_load_idx %arg6[%parallel_loop3A_345] : memref<32768xf32, #tpu.memory_space<vmem>>[vector<16xi32>], vector<16xf32>,
        %parallel_loop3A_347 = arith.constant 16 : i32
        %parallel_loop3A_348 = arith.muli %parallel_loop3A_65, %parallel_loop3A_347 : i32
        %parallel_loop3A_349 = arith.constant 27 : i32
        %parallel_loop3A_350 = arith.index_cast %parallel_loop3A_349 : i32 to index
        %parallel_loop3A_351 = arith.index_cast %parallel_loop3A_348 : i32 to index
        %parallel_loop3A_352 = tpu.vector_load %arg7[%parallel_loop3A_350, %parallel_loop3A_351] {strides = array<i32>} : memref<32x512xf32, #tpu.memory_space<vmem>>, vector<16xf32>,
        tpu.vector_store %arg7[%parallel_loop3A_350, %parallel_loop3A_351], %parallel_loop3A_346 {strides = array<i32>} : memref<32x512xf32, #tpu.memory_space<vmem>>, vector<16xf32>,
        %parallel_loop3A_353 = arith.constant 28672 : i32
        %parallel_loop3A_354 = vector.broadcast %parallel_loop3A_353 : i32 to vector<16xi32>
        %parallel_loop3A_355 = arith.addi %parallel_loop3A_72, %parallel_loop3A_354 : vector<16xi32>
        %parallel_loop3A_356 = tpu.vector_load_idx %arg6[%parallel_loop3A_355] : memref<32768xf32, #tpu.memory_space<vmem>>[vector<16xi32>], vector<16xf32>,
        %parallel_loop3A_357 = arith.constant 16 : i32
        %parallel_loop3A_358 = arith.muli %parallel_loop3A_65, %parallel_loop3A_357 : i32
        %parallel_loop3A_359 = arith.constant 28 : i32
        %parallel_loop3A_360 = arith.index_cast %parallel_loop3A_359 : i32 to index
        %parallel_loop3A_361 = arith.index_cast %parallel_loop3A_358 : i32 to index
        %parallel_loop3A_362 = tpu.vector_load %arg7[%parallel_loop3A_360, %parallel_loop3A_361] {strides = array<i32>} : memref<32x512xf32, #tpu.memory_space<vmem>>, vector<16xf32>,
        tpu.vector_store %arg7[%parallel_loop3A_360, %parallel_loop3A_361], %parallel_loop3A_356 {strides = array<i32>} : memref<32x512xf32, #tpu.memory_space<vmem>>, vector<16xf32>,
        %parallel_loop3A_363 = arith.constant 29696 : i32
        %parallel_loop3A_364 = vector.broadcast %parallel_loop3A_363 : i32 to vector<16xi32>
        %parallel_loop3A_365 = arith.addi %parallel_loop3A_72, %parallel_loop3A_364 : vector<16xi32>
        %parallel_loop3A_366 = tpu.vector_load_idx %arg6[%parallel_loop3A_365] : memref<32768xf32, #tpu.memory_space<vmem>>[vector<16xi32>], vector<16xf32>,
        %parallel_loop3A_367 = arith.constant 16 : i32
        %parallel_loop3A_368 = arith.muli %parallel_loop3A_65, %parallel_loop3A_367 : i32
        %parallel_loop3A_369 = arith.constant 29 : i32
        %parallel_loop3A_370 = arith.index_cast %parallel_loop3A_369 : i32 to index
        %parallel_loop3A_371 = arith.index_cast %parallel_loop3A_368 : i32 to index
        %parallel_loop3A_372 = tpu.vector_load %arg7[%parallel_loop3A_370, %parallel_loop3A_371] {strides = array<i32>} : memref<32x512xf32, #tpu.memory_space<vmem>>, vector<16xf32>,
        tpu.vector_store %arg7[%parallel_loop3A_370, %parallel_loop3A_371], %parallel_loop3A_366 {strides = array<i32>} : memref<32x512xf32, #tpu.memory_space<vmem>>, vector<16xf32>,
        %parallel_loop3A_373 = arith.constant 30720 : i32
        %parallel_loop3A_374 = vector.broadcast %parallel_loop3A_373 : i32 to vector<16xi32>
        %parallel_loop3A_375 = arith.addi %parallel_loop3A_72, %parallel_loop3A_374 : vector<16xi32>
        %parallel_loop3A_376 = tpu.vector_load_idx %arg6[%parallel_loop3A_375] : memref<32768xf32, #tpu.memory_space<vmem>>[vector<16xi32>], vector<16xf32>,
        %parallel_loop3A_377 = arith.constant 16 : i32
        %parallel_loop3A_378 = arith.muli %parallel_loop3A_65, %parallel_loop3A_377 : i32
        %parallel_loop3A_379 = arith.constant 30 : i32
        %parallel_loop3A_380 = arith.index_cast %parallel_loop3A_379 : i32 to index
        %parallel_loop3A_381 = arith.index_cast %parallel_loop3A_378 : i32 to index
        %parallel_loop3A_382 = tpu.vector_load %arg7[%parallel_loop3A_380, %parallel_loop3A_381] {strides = array<i32>} : memref<32x512xf32, #tpu.memory_space<vmem>>, vector<16xf32>,
        tpu.vector_store %arg7[%parallel_loop3A_380, %parallel_loop3A_381], %parallel_loop3A_376 {strides = array<i32>} : memref<32x512xf32, #tpu.memory_space<vmem>>, vector<16xf32>,
        %parallel_loop3A_383 = arith.constant 31744 : i32
        %parallel_loop3A_384 = vector.broadcast %parallel_loop3A_383 : i32 to vector<16xi32>
        %parallel_loop3A_385 = arith.addi %parallel_loop3A_72, %parallel_loop3A_384 : vector<16xi32>
        %parallel_loop3A_386 = tpu.vector_load_idx %arg6[%parallel_loop3A_385] : memref<32768xf32, #tpu.memory_space<vmem>>[vector<16xi32>], vector<16xf32>,
        %parallel_loop3A_387 = arith.constant 16 : i32
        %parallel_loop3A_388 = arith.muli %parallel_loop3A_65, %parallel_loop3A_387 : i32
        %parallel_loop3A_389 = arith.constant 31 : i32
        %parallel_loop3A_390 = arith.index_cast %parallel_loop3A_389 : i32 to index
        %parallel_loop3A_391 = arith.index_cast %parallel_loop3A_388 : i32 to index
        %parallel_loop3A_392 = tpu.vector_load %arg7[%parallel_loop3A_390, %parallel_loop3A_391] {strides = array<i32>} : memref<32x512xf32, #tpu.memory_space<vmem>>, vector<16xf32>,
        tpu.vector_store %arg7[%parallel_loop3A_390, %parallel_loop3A_391], %parallel_loop3A_386 {strides = array<i32>} : memref<32x512xf32, #tpu.memory_space<vmem>>, vector<16xf32>,
      } {sc.loop_unroll_factor = 2 : i64, sc.parallel_access}
      %mul3A_46 = arith.constant 512 : i32
      %mul3A_47 = arith.muli %add3A_41, %mul3A_46 : i32
      %dma_start3A = tpu.memref_slice %arg4[%mul3A_2, %mul3A_47] : memref<1024x16385xf32, #tpu.memory_space<hbm>> -> memref<32x512xf32, #tpu.memory_space<hbm>>
      %dma_start3A_48 = tpu.memref_slice %arg4[%mul3A_2, %mul3A_47] : memref<1024x16385xf32, #tpu.memory_space<hbm>> -> memref<32x512xf32, #tpu.memory_space<hbm>>
      tpu.enqueue_dma source(%arg7 : memref<32x512xf32, #tpu.memory_space<vmem>>) target(%dma_start3A_48 : memref<32x512xf32, #tpu.memory_space<hbm>>) target_semaphore(%arg10 : memref<!tpu.dma_semaphore, #tpu.memory_space<semaphore_mem>>)
      %mul3A_49 = arith.constant 2 : i32
      %mul3A_50 = arith.muli %scan3A_37, %mul3A_49 : i32
      %add3A_51 = arith.constant 1 : i32
      %add3A_52 = arith.addi %mul3A_50, %add3A_51 : i32
      %gt3A_53 = arith.constant 0 : i32
      %gt3A_54 = arith.cmpi sgt, %scan3A_37, %gt3A_53 : i32
      %convert_element_type3A_55 = arith.extui %gt3A_54 : i1 to i32
      %cond3A_56 = arith.constant 0 : i32
      %cond3A_57 = arith.cmpi ne, %convert_element_type3A_55, %cond3A_56 : i32
      scf.if %cond3A_57 {
        %sub3A = arith.constant 2 : i32
        %sub3A_65 = arith.subi %add3A_52, %sub3A : i32
        %mul3A_66 = arith.constant 512 : i32
        %mul3A_67 = arith.muli %sub3A_65, %mul3A_66 : i32
        %dma_wait3A_68 = tpu.memref_slice %arg4[%mul3A_2, %mul3A_67] : memref<1024x16385xf32, #tpu.memory_space<hbm>> -> memref<32x512xf32, #tpu.memory_space<hbm>>
        %dma_wait3A_69 = tpu.memref_slice %arg4[%mul3A_2, %mul3A_67] : memref<1024x16385xf32, #tpu.memory_space<hbm>> -> memref<32x512xf32, #tpu.memory_space<hbm>>
        tpu.wait_dma2 semaphore(%arg11 : memref<!tpu.dma_semaphore, #tpu.memory_space<semaphore_mem>>) src(%arg8 : memref<32x512xf32, #tpu.memory_space<vmem>>) dst(%dma_wait3A_69 : memref<32x512xf32, #tpu.memory_space<hbm>>)
      } else {
      }
      %parallel_loop3A_58 = arith.constant 0 : i32
      %parallel_loop3A_59 = arith.constant 32 : i32
      %parallel_loop3A_60 = arith.constant 1 : i32
      scf.for %parallel_loop3A_65 = %parallel_loop3A_58 to %parallel_loop3A_59 step %parallel_loop3A_60  : i32 {
        %parallel_loop3A_66 = arith.constant 512 : i32
        %parallel_loop3A_67 = arith.muli %add3A_52, %parallel_loop3A_66 : i32
        %parallel_loop3A_68 = arith.constant 16 : i32
        %parallel_loop3A_69 = arith.muli %parallel_loop3A_65, %parallel_loop3A_68 : i32
        %parallel_loop3A_70 = arith.addi %parallel_loop3A_67, %parallel_loop3A_69 : i32
        %parallel_loop3A_71 = arith.index_cast %parallel_loop3A_70 : i32 to index
        %parallel_loop3A_72 = tpu.vector_load %arg5[%parallel_loop3A_71] {strides = array<i32>} : memref<16512xi32, #tpu.memory_space<vmem>>, vector<16xi32>,
        %parallel_loop3A_73 = arith.constant 0 : i32
        %parallel_loop3A_74 = vector.broadcast %parallel_loop3A_73 : i32 to vector<16xi32>
        %parallel_loop3A_75 = arith.addi %parallel_loop3A_72, %parallel_loop3A_74 : vector<16xi32>
        %parallel_loop3A_76 = tpu.vector_load_idx %arg6[%parallel_loop3A_75] : memref<32768xf32, #tpu.memory_space<vmem>>[vector<16xi32>], vector<16xf32>,
        %parallel_loop3A_77 = arith.constant 16 : i32
        %parallel_loop3A_78 = arith.muli %parallel_loop3A_65, %parallel_loop3A_77 : i32
        %parallel_loop3A_79 = arith.constant 0 : i32
        %parallel_loop3A_80 = arith.index_cast %parallel_loop3A_79 : i32 to index
        %parallel_loop3A_81 = arith.index_cast %parallel_loop3A_78 : i32 to index
        %parallel_loop3A_82 = tpu.vector_load %arg8[%parallel_loop3A_80, %parallel_loop3A_81] {strides = array<i32>} : memref<32x512xf32, #tpu.memory_space<vmem>>, vector<16xf32>,
        tpu.vector_store %arg8[%parallel_loop3A_80, %parallel_loop3A_81], %parallel_loop3A_76 {strides = array<i32>} : memref<32x512xf32, #tpu.memory_space<vmem>>, vector<16xf32>,
        %parallel_loop3A_83 = arith.constant 1024 : i32
        %parallel_loop3A_84 = vector.broadcast %parallel_loop3A_83 : i32 to vector<16xi32>
        %parallel_loop3A_85 = arith.addi %parallel_loop3A_72, %parallel_loop3A_84 : vector<16xi32>
        %parallel_loop3A_86 = tpu.vector_load_idx %arg6[%parallel_loop3A_85] : memref<32768xf32, #tpu.memory_space<vmem>>[vector<16xi32>], vector<16xf32>,
        %parallel_loop3A_87 = arith.constant 16 : i32
        %parallel_loop3A_88 = arith.muli %parallel_loop3A_65, %parallel_loop3A_87 : i32
        %parallel_loop3A_89 = arith.constant 1 : i32
        %parallel_loop3A_90 = arith.index_cast %parallel_loop3A_89 : i32 to index
        %parallel_loop3A_91 = arith.index_cast %parallel_loop3A_88 : i32 to index
        %parallel_loop3A_92 = tpu.vector_load %arg8[%parallel_loop3A_90, %parallel_loop3A_91] {strides = array<i32>} : memref<32x512xf32, #tpu.memory_space<vmem>>, vector<16xf32>,
        tpu.vector_store %arg8[%parallel_loop3A_90, %parallel_loop3A_91], %parallel_loop3A_86 {strides = array<i32>} : memref<32x512xf32, #tpu.memory_space<vmem>>, vector<16xf32>,
        %parallel_loop3A_93 = arith.constant 2048 : i32
        %parallel_loop3A_94 = vector.broadcast %parallel_loop3A_93 : i32 to vector<16xi32>
        %parallel_loop3A_95 = arith.addi %parallel_loop3A_72, %parallel_loop3A_94 : vector<16xi32>
        %parallel_loop3A_96 = tpu.vector_load_idx %arg6[%parallel_loop3A_95] : memref<32768xf32, #tpu.memory_space<vmem>>[vector<16xi32>], vector<16xf32>,
        %parallel_loop3A_97 = arith.constant 16 : i32
        %parallel_loop3A_98 = arith.muli %parallel_loop3A_65, %parallel_loop3A_97 : i32
        %parallel_loop3A_99 = arith.constant 2 : i32
        %parallel_loop3A_100 = arith.index_cast %parallel_loop3A_99 : i32 to index
        %parallel_loop3A_101 = arith.index_cast %parallel_loop3A_98 : i32 to index
        %parallel_loop3A_102 = tpu.vector_load %arg8[%parallel_loop3A_100, %parallel_loop3A_101] {strides = array<i32>} : memref<32x512xf32, #tpu.memory_space<vmem>>, vector<16xf32>,
        tpu.vector_store %arg8[%parallel_loop3A_100, %parallel_loop3A_101], %parallel_loop3A_96 {strides = array<i32>} : memref<32x512xf32, #tpu.memory_space<vmem>>, vector<16xf32>,
        %parallel_loop3A_103 = arith.constant 3072 : i32
        %parallel_loop3A_104 = vector.broadcast %parallel_loop3A_103 : i32 to vector<16xi32>
        %parallel_loop3A_105 = arith.addi %parallel_loop3A_72, %parallel_loop3A_104 : vector<16xi32>
        %parallel_loop3A_106 = tpu.vector_load_idx %arg6[%parallel_loop3A_105] : memref<32768xf32, #tpu.memory_space<vmem>>[vector<16xi32>], vector<16xf32>,
        %parallel_loop3A_107 = arith.constant 16 : i32
        %parallel_loop3A_108 = arith.muli %parallel_loop3A_65, %parallel_loop3A_107 : i32
        %parallel_loop3A_109 = arith.constant 3 : i32
        %parallel_loop3A_110 = arith.index_cast %parallel_loop3A_109 : i32 to index
        %parallel_loop3A_111 = arith.index_cast %parallel_loop3A_108 : i32 to index
        %parallel_loop3A_112 = tpu.vector_load %arg8[%parallel_loop3A_110, %parallel_loop3A_111] {strides = array<i32>} : memref<32x512xf32, #tpu.memory_space<vmem>>, vector<16xf32>,
        tpu.vector_store %arg8[%parallel_loop3A_110, %parallel_loop3A_111], %parallel_loop3A_106 {strides = array<i32>} : memref<32x512xf32, #tpu.memory_space<vmem>>, vector<16xf32>,
        %parallel_loop3A_113 = arith.constant 4096 : i32
        %parallel_loop3A_114 = vector.broadcast %parallel_loop3A_113 : i32 to vector<16xi32>
        %parallel_loop3A_115 = arith.addi %parallel_loop3A_72, %parallel_loop3A_114 : vector<16xi32>
        %parallel_loop3A_116 = tpu.vector_load_idx %arg6[%parallel_loop3A_115] : memref<32768xf32, #tpu.memory_space<vmem>>[vector<16xi32>], vector<16xf32>,
        %parallel_loop3A_117 = arith.constant 16 : i32
        %parallel_loop3A_118 = arith.muli %parallel_loop3A_65, %parallel_loop3A_117 : i32
        %parallel_loop3A_119 = arith.constant 4 : i32
        %parallel_loop3A_120 = arith.index_cast %parallel_loop3A_119 : i32 to index
        %parallel_loop3A_121 = arith.index_cast %parallel_loop3A_118 : i32 to index
        %parallel_loop3A_122 = tpu.vector_load %arg8[%parallel_loop3A_120, %parallel_loop3A_121] {strides = array<i32>} : memref<32x512xf32, #tpu.memory_space<vmem>>, vector<16xf32>,
        tpu.vector_store %arg8[%parallel_loop3A_120, %parallel_loop3A_121], %parallel_loop3A_116 {strides = array<i32>} : memref<32x512xf32, #tpu.memory_space<vmem>>, vector<16xf32>,
        %parallel_loop3A_123 = arith.constant 5120 : i32
        %parallel_loop3A_124 = vector.broadcast %parallel_loop3A_123 : i32 to vector<16xi32>
        %parallel_loop3A_125 = arith.addi %parallel_loop3A_72, %parallel_loop3A_124 : vector<16xi32>
        %parallel_loop3A_126 = tpu.vector_load_idx %arg6[%parallel_loop3A_125] : memref<32768xf32, #tpu.memory_space<vmem>>[vector<16xi32>], vector<16xf32>,
        %parallel_loop3A_127 = arith.constant 16 : i32
        %parallel_loop3A_128 = arith.muli %parallel_loop3A_65, %parallel_loop3A_127 : i32
        %parallel_loop3A_129 = arith.constant 5 : i32
        %parallel_loop3A_130 = arith.index_cast %parallel_loop3A_129 : i32 to index
        %parallel_loop3A_131 = arith.index_cast %parallel_loop3A_128 : i32 to index
        %parallel_loop3A_132 = tpu.vector_load %arg8[%parallel_loop3A_130, %parallel_loop3A_131] {strides = array<i32>} : memref<32x512xf32, #tpu.memory_space<vmem>>, vector<16xf32>,
        tpu.vector_store %arg8[%parallel_loop3A_130, %parallel_loop3A_131], %parallel_loop3A_126 {strides = array<i32>} : memref<32x512xf32, #tpu.memory_space<vmem>>, vector<16xf32>,
        %parallel_loop3A_133 = arith.constant 6144 : i32
        %parallel_loop3A_134 = vector.broadcast %parallel_loop3A_133 : i32 to vector<16xi32>
        %parallel_loop3A_135 = arith.addi %parallel_loop3A_72, %parallel_loop3A_134 : vector<16xi32>
        %parallel_loop3A_136 = tpu.vector_load_idx %arg6[%parallel_loop3A_135] : memref<32768xf32, #tpu.memory_space<vmem>>[vector<16xi32>], vector<16xf32>,
        %parallel_loop3A_137 = arith.constant 16 : i32
        %parallel_loop3A_138 = arith.muli %parallel_loop3A_65, %parallel_loop3A_137 : i32
        %parallel_loop3A_139 = arith.constant 6 : i32
        %parallel_loop3A_140 = arith.index_cast %parallel_loop3A_139 : i32 to index
        %parallel_loop3A_141 = arith.index_cast %parallel_loop3A_138 : i32 to index
        %parallel_loop3A_142 = tpu.vector_load %arg8[%parallel_loop3A_140, %parallel_loop3A_141] {strides = array<i32>} : memref<32x512xf32, #tpu.memory_space<vmem>>, vector<16xf32>,
        tpu.vector_store %arg8[%parallel_loop3A_140, %parallel_loop3A_141], %parallel_loop3A_136 {strides = array<i32>} : memref<32x512xf32, #tpu.memory_space<vmem>>, vector<16xf32>,
        %parallel_loop3A_143 = arith.constant 7168 : i32
        %parallel_loop3A_144 = vector.broadcast %parallel_loop3A_143 : i32 to vector<16xi32>
        %parallel_loop3A_145 = arith.addi %parallel_loop3A_72, %parallel_loop3A_144 : vector<16xi32>
        %parallel_loop3A_146 = tpu.vector_load_idx %arg6[%parallel_loop3A_145] : memref<32768xf32, #tpu.memory_space<vmem>>[vector<16xi32>], vector<16xf32>,
        %parallel_loop3A_147 = arith.constant 16 : i32
        %parallel_loop3A_148 = arith.muli %parallel_loop3A_65, %parallel_loop3A_147 : i32
        %parallel_loop3A_149 = arith.constant 7 : i32
        %parallel_loop3A_150 = arith.index_cast %parallel_loop3A_149 : i32 to index
        %parallel_loop3A_151 = arith.index_cast %parallel_loop3A_148 : i32 to index
        %parallel_loop3A_152 = tpu.vector_load %arg8[%parallel_loop3A_150, %parallel_loop3A_151] {strides = array<i32>} : memref<32x512xf32, #tpu.memory_space<vmem>>, vector<16xf32>,
        tpu.vector_store %arg8[%parallel_loop3A_150, %parallel_loop3A_151], %parallel_loop3A_146 {strides = array<i32>} : memref<32x512xf32, #tpu.memory_space<vmem>>, vector<16xf32>,
        %parallel_loop3A_153 = arith.constant 8192 : i32
        %parallel_loop3A_154 = vector.broadcast %parallel_loop3A_153 : i32 to vector<16xi32>
        %parallel_loop3A_155 = arith.addi %parallel_loop3A_72, %parallel_loop3A_154 : vector<16xi32>
        %parallel_loop3A_156 = tpu.vector_load_idx %arg6[%parallel_loop3A_155] : memref<32768xf32, #tpu.memory_space<vmem>>[vector<16xi32>], vector<16xf32>,
        %parallel_loop3A_157 = arith.constant 16 : i32
        %parallel_loop3A_158 = arith.muli %parallel_loop3A_65, %parallel_loop3A_157 : i32
        %parallel_loop3A_159 = arith.constant 8 : i32
        %parallel_loop3A_160 = arith.index_cast %parallel_loop3A_159 : i32 to index
        %parallel_loop3A_161 = arith.index_cast %parallel_loop3A_158 : i32 to index
        %parallel_loop3A_162 = tpu.vector_load %arg8[%parallel_loop3A_160, %parallel_loop3A_161] {strides = array<i32>} : memref<32x512xf32, #tpu.memory_space<vmem>>, vector<16xf32>,
        tpu.vector_store %arg8[%parallel_loop3A_160, %parallel_loop3A_161], %parallel_loop3A_156 {strides = array<i32>} : memref<32x512xf32, #tpu.memory_space<vmem>>, vector<16xf32>,
        %parallel_loop3A_163 = arith.constant 9216 : i32
        %parallel_loop3A_164 = vector.broadcast %parallel_loop3A_163 : i32 to vector<16xi32>
        %parallel_loop3A_165 = arith.addi %parallel_loop3A_72, %parallel_loop3A_164 : vector<16xi32>
        %parallel_loop3A_166 = tpu.vector_load_idx %arg6[%parallel_loop3A_165] : memref<32768xf32, #tpu.memory_space<vmem>>[vector<16xi32>], vector<16xf32>,
        %parallel_loop3A_167 = arith.constant 16 : i32
        %parallel_loop3A_168 = arith.muli %parallel_loop3A_65, %parallel_loop3A_167 : i32
        %parallel_loop3A_169 = arith.constant 9 : i32
        %parallel_loop3A_170 = arith.index_cast %parallel_loop3A_169 : i32 to index
        %parallel_loop3A_171 = arith.index_cast %parallel_loop3A_168 : i32 to index
        %parallel_loop3A_172 = tpu.vector_load %arg8[%parallel_loop3A_170, %parallel_loop3A_171] {strides = array<i32>} : memref<32x512xf32, #tpu.memory_space<vmem>>, vector<16xf32>,
        tpu.vector_store %arg8[%parallel_loop3A_170, %parallel_loop3A_171], %parallel_loop3A_166 {strides = array<i32>} : memref<32x512xf32, #tpu.memory_space<vmem>>, vector<16xf32>,
        %parallel_loop3A_173 = arith.constant 10240 : i32
        %parallel_loop3A_174 = vector.broadcast %parallel_loop3A_173 : i32 to vector<16xi32>
        %parallel_loop3A_175 = arith.addi %parallel_loop3A_72, %parallel_loop3A_174 : vector<16xi32>
        %parallel_loop3A_176 = tpu.vector_load_idx %arg6[%parallel_loop3A_175] : memref<32768xf32, #tpu.memory_space<vmem>>[vector<16xi32>], vector<16xf32>,
        %parallel_loop3A_177 = arith.constant 16 : i32
        %parallel_loop3A_178 = arith.muli %parallel_loop3A_65, %parallel_loop3A_177 : i32
        %parallel_loop3A_179 = arith.constant 10 : i32
        %parallel_loop3A_180 = arith.index_cast %parallel_loop3A_179 : i32 to index
        %parallel_loop3A_181 = arith.index_cast %parallel_loop3A_178 : i32 to index
        %parallel_loop3A_182 = tpu.vector_load %arg8[%parallel_loop3A_180, %parallel_loop3A_181] {strides = array<i32>} : memref<32x512xf32, #tpu.memory_space<vmem>>, vector<16xf32>,
        tpu.vector_store %arg8[%parallel_loop3A_180, %parallel_loop3A_181], %parallel_loop3A_176 {strides = array<i32>} : memref<32x512xf32, #tpu.memory_space<vmem>>, vector<16xf32>,
        %parallel_loop3A_183 = arith.constant 11264 : i32
        %parallel_loop3A_184 = vector.broadcast %parallel_loop3A_183 : i32 to vector<16xi32>
        %parallel_loop3A_185 = arith.addi %parallel_loop3A_72, %parallel_loop3A_184 : vector<16xi32>
        %parallel_loop3A_186 = tpu.vector_load_idx %arg6[%parallel_loop3A_185] : memref<32768xf32, #tpu.memory_space<vmem>>[vector<16xi32>], vector<16xf32>,
        %parallel_loop3A_187 = arith.constant 16 : i32
        %parallel_loop3A_188 = arith.muli %parallel_loop3A_65, %parallel_loop3A_187 : i32
        %parallel_loop3A_189 = arith.constant 11 : i32
        %parallel_loop3A_190 = arith.index_cast %parallel_loop3A_189 : i32 to index
        %parallel_loop3A_191 = arith.index_cast %parallel_loop3A_188 : i32 to index
        %parallel_loop3A_192 = tpu.vector_load %arg8[%parallel_loop3A_190, %parallel_loop3A_191] {strides = array<i32>} : memref<32x512xf32, #tpu.memory_space<vmem>>, vector<16xf32>,
        tpu.vector_store %arg8[%parallel_loop3A_190, %parallel_loop3A_191], %parallel_loop3A_186 {strides = array<i32>} : memref<32x512xf32, #tpu.memory_space<vmem>>, vector<16xf32>,
        %parallel_loop3A_193 = arith.constant 12288 : i32
        %parallel_loop3A_194 = vector.broadcast %parallel_loop3A_193 : i32 to vector<16xi32>
        %parallel_loop3A_195 = arith.addi %parallel_loop3A_72, %parallel_loop3A_194 : vector<16xi32>
        %parallel_loop3A_196 = tpu.vector_load_idx %arg6[%parallel_loop3A_195] : memref<32768xf32, #tpu.memory_space<vmem>>[vector<16xi32>], vector<16xf32>,
        %parallel_loop3A_197 = arith.constant 16 : i32
        %parallel_loop3A_198 = arith.muli %parallel_loop3A_65, %parallel_loop3A_197 : i32
        %parallel_loop3A_199 = arith.constant 12 : i32
        %parallel_loop3A_200 = arith.index_cast %parallel_loop3A_199 : i32 to index
        %parallel_loop3A_201 = arith.index_cast %parallel_loop3A_198 : i32 to index
        %parallel_loop3A_202 = tpu.vector_load %arg8[%parallel_loop3A_200, %parallel_loop3A_201] {strides = array<i32>} : memref<32x512xf32, #tpu.memory_space<vmem>>, vector<16xf32>,
        tpu.vector_store %arg8[%parallel_loop3A_200, %parallel_loop3A_201], %parallel_loop3A_196 {strides = array<i32>} : memref<32x512xf32, #tpu.memory_space<vmem>>, vector<16xf32>,
        %parallel_loop3A_203 = arith.constant 13312 : i32
        %parallel_loop3A_204 = vector.broadcast %parallel_loop3A_203 : i32 to vector<16xi32>
        %parallel_loop3A_205 = arith.addi %parallel_loop3A_72, %parallel_loop3A_204 : vector<16xi32>
        %parallel_loop3A_206 = tpu.vector_load_idx %arg6[%parallel_loop3A_205] : memref<32768xf32, #tpu.memory_space<vmem>>[vector<16xi32>], vector<16xf32>,
        %parallel_loop3A_207 = arith.constant 16 : i32
        %parallel_loop3A_208 = arith.muli %parallel_loop3A_65, %parallel_loop3A_207 : i32
        %parallel_loop3A_209 = arith.constant 13 : i32
        %parallel_loop3A_210 = arith.index_cast %parallel_loop3A_209 : i32 to index
        %parallel_loop3A_211 = arith.index_cast %parallel_loop3A_208 : i32 to index
        %parallel_loop3A_212 = tpu.vector_load %arg8[%parallel_loop3A_210, %parallel_loop3A_211] {strides = array<i32>} : memref<32x512xf32, #tpu.memory_space<vmem>>, vector<16xf32>,
        tpu.vector_store %arg8[%parallel_loop3A_210, %parallel_loop3A_211], %parallel_loop3A_206 {strides = array<i32>} : memref<32x512xf32, #tpu.memory_space<vmem>>, vector<16xf32>,
        %parallel_loop3A_213 = arith.constant 14336 : i32
        %parallel_loop3A_214 = vector.broadcast %parallel_loop3A_213 : i32 to vector<16xi32>
        %parallel_loop3A_215 = arith.addi %parallel_loop3A_72, %parallel_loop3A_214 : vector<16xi32>
        %parallel_loop3A_216 = tpu.vector_load_idx %arg6[%parallel_loop3A_215] : memref<32768xf32, #tpu.memory_space<vmem>>[vector<16xi32>], vector<16xf32>,
        %parallel_loop3A_217 = arith.constant 16 : i32
        %parallel_loop3A_218 = arith.muli %parallel_loop3A_65, %parallel_loop3A_217 : i32
        %parallel_loop3A_219 = arith.constant 14 : i32
        %parallel_loop3A_220 = arith.index_cast %parallel_loop3A_219 : i32 to index
        %parallel_loop3A_221 = arith.index_cast %parallel_loop3A_218 : i32 to index
        %parallel_loop3A_222 = tpu.vector_load %arg8[%parallel_loop3A_220, %parallel_loop3A_221] {strides = array<i32>} : memref<32x512xf32, #tpu.memory_space<vmem>>, vector<16xf32>,
        tpu.vector_store %arg8[%parallel_loop3A_220, %parallel_loop3A_221], %parallel_loop3A_216 {strides = array<i32>} : memref<32x512xf32, #tpu.memory_space<vmem>>, vector<16xf32>,
        %parallel_loop3A_223 = arith.constant 15360 : i32
        %parallel_loop3A_224 = vector.broadcast %parallel_loop3A_223 : i32 to vector<16xi32>
        %parallel_loop3A_225 = arith.addi %parallel_loop3A_72, %parallel_loop3A_224 : vector<16xi32>
        %parallel_loop3A_226 = tpu.vector_load_idx %arg6[%parallel_loop3A_225] : memref<32768xf32, #tpu.memory_space<vmem>>[vector<16xi32>], vector<16xf32>,
        %parallel_loop3A_227 = arith.constant 16 : i32
        %parallel_loop3A_228 = arith.muli %parallel_loop3A_65, %parallel_loop3A_227 : i32
        %parallel_loop3A_229 = arith.constant 15 : i32
        %parallel_loop3A_230 = arith.index_cast %parallel_loop3A_229 : i32 to index
        %parallel_loop3A_231 = arith.index_cast %parallel_loop3A_228 : i32 to index
        %parallel_loop3A_232 = tpu.vector_load %arg8[%parallel_loop3A_230, %parallel_loop3A_231] {strides = array<i32>} : memref<32x512xf32, #tpu.memory_space<vmem>>, vector<16xf32>,
        tpu.vector_store %arg8[%parallel_loop3A_230, %parallel_loop3A_231], %parallel_loop3A_226 {strides = array<i32>} : memref<32x512xf32, #tpu.memory_space<vmem>>, vector<16xf32>,
        %parallel_loop3A_233 = arith.constant 16384 : i32
        %parallel_loop3A_234 = vector.broadcast %parallel_loop3A_233 : i32 to vector<16xi32>
        %parallel_loop3A_235 = arith.addi %parallel_loop3A_72, %parallel_loop3A_234 : vector<16xi32>
        %parallel_loop3A_236 = tpu.vector_load_idx %arg6[%parallel_loop3A_235] : memref<32768xf32, #tpu.memory_space<vmem>>[vector<16xi32>], vector<16xf32>,
        %parallel_loop3A_237 = arith.constant 16 : i32
        %parallel_loop3A_238 = arith.muli %parallel_loop3A_65, %parallel_loop3A_237 : i32
        %parallel_loop3A_239 = arith.constant 16 : i32
        %parallel_loop3A_240 = arith.index_cast %parallel_loop3A_239 : i32 to index
        %parallel_loop3A_241 = arith.index_cast %parallel_loop3A_238 : i32 to index
        %parallel_loop3A_242 = tpu.vector_load %arg8[%parallel_loop3A_240, %parallel_loop3A_241] {strides = array<i32>} : memref<32x512xf32, #tpu.memory_space<vmem>>, vector<16xf32>,
        tpu.vector_store %arg8[%parallel_loop3A_240, %parallel_loop3A_241], %parallel_loop3A_236 {strides = array<i32>} : memref<32x512xf32, #tpu.memory_space<vmem>>, vector<16xf32>,
        %parallel_loop3A_243 = arith.constant 17408 : i32
        %parallel_loop3A_244 = vector.broadcast %parallel_loop3A_243 : i32 to vector<16xi32>
        %parallel_loop3A_245 = arith.addi %parallel_loop3A_72, %parallel_loop3A_244 : vector<16xi32>
        %parallel_loop3A_246 = tpu.vector_load_idx %arg6[%parallel_loop3A_245] : memref<32768xf32, #tpu.memory_space<vmem>>[vector<16xi32>], vector<16xf32>,
        %parallel_loop3A_247 = arith.constant 16 : i32
        %parallel_loop3A_248 = arith.muli %parallel_loop3A_65, %parallel_loop3A_247 : i32
        %parallel_loop3A_249 = arith.constant 17 : i32
        %parallel_loop3A_250 = arith.index_cast %parallel_loop3A_249 : i32 to index
        %parallel_loop3A_251 = arith.index_cast %parallel_loop3A_248 : i32 to index
        %parallel_loop3A_252 = tpu.vector_load %arg8[%parallel_loop3A_250, %parallel_loop3A_251] {strides = array<i32>} : memref<32x512xf32, #tpu.memory_space<vmem>>, vector<16xf32>,
        tpu.vector_store %arg8[%parallel_loop3A_250, %parallel_loop3A_251], %parallel_loop3A_246 {strides = array<i32>} : memref<32x512xf32, #tpu.memory_space<vmem>>, vector<16xf32>,
        %parallel_loop3A_253 = arith.constant 18432 : i32
        %parallel_loop3A_254 = vector.broadcast %parallel_loop3A_253 : i32 to vector<16xi32>
        %parallel_loop3A_255 = arith.addi %parallel_loop3A_72, %parallel_loop3A_254 : vector<16xi32>
        %parallel_loop3A_256 = tpu.vector_load_idx %arg6[%parallel_loop3A_255] : memref<32768xf32, #tpu.memory_space<vmem>>[vector<16xi32>], vector<16xf32>,
        %parallel_loop3A_257 = arith.constant 16 : i32
        %parallel_loop3A_258 = arith.muli %parallel_loop3A_65, %parallel_loop3A_257 : i32
        %parallel_loop3A_259 = arith.constant 18 : i32
        %parallel_loop3A_260 = arith.index_cast %parallel_loop3A_259 : i32 to index
        %parallel_loop3A_261 = arith.index_cast %parallel_loop3A_258 : i32 to index
        %parallel_loop3A_262 = tpu.vector_load %arg8[%parallel_loop3A_260, %parallel_loop3A_261] {strides = array<i32>} : memref<32x512xf32, #tpu.memory_space<vmem>>, vector<16xf32>,
        tpu.vector_store %arg8[%parallel_loop3A_260, %parallel_loop3A_261], %parallel_loop3A_256 {strides = array<i32>} : memref<32x512xf32, #tpu.memory_space<vmem>>, vector<16xf32>,
        %parallel_loop3A_263 = arith.constant 19456 : i32
        %parallel_loop3A_264 = vector.broadcast %parallel_loop3A_263 : i32 to vector<16xi32>
        %parallel_loop3A_265 = arith.addi %parallel_loop3A_72, %parallel_loop3A_264 : vector<16xi32>
        %parallel_loop3A_266 = tpu.vector_load_idx %arg6[%parallel_loop3A_265] : memref<32768xf32, #tpu.memory_space<vmem>>[vector<16xi32>], vector<16xf32>,
        %parallel_loop3A_267 = arith.constant 16 : i32
        %parallel_loop3A_268 = arith.muli %parallel_loop3A_65, %parallel_loop3A_267 : i32
        %parallel_loop3A_269 = arith.constant 19 : i32
        %parallel_loop3A_270 = arith.index_cast %parallel_loop3A_269 : i32 to index
        %parallel_loop3A_271 = arith.index_cast %parallel_loop3A_268 : i32 to index
        %parallel_loop3A_272 = tpu.vector_load %arg8[%parallel_loop3A_270, %parallel_loop3A_271] {strides = array<i32>} : memref<32x512xf32, #tpu.memory_space<vmem>>, vector<16xf32>,
        tpu.vector_store %arg8[%parallel_loop3A_270, %parallel_loop3A_271], %parallel_loop3A_266 {strides = array<i32>} : memref<32x512xf32, #tpu.memory_space<vmem>>, vector<16xf32>,
        %parallel_loop3A_273 = arith.constant 20480 : i32
        %parallel_loop3A_274 = vector.broadcast %parallel_loop3A_273 : i32 to vector<16xi32>
        %parallel_loop3A_275 = arith.addi %parallel_loop3A_72, %parallel_loop3A_274 : vector<16xi32>
        %parallel_loop3A_276 = tpu.vector_load_idx %arg6[%parallel_loop3A_275] : memref<32768xf32, #tpu.memory_space<vmem>>[vector<16xi32>], vector<16xf32>,
        %parallel_loop3A_277 = arith.constant 16 : i32
        %parallel_loop3A_278 = arith.muli %parallel_loop3A_65, %parallel_loop3A_277 : i32
        %parallel_loop3A_279 = arith.constant 20 : i32
        %parallel_loop3A_280 = arith.index_cast %parallel_loop3A_279 : i32 to index
        %parallel_loop3A_281 = arith.index_cast %parallel_loop3A_278 : i32 to index
        %parallel_loop3A_282 = tpu.vector_load %arg8[%parallel_loop3A_280, %parallel_loop3A_281] {strides = array<i32>} : memref<32x512xf32, #tpu.memory_space<vmem>>, vector<16xf32>,
        tpu.vector_store %arg8[%parallel_loop3A_280, %parallel_loop3A_281], %parallel_loop3A_276 {strides = array<i32>} : memref<32x512xf32, #tpu.memory_space<vmem>>, vector<16xf32>,
        %parallel_loop3A_283 = arith.constant 21504 : i32
        %parallel_loop3A_284 = vector.broadcast %parallel_loop3A_283 : i32 to vector<16xi32>
        %parallel_loop3A_285 = arith.addi %parallel_loop3A_72, %parallel_loop3A_284 : vector<16xi32>
        %parallel_loop3A_286 = tpu.vector_load_idx %arg6[%parallel_loop3A_285] : memref<32768xf32, #tpu.memory_space<vmem>>[vector<16xi32>], vector<16xf32>,
        %parallel_loop3A_287 = arith.constant 16 : i32
        %parallel_loop3A_288 = arith.muli %parallel_loop3A_65, %parallel_loop3A_287 : i32
        %parallel_loop3A_289 = arith.constant 21 : i32
        %parallel_loop3A_290 = arith.index_cast %parallel_loop3A_289 : i32 to index
        %parallel_loop3A_291 = arith.index_cast %parallel_loop3A_288 : i32 to index
        %parallel_loop3A_292 = tpu.vector_load %arg8[%parallel_loop3A_290, %parallel_loop3A_291] {strides = array<i32>} : memref<32x512xf32, #tpu.memory_space<vmem>>, vector<16xf32>,
        tpu.vector_store %arg8[%parallel_loop3A_290, %parallel_loop3A_291], %parallel_loop3A_286 {strides = array<i32>} : memref<32x512xf32, #tpu.memory_space<vmem>>, vector<16xf32>,
        %parallel_loop3A_293 = arith.constant 22528 : i32
        %parallel_loop3A_294 = vector.broadcast %parallel_loop3A_293 : i32 to vector<16xi32>
        %parallel_loop3A_295 = arith.addi %parallel_loop3A_72, %parallel_loop3A_294 : vector<16xi32>
        %parallel_loop3A_296 = tpu.vector_load_idx %arg6[%parallel_loop3A_295] : memref<32768xf32, #tpu.memory_space<vmem>>[vector<16xi32>], vector<16xf32>,
        %parallel_loop3A_297 = arith.constant 16 : i32
        %parallel_loop3A_298 = arith.muli %parallel_loop3A_65, %parallel_loop3A_297 : i32
        %parallel_loop3A_299 = arith.constant 22 : i32
        %parallel_loop3A_300 = arith.index_cast %parallel_loop3A_299 : i32 to index
        %parallel_loop3A_301 = arith.index_cast %parallel_loop3A_298 : i32 to index
        %parallel_loop3A_302 = tpu.vector_load %arg8[%parallel_loop3A_300, %parallel_loop3A_301] {strides = array<i32>} : memref<32x512xf32, #tpu.memory_space<vmem>>, vector<16xf32>,
        tpu.vector_store %arg8[%parallel_loop3A_300, %parallel_loop3A_301], %parallel_loop3A_296 {strides = array<i32>} : memref<32x512xf32, #tpu.memory_space<vmem>>, vector<16xf32>,
        %parallel_loop3A_303 = arith.constant 23552 : i32
        %parallel_loop3A_304 = vector.broadcast %parallel_loop3A_303 : i32 to vector<16xi32>
        %parallel_loop3A_305 = arith.addi %parallel_loop3A_72, %parallel_loop3A_304 : vector<16xi32>
        %parallel_loop3A_306 = tpu.vector_load_idx %arg6[%parallel_loop3A_305] : memref<32768xf32, #tpu.memory_space<vmem>>[vector<16xi32>], vector<16xf32>,
        %parallel_loop3A_307 = arith.constant 16 : i32
        %parallel_loop3A_308 = arith.muli %parallel_loop3A_65, %parallel_loop3A_307 : i32
        %parallel_loop3A_309 = arith.constant 23 : i32
        %parallel_loop3A_310 = arith.index_cast %parallel_loop3A_309 : i32 to index
        %parallel_loop3A_311 = arith.index_cast %parallel_loop3A_308 : i32 to index
        %parallel_loop3A_312 = tpu.vector_load %arg8[%parallel_loop3A_310, %parallel_loop3A_311] {strides = array<i32>} : memref<32x512xf32, #tpu.memory_space<vmem>>, vector<16xf32>,
        tpu.vector_store %arg8[%parallel_loop3A_310, %parallel_loop3A_311], %parallel_loop3A_306 {strides = array<i32>} : memref<32x512xf32, #tpu.memory_space<vmem>>, vector<16xf32>,
        %parallel_loop3A_313 = arith.constant 24576 : i32
        %parallel_loop3A_314 = vector.broadcast %parallel_loop3A_313 : i32 to vector<16xi32>
        %parallel_loop3A_315 = arith.addi %parallel_loop3A_72, %parallel_loop3A_314 : vector<16xi32>
        %parallel_loop3A_316 = tpu.vector_load_idx %arg6[%parallel_loop3A_315] : memref<32768xf32, #tpu.memory_space<vmem>>[vector<16xi32>], vector<16xf32>,
        %parallel_loop3A_317 = arith.constant 16 : i32
        %parallel_loop3A_318 = arith.muli %parallel_loop3A_65, %parallel_loop3A_317 : i32
        %parallel_loop3A_319 = arith.constant 24 : i32
        %parallel_loop3A_320 = arith.index_cast %parallel_loop3A_319 : i32 to index
        %parallel_loop3A_321 = arith.index_cast %parallel_loop3A_318 : i32 to index
        %parallel_loop3A_322 = tpu.vector_load %arg8[%parallel_loop3A_320, %parallel_loop3A_321] {strides = array<i32>} : memref<32x512xf32, #tpu.memory_space<vmem>>, vector<16xf32>,
        tpu.vector_store %arg8[%parallel_loop3A_320, %parallel_loop3A_321], %parallel_loop3A_316 {strides = array<i32>} : memref<32x512xf32, #tpu.memory_space<vmem>>, vector<16xf32>,
        %parallel_loop3A_323 = arith.constant 25600 : i32
        %parallel_loop3A_324 = vector.broadcast %parallel_loop3A_323 : i32 to vector<16xi32>
        %parallel_loop3A_325 = arith.addi %parallel_loop3A_72, %parallel_loop3A_324 : vector<16xi32>
        %parallel_loop3A_326 = tpu.vector_load_idx %arg6[%parallel_loop3A_325] : memref<32768xf32, #tpu.memory_space<vmem>>[vector<16xi32>], vector<16xf32>,
        %parallel_loop3A_327 = arith.constant 16 : i32
        %parallel_loop3A_328 = arith.muli %parallel_loop3A_65, %parallel_loop3A_327 : i32
        %parallel_loop3A_329 = arith.constant 25 : i32
        %parallel_loop3A_330 = arith.index_cast %parallel_loop3A_329 : i32 to index
        %parallel_loop3A_331 = arith.index_cast %parallel_loop3A_328 : i32 to index
        %parallel_loop3A_332 = tpu.vector_load %arg8[%parallel_loop3A_330, %parallel_loop3A_331] {strides = array<i32>} : memref<32x512xf32, #tpu.memory_space<vmem>>, vector<16xf32>,
        tpu.vector_store %arg8[%parallel_loop3A_330, %parallel_loop3A_331], %parallel_loop3A_326 {strides = array<i32>} : memref<32x512xf32, #tpu.memory_space<vmem>>, vector<16xf32>,
        %parallel_loop3A_333 = arith.constant 26624 : i32
        %parallel_loop3A_334 = vector.broadcast %parallel_loop3A_333 : i32 to vector<16xi32>
        %parallel_loop3A_335 = arith.addi %parallel_loop3A_72, %parallel_loop3A_334 : vector<16xi32>
        %parallel_loop3A_336 = tpu.vector_load_idx %arg6[%parallel_loop3A_335] : memref<32768xf32, #tpu.memory_space<vmem>>[vector<16xi32>], vector<16xf32>,
        %parallel_loop3A_337 = arith.constant 16 : i32
        %parallel_loop3A_338 = arith.muli %parallel_loop3A_65, %parallel_loop3A_337 : i32
        %parallel_loop3A_339 = arith.constant 26 : i32
        %parallel_loop3A_340 = arith.index_cast %parallel_loop3A_339 : i32 to index
        %parallel_loop3A_341 = arith.index_cast %parallel_loop3A_338 : i32 to index
        %parallel_loop3A_342 = tpu.vector_load %arg8[%parallel_loop3A_340, %parallel_loop3A_341] {strides = array<i32>} : memref<32x512xf32, #tpu.memory_space<vmem>>, vector<16xf32>,
        tpu.vector_store %arg8[%parallel_loop3A_340, %parallel_loop3A_341], %parallel_loop3A_336 {strides = array<i32>} : memref<32x512xf32, #tpu.memory_space<vmem>>, vector<16xf32>,
        %parallel_loop3A_343 = arith.constant 27648 : i32
        %parallel_loop3A_344 = vector.broadcast %parallel_loop3A_343 : i32 to vector<16xi32>
        %parallel_loop3A_345 = arith.addi %parallel_loop3A_72, %parallel_loop3A_344 : vector<16xi32>
        %parallel_loop3A_346 = tpu.vector_load_idx %arg6[%parallel_loop3A_345] : memref<32768xf32, #tpu.memory_space<vmem>>[vector<16xi32>], vector<16xf32>,
        %parallel_loop3A_347 = arith.constant 16 : i32
        %parallel_loop3A_348 = arith.muli %parallel_loop3A_65, %parallel_loop3A_347 : i32
        %parallel_loop3A_349 = arith.constant 27 : i32
        %parallel_loop3A_350 = arith.index_cast %parallel_loop3A_349 : i32 to index
        %parallel_loop3A_351 = arith.index_cast %parallel_loop3A_348 : i32 to index
        %parallel_loop3A_352 = tpu.vector_load %arg8[%parallel_loop3A_350, %parallel_loop3A_351] {strides = array<i32>} : memref<32x512xf32, #tpu.memory_space<vmem>>, vector<16xf32>,
        tpu.vector_store %arg8[%parallel_loop3A_350, %parallel_loop3A_351], %parallel_loop3A_346 {strides = array<i32>} : memref<32x512xf32, #tpu.memory_space<vmem>>, vector<16xf32>,
        %parallel_loop3A_353 = arith.constant 28672 : i32
        %parallel_loop3A_354 = vector.broadcast %parallel_loop3A_353 : i32 to vector<16xi32>
        %parallel_loop3A_355 = arith.addi %parallel_loop3A_72, %parallel_loop3A_354 : vector<16xi32>
        %parallel_loop3A_356 = tpu.vector_load_idx %arg6[%parallel_loop3A_355] : memref<32768xf32, #tpu.memory_space<vmem>>[vector<16xi32>], vector<16xf32>,
        %parallel_loop3A_357 = arith.constant 16 : i32
        %parallel_loop3A_358 = arith.muli %parallel_loop3A_65, %parallel_loop3A_357 : i32
        %parallel_loop3A_359 = arith.constant 28 : i32
        %parallel_loop3A_360 = arith.index_cast %parallel_loop3A_359 : i32 to index
        %parallel_loop3A_361 = arith.index_cast %parallel_loop3A_358 : i32 to index
        %parallel_loop3A_362 = tpu.vector_load %arg8[%parallel_loop3A_360, %parallel_loop3A_361] {strides = array<i32>} : memref<32x512xf32, #tpu.memory_space<vmem>>, vector<16xf32>,
        tpu.vector_store %arg8[%parallel_loop3A_360, %parallel_loop3A_361], %parallel_loop3A_356 {strides = array<i32>} : memref<32x512xf32, #tpu.memory_space<vmem>>, vector<16xf32>,
        %parallel_loop3A_363 = arith.constant 29696 : i32
        %parallel_loop3A_364 = vector.broadcast %parallel_loop3A_363 : i32 to vector<16xi32>
        %parallel_loop3A_365 = arith.addi %parallel_loop3A_72, %parallel_loop3A_364 : vector<16xi32>
        %parallel_loop3A_366 = tpu.vector_load_idx %arg6[%parallel_loop3A_365] : memref<32768xf32, #tpu.memory_space<vmem>>[vector<16xi32>], vector<16xf32>,
        %parallel_loop3A_367 = arith.constant 16 : i32
        %parallel_loop3A_368 = arith.muli %parallel_loop3A_65, %parallel_loop3A_367 : i32
        %parallel_loop3A_369 = arith.constant 29 : i32
        %parallel_loop3A_370 = arith.index_cast %parallel_loop3A_369 : i32 to index
        %parallel_loop3A_371 = arith.index_cast %parallel_loop3A_368 : i32 to index
        %parallel_loop3A_372 = tpu.vector_load %arg8[%parallel_loop3A_370, %parallel_loop3A_371] {strides = array<i32>} : memref<32x512xf32, #tpu.memory_space<vmem>>, vector<16xf32>,
        tpu.vector_store %arg8[%parallel_loop3A_370, %parallel_loop3A_371], %parallel_loop3A_366 {strides = array<i32>} : memref<32x512xf32, #tpu.memory_space<vmem>>, vector<16xf32>,
        %parallel_loop3A_373 = arith.constant 30720 : i32
        %parallel_loop3A_374 = vector.broadcast %parallel_loop3A_373 : i32 to vector<16xi32>
        %parallel_loop3A_375 = arith.addi %parallel_loop3A_72, %parallel_loop3A_374 : vector<16xi32>
        %parallel_loop3A_376 = tpu.vector_load_idx %arg6[%parallel_loop3A_375] : memref<32768xf32, #tpu.memory_space<vmem>>[vector<16xi32>], vector<16xf32>,
        %parallel_loop3A_377 = arith.constant 16 : i32
        %parallel_loop3A_378 = arith.muli %parallel_loop3A_65, %parallel_loop3A_377 : i32
        %parallel_loop3A_379 = arith.constant 30 : i32
        %parallel_loop3A_380 = arith.index_cast %parallel_loop3A_379 : i32 to index
        %parallel_loop3A_381 = arith.index_cast %parallel_loop3A_378 : i32 to index
        %parallel_loop3A_382 = tpu.vector_load %arg8[%parallel_loop3A_380, %parallel_loop3A_381] {strides = array<i32>} : memref<32x512xf32, #tpu.memory_space<vmem>>, vector<16xf32>,
        tpu.vector_store %arg8[%parallel_loop3A_380, %parallel_loop3A_381], %parallel_loop3A_376 {strides = array<i32>} : memref<32x512xf32, #tpu.memory_space<vmem>>, vector<16xf32>,
        %parallel_loop3A_383 = arith.constant 31744 : i32
        %parallel_loop3A_384 = vector.broadcast %parallel_loop3A_383 : i32 to vector<16xi32>
        %parallel_loop3A_385 = arith.addi %parallel_loop3A_72, %parallel_loop3A_384 : vector<16xi32>
        %parallel_loop3A_386 = tpu.vector_load_idx %arg6[%parallel_loop3A_385] : memref<32768xf32, #tpu.memory_space<vmem>>[vector<16xi32>], vector<16xf32>,
        %parallel_loop3A_387 = arith.constant 16 : i32
        %parallel_loop3A_388 = arith.muli %parallel_loop3A_65, %parallel_loop3A_387 : i32
        %parallel_loop3A_389 = arith.constant 31 : i32
        %parallel_loop3A_390 = arith.index_cast %parallel_loop3A_389 : i32 to index
        %parallel_loop3A_391 = arith.index_cast %parallel_loop3A_388 : i32 to index
        %parallel_loop3A_392 = tpu.vector_load %arg8[%parallel_loop3A_390, %parallel_loop3A_391] {strides = array<i32>} : memref<32x512xf32, #tpu.memory_space<vmem>>, vector<16xf32>,
        tpu.vector_store %arg8[%parallel_loop3A_390, %parallel_loop3A_391], %parallel_loop3A_386 {strides = array<i32>} : memref<32x512xf32, #tpu.memory_space<vmem>>, vector<16xf32>,
      } {sc.loop_unroll_factor = 2 : i64, sc.parallel_access}
      %mul3A_61 = arith.constant 512 : i32
      %mul3A_62 = arith.muli %add3A_52, %mul3A_61 : i32
      %dma_start3A_63 = tpu.memref_slice %arg4[%mul3A_2, %mul3A_62] : memref<1024x16385xf32, #tpu.memory_space<hbm>> -> memref<32x512xf32, #tpu.memory_space<hbm>>
      %dma_start3A_64 = tpu.memref_slice %arg4[%mul3A_2, %mul3A_62] : memref<1024x16385xf32, #tpu.memory_space<hbm>> -> memref<32x512xf32, #tpu.memory_space<hbm>>
      tpu.enqueue_dma source(%arg8 : memref<32x512xf32, #tpu.memory_space<vmem>>) target(%dma_start3A_64 : memref<32x512xf32, #tpu.memory_space<hbm>>) target_semaphore(%arg11 : memref<!tpu.dma_semaphore, #tpu.memory_space<semaphore_mem>>)
    }
    %scan3A_10 = arith.constant 16 : i32
    %broadcast_in_dim3A_11 = arith.constant 16384 : i32
    %broadcast_in_dim3A_12 = vector.broadcast %broadcast_in_dim3A_11 : i32 to vector<16xi32>
    %gather3A = tpu.vector_load_idx %arg5[%broadcast_in_dim3A_12] : memref<16512xi32, #tpu.memory_space<vmem>>[vector<16xi32>], vector<16xi32>,
    %iota3A = tpu.iota {dimensions = array<i32: 0>} : vector<16xi32>
    %add3A_13 = arith.constant 0 : i32
    %add3A_14 = vector.broadcast %add3A_13 : i32 to vector<16xi32>
    %add3A_15 = arith.addi %iota3A, %add3A_14 : vector<16xi32>
    %mul3A_16 = arith.constant 1024 : i32
    %mul3A_17 = vector.broadcast %mul3A_16 : i32 to vector<16xi32>
    %mul3A_18 = arith.muli %add3A_15, %mul3A_17 : vector<16xi32>
    %add3A_19 = arith.addi %gather3A, %mul3A_18 : vector<16xi32>
    %gather3A_20 = tpu.vector_load_idx %arg6[%add3A_19] : memref<32768xf32, #tpu.memory_space<vmem>>[vector<16xi32>], vector<16xf32>,
    tpu.vector_store_idx %arg9[%add3A_15, %broadcast_in_dim3A_5], %gather3A_20 : memref<32x1xf32, #tpu.memory_space<vmem>>[vector<16xi32>, vector<16xi32>], vector<16xf32>,
    %iota3A_21 = tpu.iota {dimensions = array<i32: 0>} : vector<16xi32>
    %add3A_22 = arith.constant 16 : i32
    %add3A_23 = vector.broadcast %add3A_22 : i32 to vector<16xi32>
    %add3A_24 = arith.addi %iota3A_21, %add3A_23 : vector<16xi32>
    %mul3A_25 = arith.constant 1024 : i32
    %mul3A_26 = vector.broadcast %mul3A_25 : i32 to vector<16xi32>
    %mul3A_27 = arith.muli %add3A_24, %mul3A_26 : vector<16xi32>
    %add3A_28 = arith.addi %gather3A, %mul3A_27 : vector<16xi32>
    %gather3A_29 = tpu.vector_load_idx %arg6[%add3A_28] : memref<32768xf32, #tpu.memory_space<vmem>>[vector<16xi32>], vector<16xf32>,
    tpu.vector_store_idx %arg9[%add3A_24, %broadcast_in_dim3A_5], %gather3A_29 : memref<32x1xf32, #tpu.memory_space<vmem>>[vector<16xi32>, vector<16xi32>], vector<16xf32>,
    %dma_wait3A = arith.constant 15360 : i32
    %dma_wait3A_30 = tpu.memref_slice %arg4[%mul3A_2, %dma_wait3A] : memref<1024x16385xf32, #tpu.memory_space<hbm>> -> memref<32x512xf32, #tpu.memory_space<hbm>>
    %dma_wait3A_31 = arith.constant 15360 : i32
    %dma_wait3A_32 = tpu.memref_slice %arg4[%mul3A_2, %dma_wait3A_31] : memref<1024x16385xf32, #tpu.memory_space<hbm>> -> memref<32x512xf32, #tpu.memory_space<hbm>>
    tpu.wait_dma2 semaphore(%arg10 : memref<!tpu.dma_semaphore, #tpu.memory_space<semaphore_mem>>) src(%arg7 : memref<32x512xf32, #tpu.memory_space<vmem>>) dst(%dma_wait3A_32 : memref<32x512xf32, #tpu.memory_space<hbm>>)
    %dma_wait3A_33 = arith.constant 15872 : i32
    %dma_wait3A_34 = tpu.memref_slice %arg4[%mul3A_2, %dma_wait3A_33] : memref<1024x16385xf32, #tpu.memory_space<hbm>> -> memref<32x512xf32, #tpu.memory_space<hbm>>
    %dma_wait3A_35 = arith.constant 15872 : i32
    %dma_wait3A_36 = tpu.memref_slice %arg4[%mul3A_2, %dma_wait3A_35] : memref<1024x16385xf32, #tpu.memory_space<hbm>> -> memref<32x512xf32, #tpu.memory_space<hbm>>
    tpu.wait_dma2 semaphore(%arg11 : memref<!tpu.dma_semaphore, #tpu.memory_space<semaphore_mem>>) src(%arg8 : memref<32x512xf32, #tpu.memory_space<vmem>>) dst(%dma_wait3A_36 : memref<32x512xf32, #tpu.memory_space<hbm>>)
    "tpu.region"() ({
      %run_scoped3A = tpu.sem_alloc : memref<!tpu.dma_semaphore, #tpu.memory_space<semaphore_mem>>
      %dma_start3A = arith.constant 16384 : i32
      %dma_start3A_37 = tpu.memref_slice %arg4[%mul3A_2, %dma_start3A] : memref<1024x16385xf32, #tpu.memory_space<hbm>> -> memref<32x1xf32, #tpu.memory_space<hbm>>
      %dma_start3A_38 = arith.constant 16384 : i32
      %dma_start3A_39 = tpu.memref_slice %arg4[%mul3A_2, %dma_start3A_38] : memref<1024x16385xf32, #tpu.memory_space<hbm>> -> memref<32x1xf32, #tpu.memory_space<hbm>>
      tpu.enqueue_dma source(%arg9 : memref<32x1xf32, #tpu.memory_space<vmem>>) target(%dma_start3A_39 : memref<32x1xf32, #tpu.memory_space<hbm>>) target_semaphore(%run_scoped3A : memref<!tpu.dma_semaphore, #tpu.memory_space<semaphore_mem>>)
      %dma_wait3A_40 = arith.constant 16384 : i32
      %dma_wait3A_41 = tpu.memref_slice %arg4[%mul3A_2, %dma_wait3A_40] : memref<1024x16385xf32, #tpu.memory_space<hbm>> -> memref<32x1xf32, #tpu.memory_space<hbm>>
      %dma_wait3A_42 = arith.constant 16384 : i32
      %dma_wait3A_43 = tpu.memref_slice %arg4[%mul3A_2, %dma_wait3A_42] : memref<1024x16385xf32, #tpu.memory_space<hbm>> -> memref<32x1xf32, #tpu.memory_space<hbm>>
      tpu.wait_dma2 semaphore(%run_scoped3A : memref<!tpu.dma_semaphore, #tpu.memory_space<semaphore_mem>>) src(%arg9 : memref<32x1xf32, #tpu.memory_space<vmem>>) dst(%dma_wait3A_43 : memref<32x1xf32, #tpu.memory_space<hbm>>)
      tpu.yield
    }) : () -> ()
    return
  }
}

module attributes {stable_mosaic.version = 14 : i64} {
  func.func @_topk_body(%arg0: memref<3x1024xf32, #tpu.memory_space<vmem>>, %arg1: memref<1024x16xi32, #tpu.memory_space<vmem>>) attributes {dimension_semantics = [], scalar_prefetch = 0 : i64, scratch_operands = 0 : i64, tpu.core_type = #tpu.core_type<tc>} {
    %get3A = arith.constant 0 : index
    %get3A_0 = arith.constant 0 : index
    %get3A_1 = vector.load %arg0[%get3A, %get3A_0] : memref<3x1024xf32, #tpu.memory_space<vmem>>, vector<3x1024xf32>
    %dot_general3A = arith.constant dense<0.000000e+00> : vector<1024x1024xf32>
    %dot_general3A_2 = tpu.matmul %get3A_1, %get3A_1, %dot_general3A {dimension_numbers = #tpu.dot_dimension_numbers<[0], [0], [1], [1], [0, 1, 1, 1], [], []>, transpose_lhs_hint = false} : vector<3x1024xf32>, vector<3x1024xf32>, vector<1024x1024xf32> -> vector<1024x1024xf32>
    %square3A = arith.mulf %get3A_1, %get3A_1 : vector<3x1024xf32>
    %reduce_sum3A = arith.constant dense<0.000000e+00> : vector<1024xf32>
    %reduce_sum3A_3 = vector.multi_reduction <add>, %square3A, %reduce_sum3A [0] : vector<3x1024xf32> to vector<1024xf32>
    %mul3A = arith.constant -2.000000e+00 : f32
    %mul3A_4 = vector.broadcast %mul3A : f32 to vector<1024x1024xf32>
    %mul3A_5 = arith.mulf %dot_general3A_2, %mul3A_4 : vector<1024x1024xf32>
    %broadcast_in_dim3A = vector.shape_cast %reduce_sum3A_3 : vector<1024xf32> to vector<1x1024xf32>
    %add3A = vector.broadcast %broadcast_in_dim3A : vector<1x1024xf32> to vector<1024x1024xf32>
    %add3A_6 = arith.addf %mul3A_5, %add3A : vector<1024x1024xf32>
    %broadcast_in_dim3A_7 = vector.shape_cast %reduce_sum3A_3 : vector<1024xf32> to vector<1024x1xf32>
    %add3A_8 = vector.broadcast %broadcast_in_dim3A_7 : vector<1024x1xf32> to vector<1024x1024xf32>
    %add3A_9 = arith.addf %add3A_6, %add3A_8 : vector<1024x1024xf32>
    %max3A = arith.constant 0.000000e+00 : f32
    %max3A_10 = vector.broadcast %max3A : f32 to vector<1024x1024xf32>
    %max3A_11 = arith.maximumf %add3A_9, %max3A_10 : vector<1024x1024xf32>
    %sqrt3A = math.sqrt %max3A_11 : vector<1024x1024xf32>
    %iota3A = tpu.iota {dimensions = array<i32: 1>} : vector<1024x1024xi32>
    %convert_element_type3A = arith.sitofp %iota3A : vector<1024x1024xi32> to vector<1024x1024xf32>
    %iota3A_12 = tpu.iota {dimensions = array<i32: 1>} : vector<1024x16xi32>
    %broadcast_in_dim3A_13 = arith.constant 0.000000e+00 : f32
    %broadcast_in_dim3A_14 = vector.broadcast %broadcast_in_dim3A_13 : f32 to vector<1024x16xf32>
    %reduce_min3A = arith.constant dense<0x7F800000> : vector<1024xf32>
    %reduce_min3A_15 = vector.multi_reduction <minimumf>, %sqrt3A, %reduce_min3A [1] : vector<1024x1024xf32> to vector<1024xf32>
    %broadcast_in_dim3A_16 = vector.shape_cast %reduce_min3A_15 : vector<1024xf32> to vector<1024x1xf32>
    %eq3A = vector.broadcast %broadcast_in_dim3A_16 : vector<1024x1xf32> to vector<1024x1024xf32>
    %eq3A_17 = arith.cmpf oeq, %sqrt3A, %eq3A : vector<1024x1024xf32>
    %jit3A = arith.constant 1.07374182E+9 : f32
    %broadcast_in_dim3A_18 = vector.broadcast %jit3A : f32 to vector<1024x1024xf32>
    %select_n3A = arith.select %eq3A_17, %convert_element_type3A, %broadcast_in_dim3A_18 : vector<1024x1024xi1>, vector<1024x1024xf32>
    %reduce_min3A_19 = arith.constant dense<0x7F800000> : vector<1024xf32>
    %reduce_min3A_20 = vector.multi_reduction <minimumf>, %select_n3A, %reduce_min3A_19 [1] : vector<1024x1024xf32> to vector<1024xf32>
    %broadcast_in_dim3A_21 = vector.shape_cast %reduce_min3A_20 : vector<1024xf32> to vector<1024x1xf32>
    %eq3A_22 = arith.constant 0 : i32
    %eq3A_23 = vector.broadcast %eq3A_22 : i32 to vector<1024x16xi32>
    %eq3A_24 = arith.cmpi eq, %iota3A_12, %eq3A_23 : vector<1024x16xi32>
    %broadcast_in_dim3A_25 = vector.shape_cast %broadcast_in_dim3A_21 : vector<1024x1xf32> to vector<1024x1xf32>
    %broadcast_in_dim3A_26 = vector.broadcast %broadcast_in_dim3A_25 : vector<1024x1xf32> to vector<1024x16xf32>
    %select_n3A_27 = arith.select %eq3A_24, %broadcast_in_dim3A_26, %broadcast_in_dim3A_14 : vector<1024x16xi1>, vector<1024x16xf32>
    %eq3A_28 = vector.broadcast %broadcast_in_dim3A_21 : vector<1024x1xf32> to vector<1024x1024xf32>
    %eq3A_29 = arith.cmpf oeq, %convert_element_type3A, %eq3A_28 : vector<1024x1024xf32>
    %jit3A_30 = arith.constant 0x7F800000 : f32
    %broadcast_in_dim3A_31 = vector.broadcast %jit3A_30 : f32 to vector<1024x1024xf32>
    %select_n3A_32 = arith.select %eq3A_29, %broadcast_in_dim3A_31, %sqrt3A : vector<1024x1024xi1>, vector<1024x1024xf32>
    %reduce_min3A_33 = arith.constant dense<0x7F800000> : vector<1024xf32>
    %reduce_min3A_34 = vector.multi_reduction <minimumf>, %select_n3A_32, %reduce_min3A_33 [1] : vector<1024x1024xf32> to vector<1024xf32>
    %broadcast_in_dim3A_35 = vector.shape_cast %reduce_min3A_34 : vector<1024xf32> to vector<1024x1xf32>
    %eq3A_36 = vector.broadcast %broadcast_in_dim3A_35 : vector<1024x1xf32> to vector<1024x1024xf32>
    %eq3A_37 = arith.cmpf oeq, %select_n3A_32, %eq3A_36 : vector<1024x1024xf32>
    %jit3A_38 = arith.constant 1.07374182E+9 : f32
    %broadcast_in_dim3A_39 = vector.broadcast %jit3A_38 : f32 to vector<1024x1024xf32>
    %select_n3A_40 = arith.select %eq3A_37, %convert_element_type3A, %broadcast_in_dim3A_39 : vector<1024x1024xi1>, vector<1024x1024xf32>
    %reduce_min3A_41 = arith.constant dense<0x7F800000> : vector<1024xf32>
    %reduce_min3A_42 = vector.multi_reduction <minimumf>, %select_n3A_40, %reduce_min3A_41 [1] : vector<1024x1024xf32> to vector<1024xf32>
    %broadcast_in_dim3A_43 = vector.shape_cast %reduce_min3A_42 : vector<1024xf32> to vector<1024x1xf32>
    %eq3A_44 = arith.constant 1 : i32
    %eq3A_45 = vector.broadcast %eq3A_44 : i32 to vector<1024x16xi32>
    %eq3A_46 = arith.cmpi eq, %iota3A_12, %eq3A_45 : vector<1024x16xi32>
    %broadcast_in_dim3A_47 = vector.shape_cast %broadcast_in_dim3A_43 : vector<1024x1xf32> to vector<1024x1xf32>
    %broadcast_in_dim3A_48 = vector.broadcast %broadcast_in_dim3A_47 : vector<1024x1xf32> to vector<1024x16xf32>
    %select_n3A_49 = arith.select %eq3A_46, %broadcast_in_dim3A_48, %select_n3A_27 : vector<1024x16xi1>, vector<1024x16xf32>
    %eq3A_50 = vector.broadcast %broadcast_in_dim3A_43 : vector<1024x1xf32> to vector<1024x1024xf32>
    %eq3A_51 = arith.cmpf oeq, %convert_element_type3A, %eq3A_50 : vector<1024x1024xf32>
    %jit3A_52 = arith.constant 0x7F800000 : f32
    %broadcast_in_dim3A_53 = vector.broadcast %jit3A_52 : f32 to vector<1024x1024xf32>
    %select_n3A_54 = arith.select %eq3A_51, %broadcast_in_dim3A_53, %select_n3A_32 : vector<1024x1024xi1>, vector<1024x1024xf32>
    %reduce_min3A_55 = arith.constant dense<0x7F800000> : vector<1024xf32>
    %reduce_min3A_56 = vector.multi_reduction <minimumf>, %select_n3A_54, %reduce_min3A_55 [1] : vector<1024x1024xf32> to vector<1024xf32>
    %broadcast_in_dim3A_57 = vector.shape_cast %reduce_min3A_56 : vector<1024xf32> to vector<1024x1xf32>
    %eq3A_58 = vector.broadcast %broadcast_in_dim3A_57 : vector<1024x1xf32> to vector<1024x1024xf32>
    %eq3A_59 = arith.cmpf oeq, %select_n3A_54, %eq3A_58 : vector<1024x1024xf32>
    %jit3A_60 = arith.constant 1.07374182E+9 : f32
    %broadcast_in_dim3A_61 = vector.broadcast %jit3A_60 : f32 to vector<1024x1024xf32>
    %select_n3A_62 = arith.select %eq3A_59, %convert_element_type3A, %broadcast_in_dim3A_61 : vector<1024x1024xi1>, vector<1024x1024xf32>
    %reduce_min3A_63 = arith.constant dense<0x7F800000> : vector<1024xf32>
    %reduce_min3A_64 = vector.multi_reduction <minimumf>, %select_n3A_62, %reduce_min3A_63 [1] : vector<1024x1024xf32> to vector<1024xf32>
    %broadcast_in_dim3A_65 = vector.shape_cast %reduce_min3A_64 : vector<1024xf32> to vector<1024x1xf32>
    %eq3A_66 = arith.constant 2 : i32
    %eq3A_67 = vector.broadcast %eq3A_66 : i32 to vector<1024x16xi32>
    %eq3A_68 = arith.cmpi eq, %iota3A_12, %eq3A_67 : vector<1024x16xi32>
    %broadcast_in_dim3A_69 = vector.shape_cast %broadcast_in_dim3A_65 : vector<1024x1xf32> to vector<1024x1xf32>
    %broadcast_in_dim3A_70 = vector.broadcast %broadcast_in_dim3A_69 : vector<1024x1xf32> to vector<1024x16xf32>
    %select_n3A_71 = arith.select %eq3A_68, %broadcast_in_dim3A_70, %select_n3A_49 : vector<1024x16xi1>, vector<1024x16xf32>
    %eq3A_72 = vector.broadcast %broadcast_in_dim3A_65 : vector<1024x1xf32> to vector<1024x1024xf32>
    %eq3A_73 = arith.cmpf oeq, %convert_element_type3A, %eq3A_72 : vector<1024x1024xf32>
    %jit3A_74 = arith.constant 0x7F800000 : f32
    %broadcast_in_dim3A_75 = vector.broadcast %jit3A_74 : f32 to vector<1024x1024xf32>
    %select_n3A_76 = arith.select %eq3A_73, %broadcast_in_dim3A_75, %select_n3A_54 : vector<1024x1024xi1>, vector<1024x1024xf32>
    %reduce_min3A_77 = arith.constant dense<0x7F800000> : vector<1024xf32>
    %reduce_min3A_78 = vector.multi_reduction <minimumf>, %select_n3A_76, %reduce_min3A_77 [1] : vector<1024x1024xf32> to vector<1024xf32>
    %broadcast_in_dim3A_79 = vector.shape_cast %reduce_min3A_78 : vector<1024xf32> to vector<1024x1xf32>
    %eq3A_80 = vector.broadcast %broadcast_in_dim3A_79 : vector<1024x1xf32> to vector<1024x1024xf32>
    %eq3A_81 = arith.cmpf oeq, %select_n3A_76, %eq3A_80 : vector<1024x1024xf32>
    %jit3A_82 = arith.constant 1.07374182E+9 : f32
    %broadcast_in_dim3A_83 = vector.broadcast %jit3A_82 : f32 to vector<1024x1024xf32>
    %select_n3A_84 = arith.select %eq3A_81, %convert_element_type3A, %broadcast_in_dim3A_83 : vector<1024x1024xi1>, vector<1024x1024xf32>
    %reduce_min3A_85 = arith.constant dense<0x7F800000> : vector<1024xf32>
    %reduce_min3A_86 = vector.multi_reduction <minimumf>, %select_n3A_84, %reduce_min3A_85 [1] : vector<1024x1024xf32> to vector<1024xf32>
    %broadcast_in_dim3A_87 = vector.shape_cast %reduce_min3A_86 : vector<1024xf32> to vector<1024x1xf32>
    %eq3A_88 = arith.constant 3 : i32
    %eq3A_89 = vector.broadcast %eq3A_88 : i32 to vector<1024x16xi32>
    %eq3A_90 = arith.cmpi eq, %iota3A_12, %eq3A_89 : vector<1024x16xi32>
    %broadcast_in_dim3A_91 = vector.shape_cast %broadcast_in_dim3A_87 : vector<1024x1xf32> to vector<1024x1xf32>
    %broadcast_in_dim3A_92 = vector.broadcast %broadcast_in_dim3A_91 : vector<1024x1xf32> to vector<1024x16xf32>
    %select_n3A_93 = arith.select %eq3A_90, %broadcast_in_dim3A_92, %select_n3A_71 : vector<1024x16xi1>, vector<1024x16xf32>
    %eq3A_94 = vector.broadcast %broadcast_in_dim3A_87 : vector<1024x1xf32> to vector<1024x1024xf32>
    %eq3A_95 = arith.cmpf oeq, %convert_element_type3A, %eq3A_94 : vector<1024x1024xf32>
    %jit3A_96 = arith.constant 0x7F800000 : f32
    %broadcast_in_dim3A_97 = vector.broadcast %jit3A_96 : f32 to vector<1024x1024xf32>
    %select_n3A_98 = arith.select %eq3A_95, %broadcast_in_dim3A_97, %select_n3A_76 : vector<1024x1024xi1>, vector<1024x1024xf32>
    %reduce_min3A_99 = arith.constant dense<0x7F800000> : vector<1024xf32>
    %reduce_min3A_100 = vector.multi_reduction <minimumf>, %select_n3A_98, %reduce_min3A_99 [1] : vector<1024x1024xf32> to vector<1024xf32>
    %broadcast_in_dim3A_101 = vector.shape_cast %reduce_min3A_100 : vector<1024xf32> to vector<1024x1xf32>
    %eq3A_102 = vector.broadcast %broadcast_in_dim3A_101 : vector<1024x1xf32> to vector<1024x1024xf32>
    %eq3A_103 = arith.cmpf oeq, %select_n3A_98, %eq3A_102 : vector<1024x1024xf32>
    %jit3A_104 = arith.constant 1.07374182E+9 : f32
    %broadcast_in_dim3A_105 = vector.broadcast %jit3A_104 : f32 to vector<1024x1024xf32>
    %select_n3A_106 = arith.select %eq3A_103, %convert_element_type3A, %broadcast_in_dim3A_105 : vector<1024x1024xi1>, vector<1024x1024xf32>
    %reduce_min3A_107 = arith.constant dense<0x7F800000> : vector<1024xf32>
    %reduce_min3A_108 = vector.multi_reduction <minimumf>, %select_n3A_106, %reduce_min3A_107 [1] : vector<1024x1024xf32> to vector<1024xf32>
    %broadcast_in_dim3A_109 = vector.shape_cast %reduce_min3A_108 : vector<1024xf32> to vector<1024x1xf32>
    %eq3A_110 = arith.constant 4 : i32
    %eq3A_111 = vector.broadcast %eq3A_110 : i32 to vector<1024x16xi32>
    %eq3A_112 = arith.cmpi eq, %iota3A_12, %eq3A_111 : vector<1024x16xi32>
    %broadcast_in_dim3A_113 = vector.shape_cast %broadcast_in_dim3A_109 : vector<1024x1xf32> to vector<1024x1xf32>
    %broadcast_in_dim3A_114 = vector.broadcast %broadcast_in_dim3A_113 : vector<1024x1xf32> to vector<1024x16xf32>
    %select_n3A_115 = arith.select %eq3A_112, %broadcast_in_dim3A_114, %select_n3A_93 : vector<1024x16xi1>, vector<1024x16xf32>
    %eq3A_116 = vector.broadcast %broadcast_in_dim3A_109 : vector<1024x1xf32> to vector<1024x1024xf32>
    %eq3A_117 = arith.cmpf oeq, %convert_element_type3A, %eq3A_116 : vector<1024x1024xf32>
    %jit3A_118 = arith.constant 0x7F800000 : f32
    %broadcast_in_dim3A_119 = vector.broadcast %jit3A_118 : f32 to vector<1024x1024xf32>
    %select_n3A_120 = arith.select %eq3A_117, %broadcast_in_dim3A_119, %select_n3A_98 : vector<1024x1024xi1>, vector<1024x1024xf32>
    %reduce_min3A_121 = arith.constant dense<0x7F800000> : vector<1024xf32>
    %reduce_min3A_122 = vector.multi_reduction <minimumf>, %select_n3A_120, %reduce_min3A_121 [1] : vector<1024x1024xf32> to vector<1024xf32>
    %broadcast_in_dim3A_123 = vector.shape_cast %reduce_min3A_122 : vector<1024xf32> to vector<1024x1xf32>
    %eq3A_124 = vector.broadcast %broadcast_in_dim3A_123 : vector<1024x1xf32> to vector<1024x1024xf32>
    %eq3A_125 = arith.cmpf oeq, %select_n3A_120, %eq3A_124 : vector<1024x1024xf32>
    %jit3A_126 = arith.constant 1.07374182E+9 : f32
    %broadcast_in_dim3A_127 = vector.broadcast %jit3A_126 : f32 to vector<1024x1024xf32>
    %select_n3A_128 = arith.select %eq3A_125, %convert_element_type3A, %broadcast_in_dim3A_127 : vector<1024x1024xi1>, vector<1024x1024xf32>
    %reduce_min3A_129 = arith.constant dense<0x7F800000> : vector<1024xf32>
    %reduce_min3A_130 = vector.multi_reduction <minimumf>, %select_n3A_128, %reduce_min3A_129 [1] : vector<1024x1024xf32> to vector<1024xf32>
    %broadcast_in_dim3A_131 = vector.shape_cast %reduce_min3A_130 : vector<1024xf32> to vector<1024x1xf32>
    %eq3A_132 = arith.constant 5 : i32
    %eq3A_133 = vector.broadcast %eq3A_132 : i32 to vector<1024x16xi32>
    %eq3A_134 = arith.cmpi eq, %iota3A_12, %eq3A_133 : vector<1024x16xi32>
    %broadcast_in_dim3A_135 = vector.shape_cast %broadcast_in_dim3A_131 : vector<1024x1xf32> to vector<1024x1xf32>
    %broadcast_in_dim3A_136 = vector.broadcast %broadcast_in_dim3A_135 : vector<1024x1xf32> to vector<1024x16xf32>
    %select_n3A_137 = arith.select %eq3A_134, %broadcast_in_dim3A_136, %select_n3A_115 : vector<1024x16xi1>, vector<1024x16xf32>
    %eq3A_138 = vector.broadcast %broadcast_in_dim3A_131 : vector<1024x1xf32> to vector<1024x1024xf32>
    %eq3A_139 = arith.cmpf oeq, %convert_element_type3A, %eq3A_138 : vector<1024x1024xf32>
    %jit3A_140 = arith.constant 0x7F800000 : f32
    %broadcast_in_dim3A_141 = vector.broadcast %jit3A_140 : f32 to vector<1024x1024xf32>
    %select_n3A_142 = arith.select %eq3A_139, %broadcast_in_dim3A_141, %select_n3A_120 : vector<1024x1024xi1>, vector<1024x1024xf32>
    %reduce_min3A_143 = arith.constant dense<0x7F800000> : vector<1024xf32>
    %reduce_min3A_144 = vector.multi_reduction <minimumf>, %select_n3A_142, %reduce_min3A_143 [1] : vector<1024x1024xf32> to vector<1024xf32>
    %broadcast_in_dim3A_145 = vector.shape_cast %reduce_min3A_144 : vector<1024xf32> to vector<1024x1xf32>
    %eq3A_146 = vector.broadcast %broadcast_in_dim3A_145 : vector<1024x1xf32> to vector<1024x1024xf32>
    %eq3A_147 = arith.cmpf oeq, %select_n3A_142, %eq3A_146 : vector<1024x1024xf32>
    %jit3A_148 = arith.constant 1.07374182E+9 : f32
    %broadcast_in_dim3A_149 = vector.broadcast %jit3A_148 : f32 to vector<1024x1024xf32>
    %select_n3A_150 = arith.select %eq3A_147, %convert_element_type3A, %broadcast_in_dim3A_149 : vector<1024x1024xi1>, vector<1024x1024xf32>
    %reduce_min3A_151 = arith.constant dense<0x7F800000> : vector<1024xf32>
    %reduce_min3A_152 = vector.multi_reduction <minimumf>, %select_n3A_150, %reduce_min3A_151 [1] : vector<1024x1024xf32> to vector<1024xf32>
    %broadcast_in_dim3A_153 = vector.shape_cast %reduce_min3A_152 : vector<1024xf32> to vector<1024x1xf32>
    %eq3A_154 = arith.constant 6 : i32
    %eq3A_155 = vector.broadcast %eq3A_154 : i32 to vector<1024x16xi32>
    %eq3A_156 = arith.cmpi eq, %iota3A_12, %eq3A_155 : vector<1024x16xi32>
    %broadcast_in_dim3A_157 = vector.shape_cast %broadcast_in_dim3A_153 : vector<1024x1xf32> to vector<1024x1xf32>
    %broadcast_in_dim3A_158 = vector.broadcast %broadcast_in_dim3A_157 : vector<1024x1xf32> to vector<1024x16xf32>
    %select_n3A_159 = arith.select %eq3A_156, %broadcast_in_dim3A_158, %select_n3A_137 : vector<1024x16xi1>, vector<1024x16xf32>
    %eq3A_160 = vector.broadcast %broadcast_in_dim3A_153 : vector<1024x1xf32> to vector<1024x1024xf32>
    %eq3A_161 = arith.cmpf oeq, %convert_element_type3A, %eq3A_160 : vector<1024x1024xf32>
    %jit3A_162 = arith.constant 0x7F800000 : f32
    %broadcast_in_dim3A_163 = vector.broadcast %jit3A_162 : f32 to vector<1024x1024xf32>
    %select_n3A_164 = arith.select %eq3A_161, %broadcast_in_dim3A_163, %select_n3A_142 : vector<1024x1024xi1>, vector<1024x1024xf32>
    %reduce_min3A_165 = arith.constant dense<0x7F800000> : vector<1024xf32>
    %reduce_min3A_166 = vector.multi_reduction <minimumf>, %select_n3A_164, %reduce_min3A_165 [1] : vector<1024x1024xf32> to vector<1024xf32>
    %broadcast_in_dim3A_167 = vector.shape_cast %reduce_min3A_166 : vector<1024xf32> to vector<1024x1xf32>
    %eq3A_168 = vector.broadcast %broadcast_in_dim3A_167 : vector<1024x1xf32> to vector<1024x1024xf32>
    %eq3A_169 = arith.cmpf oeq, %select_n3A_164, %eq3A_168 : vector<1024x1024xf32>
    %jit3A_170 = arith.constant 1.07374182E+9 : f32
    %broadcast_in_dim3A_171 = vector.broadcast %jit3A_170 : f32 to vector<1024x1024xf32>
    %select_n3A_172 = arith.select %eq3A_169, %convert_element_type3A, %broadcast_in_dim3A_171 : vector<1024x1024xi1>, vector<1024x1024xf32>
    %reduce_min3A_173 = arith.constant dense<0x7F800000> : vector<1024xf32>
    %reduce_min3A_174 = vector.multi_reduction <minimumf>, %select_n3A_172, %reduce_min3A_173 [1] : vector<1024x1024xf32> to vector<1024xf32>
    %broadcast_in_dim3A_175 = vector.shape_cast %reduce_min3A_174 : vector<1024xf32> to vector<1024x1xf32>
    %eq3A_176 = arith.constant 7 : i32
    %eq3A_177 = vector.broadcast %eq3A_176 : i32 to vector<1024x16xi32>
    %eq3A_178 = arith.cmpi eq, %iota3A_12, %eq3A_177 : vector<1024x16xi32>
    %broadcast_in_dim3A_179 = vector.shape_cast %broadcast_in_dim3A_175 : vector<1024x1xf32> to vector<1024x1xf32>
    %broadcast_in_dim3A_180 = vector.broadcast %broadcast_in_dim3A_179 : vector<1024x1xf32> to vector<1024x16xf32>
    %select_n3A_181 = arith.select %eq3A_178, %broadcast_in_dim3A_180, %select_n3A_159 : vector<1024x16xi1>, vector<1024x16xf32>
    %eq3A_182 = vector.broadcast %broadcast_in_dim3A_175 : vector<1024x1xf32> to vector<1024x1024xf32>
    %eq3A_183 = arith.cmpf oeq, %convert_element_type3A, %eq3A_182 : vector<1024x1024xf32>
    %jit3A_184 = arith.constant 0x7F800000 : f32
    %broadcast_in_dim3A_185 = vector.broadcast %jit3A_184 : f32 to vector<1024x1024xf32>
    %select_n3A_186 = arith.select %eq3A_183, %broadcast_in_dim3A_185, %select_n3A_164 : vector<1024x1024xi1>, vector<1024x1024xf32>
    %reduce_min3A_187 = arith.constant dense<0x7F800000> : vector<1024xf32>
    %reduce_min3A_188 = vector.multi_reduction <minimumf>, %select_n3A_186, %reduce_min3A_187 [1] : vector<1024x1024xf32> to vector<1024xf32>
    %broadcast_in_dim3A_189 = vector.shape_cast %reduce_min3A_188 : vector<1024xf32> to vector<1024x1xf32>
    %eq3A_190 = vector.broadcast %broadcast_in_dim3A_189 : vector<1024x1xf32> to vector<1024x1024xf32>
    %eq3A_191 = arith.cmpf oeq, %select_n3A_186, %eq3A_190 : vector<1024x1024xf32>
    %jit3A_192 = arith.constant 1.07374182E+9 : f32
    %broadcast_in_dim3A_193 = vector.broadcast %jit3A_192 : f32 to vector<1024x1024xf32>
    %select_n3A_194 = arith.select %eq3A_191, %convert_element_type3A, %broadcast_in_dim3A_193 : vector<1024x1024xi1>, vector<1024x1024xf32>
    %reduce_min3A_195 = arith.constant dense<0x7F800000> : vector<1024xf32>
    %reduce_min3A_196 = vector.multi_reduction <minimumf>, %select_n3A_194, %reduce_min3A_195 [1] : vector<1024x1024xf32> to vector<1024xf32>
    %broadcast_in_dim3A_197 = vector.shape_cast %reduce_min3A_196 : vector<1024xf32> to vector<1024x1xf32>
    %eq3A_198 = arith.constant 8 : i32
    %eq3A_199 = vector.broadcast %eq3A_198 : i32 to vector<1024x16xi32>
    %eq3A_200 = arith.cmpi eq, %iota3A_12, %eq3A_199 : vector<1024x16xi32>
    %broadcast_in_dim3A_201 = vector.shape_cast %broadcast_in_dim3A_197 : vector<1024x1xf32> to vector<1024x1xf32>
    %broadcast_in_dim3A_202 = vector.broadcast %broadcast_in_dim3A_201 : vector<1024x1xf32> to vector<1024x16xf32>
    %select_n3A_203 = arith.select %eq3A_200, %broadcast_in_dim3A_202, %select_n3A_181 : vector<1024x16xi1>, vector<1024x16xf32>
    %eq3A_204 = vector.broadcast %broadcast_in_dim3A_197 : vector<1024x1xf32> to vector<1024x1024xf32>
    %eq3A_205 = arith.cmpf oeq, %convert_element_type3A, %eq3A_204 : vector<1024x1024xf32>
    %jit3A_206 = arith.constant 0x7F800000 : f32
    %broadcast_in_dim3A_207 = vector.broadcast %jit3A_206 : f32 to vector<1024x1024xf32>
    %select_n3A_208 = arith.select %eq3A_205, %broadcast_in_dim3A_207, %select_n3A_186 : vector<1024x1024xi1>, vector<1024x1024xf32>
    %reduce_min3A_209 = arith.constant dense<0x7F800000> : vector<1024xf32>
    %reduce_min3A_210 = vector.multi_reduction <minimumf>, %select_n3A_208, %reduce_min3A_209 [1] : vector<1024x1024xf32> to vector<1024xf32>
    %broadcast_in_dim3A_211 = vector.shape_cast %reduce_min3A_210 : vector<1024xf32> to vector<1024x1xf32>
    %eq3A_212 = vector.broadcast %broadcast_in_dim3A_211 : vector<1024x1xf32> to vector<1024x1024xf32>
    %eq3A_213 = arith.cmpf oeq, %select_n3A_208, %eq3A_212 : vector<1024x1024xf32>
    %jit3A_214 = arith.constant 1.07374182E+9 : f32
    %broadcast_in_dim3A_215 = vector.broadcast %jit3A_214 : f32 to vector<1024x1024xf32>
    %select_n3A_216 = arith.select %eq3A_213, %convert_element_type3A, %broadcast_in_dim3A_215 : vector<1024x1024xi1>, vector<1024x1024xf32>
    %reduce_min3A_217 = arith.constant dense<0x7F800000> : vector<1024xf32>
    %reduce_min3A_218 = vector.multi_reduction <minimumf>, %select_n3A_216, %reduce_min3A_217 [1] : vector<1024x1024xf32> to vector<1024xf32>
    %broadcast_in_dim3A_219 = vector.shape_cast %reduce_min3A_218 : vector<1024xf32> to vector<1024x1xf32>
    %eq3A_220 = arith.constant 9 : i32
    %eq3A_221 = vector.broadcast %eq3A_220 : i32 to vector<1024x16xi32>
    %eq3A_222 = arith.cmpi eq, %iota3A_12, %eq3A_221 : vector<1024x16xi32>
    %broadcast_in_dim3A_223 = vector.shape_cast %broadcast_in_dim3A_219 : vector<1024x1xf32> to vector<1024x1xf32>
    %broadcast_in_dim3A_224 = vector.broadcast %broadcast_in_dim3A_223 : vector<1024x1xf32> to vector<1024x16xf32>
    %select_n3A_225 = arith.select %eq3A_222, %broadcast_in_dim3A_224, %select_n3A_203 : vector<1024x16xi1>, vector<1024x16xf32>
    %eq3A_226 = vector.broadcast %broadcast_in_dim3A_219 : vector<1024x1xf32> to vector<1024x1024xf32>
    %eq3A_227 = arith.cmpf oeq, %convert_element_type3A, %eq3A_226 : vector<1024x1024xf32>
    %jit3A_228 = arith.constant 0x7F800000 : f32
    %broadcast_in_dim3A_229 = vector.broadcast %jit3A_228 : f32 to vector<1024x1024xf32>
    %select_n3A_230 = arith.select %eq3A_227, %broadcast_in_dim3A_229, %select_n3A_208 : vector<1024x1024xi1>, vector<1024x1024xf32>
    %reduce_min3A_231 = arith.constant dense<0x7F800000> : vector<1024xf32>
    %reduce_min3A_232 = vector.multi_reduction <minimumf>, %select_n3A_230, %reduce_min3A_231 [1] : vector<1024x1024xf32> to vector<1024xf32>
    %broadcast_in_dim3A_233 = vector.shape_cast %reduce_min3A_232 : vector<1024xf32> to vector<1024x1xf32>
    %eq3A_234 = vector.broadcast %broadcast_in_dim3A_233 : vector<1024x1xf32> to vector<1024x1024xf32>
    %eq3A_235 = arith.cmpf oeq, %select_n3A_230, %eq3A_234 : vector<1024x1024xf32>
    %jit3A_236 = arith.constant 1.07374182E+9 : f32
    %broadcast_in_dim3A_237 = vector.broadcast %jit3A_236 : f32 to vector<1024x1024xf32>
    %select_n3A_238 = arith.select %eq3A_235, %convert_element_type3A, %broadcast_in_dim3A_237 : vector<1024x1024xi1>, vector<1024x1024xf32>
    %reduce_min3A_239 = arith.constant dense<0x7F800000> : vector<1024xf32>
    %reduce_min3A_240 = vector.multi_reduction <minimumf>, %select_n3A_238, %reduce_min3A_239 [1] : vector<1024x1024xf32> to vector<1024xf32>
    %broadcast_in_dim3A_241 = vector.shape_cast %reduce_min3A_240 : vector<1024xf32> to vector<1024x1xf32>
    %eq3A_242 = arith.constant 10 : i32
    %eq3A_243 = vector.broadcast %eq3A_242 : i32 to vector<1024x16xi32>
    %eq3A_244 = arith.cmpi eq, %iota3A_12, %eq3A_243 : vector<1024x16xi32>
    %broadcast_in_dim3A_245 = vector.shape_cast %broadcast_in_dim3A_241 : vector<1024x1xf32> to vector<1024x1xf32>
    %broadcast_in_dim3A_246 = vector.broadcast %broadcast_in_dim3A_245 : vector<1024x1xf32> to vector<1024x16xf32>
    %select_n3A_247 = arith.select %eq3A_244, %broadcast_in_dim3A_246, %select_n3A_225 : vector<1024x16xi1>, vector<1024x16xf32>
    %eq3A_248 = vector.broadcast %broadcast_in_dim3A_241 : vector<1024x1xf32> to vector<1024x1024xf32>
    %eq3A_249 = arith.cmpf oeq, %convert_element_type3A, %eq3A_248 : vector<1024x1024xf32>
    %jit3A_250 = arith.constant 0x7F800000 : f32
    %broadcast_in_dim3A_251 = vector.broadcast %jit3A_250 : f32 to vector<1024x1024xf32>
    %select_n3A_252 = arith.select %eq3A_249, %broadcast_in_dim3A_251, %select_n3A_230 : vector<1024x1024xi1>, vector<1024x1024xf32>
    %reduce_min3A_253 = arith.constant dense<0x7F800000> : vector<1024xf32>
    %reduce_min3A_254 = vector.multi_reduction <minimumf>, %select_n3A_252, %reduce_min3A_253 [1] : vector<1024x1024xf32> to vector<1024xf32>
    %broadcast_in_dim3A_255 = vector.shape_cast %reduce_min3A_254 : vector<1024xf32> to vector<1024x1xf32>
    %eq3A_256 = vector.broadcast %broadcast_in_dim3A_255 : vector<1024x1xf32> to vector<1024x1024xf32>
    %eq3A_257 = arith.cmpf oeq, %select_n3A_252, %eq3A_256 : vector<1024x1024xf32>
    %jit3A_258 = arith.constant 1.07374182E+9 : f32
    %broadcast_in_dim3A_259 = vector.broadcast %jit3A_258 : f32 to vector<1024x1024xf32>
    %select_n3A_260 = arith.select %eq3A_257, %convert_element_type3A, %broadcast_in_dim3A_259 : vector<1024x1024xi1>, vector<1024x1024xf32>
    %reduce_min3A_261 = arith.constant dense<0x7F800000> : vector<1024xf32>
    %reduce_min3A_262 = vector.multi_reduction <minimumf>, %select_n3A_260, %reduce_min3A_261 [1] : vector<1024x1024xf32> to vector<1024xf32>
    %broadcast_in_dim3A_263 = vector.shape_cast %reduce_min3A_262 : vector<1024xf32> to vector<1024x1xf32>
    %eq3A_264 = arith.constant 11 : i32
    %eq3A_265 = vector.broadcast %eq3A_264 : i32 to vector<1024x16xi32>
    %eq3A_266 = arith.cmpi eq, %iota3A_12, %eq3A_265 : vector<1024x16xi32>
    %broadcast_in_dim3A_267 = vector.shape_cast %broadcast_in_dim3A_263 : vector<1024x1xf32> to vector<1024x1xf32>
    %broadcast_in_dim3A_268 = vector.broadcast %broadcast_in_dim3A_267 : vector<1024x1xf32> to vector<1024x16xf32>
    %select_n3A_269 = arith.select %eq3A_266, %broadcast_in_dim3A_268, %select_n3A_247 : vector<1024x16xi1>, vector<1024x16xf32>
    %eq3A_270 = vector.broadcast %broadcast_in_dim3A_263 : vector<1024x1xf32> to vector<1024x1024xf32>
    %eq3A_271 = arith.cmpf oeq, %convert_element_type3A, %eq3A_270 : vector<1024x1024xf32>
    %jit3A_272 = arith.constant 0x7F800000 : f32
    %broadcast_in_dim3A_273 = vector.broadcast %jit3A_272 : f32 to vector<1024x1024xf32>
    %select_n3A_274 = arith.select %eq3A_271, %broadcast_in_dim3A_273, %select_n3A_252 : vector<1024x1024xi1>, vector<1024x1024xf32>
    %reduce_min3A_275 = arith.constant dense<0x7F800000> : vector<1024xf32>
    %reduce_min3A_276 = vector.multi_reduction <minimumf>, %select_n3A_274, %reduce_min3A_275 [1] : vector<1024x1024xf32> to vector<1024xf32>
    %broadcast_in_dim3A_277 = vector.shape_cast %reduce_min3A_276 : vector<1024xf32> to vector<1024x1xf32>
    %eq3A_278 = vector.broadcast %broadcast_in_dim3A_277 : vector<1024x1xf32> to vector<1024x1024xf32>
    %eq3A_279 = arith.cmpf oeq, %select_n3A_274, %eq3A_278 : vector<1024x1024xf32>
    %jit3A_280 = arith.constant 1.07374182E+9 : f32
    %broadcast_in_dim3A_281 = vector.broadcast %jit3A_280 : f32 to vector<1024x1024xf32>
    %select_n3A_282 = arith.select %eq3A_279, %convert_element_type3A, %broadcast_in_dim3A_281 : vector<1024x1024xi1>, vector<1024x1024xf32>
    %reduce_min3A_283 = arith.constant dense<0x7F800000> : vector<1024xf32>
    %reduce_min3A_284 = vector.multi_reduction <minimumf>, %select_n3A_282, %reduce_min3A_283 [1] : vector<1024x1024xf32> to vector<1024xf32>
    %broadcast_in_dim3A_285 = vector.shape_cast %reduce_min3A_284 : vector<1024xf32> to vector<1024x1xf32>
    %eq3A_286 = arith.constant 12 : i32
    %eq3A_287 = vector.broadcast %eq3A_286 : i32 to vector<1024x16xi32>
    %eq3A_288 = arith.cmpi eq, %iota3A_12, %eq3A_287 : vector<1024x16xi32>
    %broadcast_in_dim3A_289 = vector.shape_cast %broadcast_in_dim3A_285 : vector<1024x1xf32> to vector<1024x1xf32>
    %broadcast_in_dim3A_290 = vector.broadcast %broadcast_in_dim3A_289 : vector<1024x1xf32> to vector<1024x16xf32>
    %select_n3A_291 = arith.select %eq3A_288, %broadcast_in_dim3A_290, %select_n3A_269 : vector<1024x16xi1>, vector<1024x16xf32>
    %eq3A_292 = vector.broadcast %broadcast_in_dim3A_285 : vector<1024x1xf32> to vector<1024x1024xf32>
    %eq3A_293 = arith.cmpf oeq, %convert_element_type3A, %eq3A_292 : vector<1024x1024xf32>
    %jit3A_294 = arith.constant 0x7F800000 : f32
    %broadcast_in_dim3A_295 = vector.broadcast %jit3A_294 : f32 to vector<1024x1024xf32>
    %select_n3A_296 = arith.select %eq3A_293, %broadcast_in_dim3A_295, %select_n3A_274 : vector<1024x1024xi1>, vector<1024x1024xf32>
    %reduce_min3A_297 = arith.constant dense<0x7F800000> : vector<1024xf32>
    %reduce_min3A_298 = vector.multi_reduction <minimumf>, %select_n3A_296, %reduce_min3A_297 [1] : vector<1024x1024xf32> to vector<1024xf32>
    %broadcast_in_dim3A_299 = vector.shape_cast %reduce_min3A_298 : vector<1024xf32> to vector<1024x1xf32>
    %eq3A_300 = vector.broadcast %broadcast_in_dim3A_299 : vector<1024x1xf32> to vector<1024x1024xf32>
    %eq3A_301 = arith.cmpf oeq, %select_n3A_296, %eq3A_300 : vector<1024x1024xf32>
    %jit3A_302 = arith.constant 1.07374182E+9 : f32
    %broadcast_in_dim3A_303 = vector.broadcast %jit3A_302 : f32 to vector<1024x1024xf32>
    %select_n3A_304 = arith.select %eq3A_301, %convert_element_type3A, %broadcast_in_dim3A_303 : vector<1024x1024xi1>, vector<1024x1024xf32>
    %reduce_min3A_305 = arith.constant dense<0x7F800000> : vector<1024xf32>
    %reduce_min3A_306 = vector.multi_reduction <minimumf>, %select_n3A_304, %reduce_min3A_305 [1] : vector<1024x1024xf32> to vector<1024xf32>
    %broadcast_in_dim3A_307 = vector.shape_cast %reduce_min3A_306 : vector<1024xf32> to vector<1024x1xf32>
    %eq3A_308 = arith.constant 13 : i32
    %eq3A_309 = vector.broadcast %eq3A_308 : i32 to vector<1024x16xi32>
    %eq3A_310 = arith.cmpi eq, %iota3A_12, %eq3A_309 : vector<1024x16xi32>
    %broadcast_in_dim3A_311 = vector.shape_cast %broadcast_in_dim3A_307 : vector<1024x1xf32> to vector<1024x1xf32>
    %broadcast_in_dim3A_312 = vector.broadcast %broadcast_in_dim3A_311 : vector<1024x1xf32> to vector<1024x16xf32>
    %select_n3A_313 = arith.select %eq3A_310, %broadcast_in_dim3A_312, %select_n3A_291 : vector<1024x16xi1>, vector<1024x16xf32>
    %eq3A_314 = vector.broadcast %broadcast_in_dim3A_307 : vector<1024x1xf32> to vector<1024x1024xf32>
    %eq3A_315 = arith.cmpf oeq, %convert_element_type3A, %eq3A_314 : vector<1024x1024xf32>
    %jit3A_316 = arith.constant 0x7F800000 : f32
    %broadcast_in_dim3A_317 = vector.broadcast %jit3A_316 : f32 to vector<1024x1024xf32>
    %select_n3A_318 = arith.select %eq3A_315, %broadcast_in_dim3A_317, %select_n3A_296 : vector<1024x1024xi1>, vector<1024x1024xf32>
    %reduce_min3A_319 = arith.constant dense<0x7F800000> : vector<1024xf32>
    %reduce_min3A_320 = vector.multi_reduction <minimumf>, %select_n3A_318, %reduce_min3A_319 [1] : vector<1024x1024xf32> to vector<1024xf32>
    %broadcast_in_dim3A_321 = vector.shape_cast %reduce_min3A_320 : vector<1024xf32> to vector<1024x1xf32>
    %eq3A_322 = vector.broadcast %broadcast_in_dim3A_321 : vector<1024x1xf32> to vector<1024x1024xf32>
    %eq3A_323 = arith.cmpf oeq, %select_n3A_318, %eq3A_322 : vector<1024x1024xf32>
    %jit3A_324 = arith.constant 1.07374182E+9 : f32
    %broadcast_in_dim3A_325 = vector.broadcast %jit3A_324 : f32 to vector<1024x1024xf32>
    %select_n3A_326 = arith.select %eq3A_323, %convert_element_type3A, %broadcast_in_dim3A_325 : vector<1024x1024xi1>, vector<1024x1024xf32>
    %reduce_min3A_327 = arith.constant dense<0x7F800000> : vector<1024xf32>
    %reduce_min3A_328 = vector.multi_reduction <minimumf>, %select_n3A_326, %reduce_min3A_327 [1] : vector<1024x1024xf32> to vector<1024xf32>
    %broadcast_in_dim3A_329 = vector.shape_cast %reduce_min3A_328 : vector<1024xf32> to vector<1024x1xf32>
    %eq3A_330 = arith.constant 14 : i32
    %eq3A_331 = vector.broadcast %eq3A_330 : i32 to vector<1024x16xi32>
    %eq3A_332 = arith.cmpi eq, %iota3A_12, %eq3A_331 : vector<1024x16xi32>
    %broadcast_in_dim3A_333 = vector.shape_cast %broadcast_in_dim3A_329 : vector<1024x1xf32> to vector<1024x1xf32>
    %broadcast_in_dim3A_334 = vector.broadcast %broadcast_in_dim3A_333 : vector<1024x1xf32> to vector<1024x16xf32>
    %select_n3A_335 = arith.select %eq3A_332, %broadcast_in_dim3A_334, %select_n3A_313 : vector<1024x16xi1>, vector<1024x16xf32>
    %eq3A_336 = vector.broadcast %broadcast_in_dim3A_329 : vector<1024x1xf32> to vector<1024x1024xf32>
    %eq3A_337 = arith.cmpf oeq, %convert_element_type3A, %eq3A_336 : vector<1024x1024xf32>
    %jit3A_338 = arith.constant 0x7F800000 : f32
    %broadcast_in_dim3A_339 = vector.broadcast %jit3A_338 : f32 to vector<1024x1024xf32>
    %select_n3A_340 = arith.select %eq3A_337, %broadcast_in_dim3A_339, %select_n3A_318 : vector<1024x1024xi1>, vector<1024x1024xf32>
    %reduce_min3A_341 = arith.constant dense<0x7F800000> : vector<1024xf32>
    %reduce_min3A_342 = vector.multi_reduction <minimumf>, %select_n3A_340, %reduce_min3A_341 [1] : vector<1024x1024xf32> to vector<1024xf32>
    %broadcast_in_dim3A_343 = vector.shape_cast %reduce_min3A_342 : vector<1024xf32> to vector<1024x1xf32>
    %eq3A_344 = vector.broadcast %broadcast_in_dim3A_343 : vector<1024x1xf32> to vector<1024x1024xf32>
    %eq3A_345 = arith.cmpf oeq, %select_n3A_340, %eq3A_344 : vector<1024x1024xf32>
    %jit3A_346 = arith.constant 1.07374182E+9 : f32
    %broadcast_in_dim3A_347 = vector.broadcast %jit3A_346 : f32 to vector<1024x1024xf32>
    %select_n3A_348 = arith.select %eq3A_345, %convert_element_type3A, %broadcast_in_dim3A_347 : vector<1024x1024xi1>, vector<1024x1024xf32>
    %reduce_min3A_349 = arith.constant dense<0x7F800000> : vector<1024xf32>
    %reduce_min3A_350 = vector.multi_reduction <minimumf>, %select_n3A_348, %reduce_min3A_349 [1] : vector<1024x1024xf32> to vector<1024xf32>
    %broadcast_in_dim3A_351 = vector.shape_cast %reduce_min3A_350 : vector<1024xf32> to vector<1024x1xf32>
    %eq3A_352 = arith.constant 15 : i32
    %eq3A_353 = vector.broadcast %eq3A_352 : i32 to vector<1024x16xi32>
    %eq3A_354 = arith.cmpi eq, %iota3A_12, %eq3A_353 : vector<1024x16xi32>
    %broadcast_in_dim3A_355 = vector.shape_cast %broadcast_in_dim3A_351 : vector<1024x1xf32> to vector<1024x1xf32>
    %broadcast_in_dim3A_356 = vector.broadcast %broadcast_in_dim3A_355 : vector<1024x1xf32> to vector<1024x16xf32>
    %select_n3A_357 = arith.select %eq3A_354, %broadcast_in_dim3A_356, %select_n3A_335 : vector<1024x16xi1>, vector<1024x16xf32>
    %convert_element_type3A_358 = arith.fptosi %select_n3A_357 : vector<1024x16xf32> to vector<1024x16xi32>
    %swap3A = arith.constant 0 : index
    %swap3A_359 = arith.constant 0 : index
    %swap3A_360 = vector.load %arg1[%swap3A, %swap3A_359] : memref<1024x16xi32, #tpu.memory_space<vmem>>, vector<1024x16xi32>
    tpu.vector_store %arg1[%swap3A, %swap3A_359], %convert_element_type3A_358 {strides = array<i32>} : memref<1024x16xi32, #tpu.memory_space<vmem>>, vector<1024x16xi32>,
    return
  }
}

</mosaic_0001>

<sc_bundles>
// kernel: kernel.4.cloned.1.call-start
scs
__scs_entry_jumppad:
0x0: {  	(pc) =	sbr.rel $0x88, $3  }
0x1: {  	(tag) =	ssettag $0x0;
	lr =	simm.s32 $0x1  }
0x2: {  	[smem:$0x3F9F] =	sst lr;
	_ =	strace $0xD0000000  }
0x3: {  	_ = 	snop  }
0x4: {  	_ = 	snop  }
0x5: {  	_ = 	snop  }
0x6: {  	_ = 	snop  }
0x7: {  	_ = 	snop  }
__scs_overlays_trampoline_lowered:
0x8: {  	[smem:$0x3FAE] =	sst s0  }
0x9: {  	[smem:$0x3FAF] =	sst s1  }
0xa: {  	[smem:$0x3FB0] =	sst s2  }
0xb: {  	[smem:$0x3FB1] =	sst s3  }
0xc: {  	[smem:$0x3FB2] =	sst s4  }
0xd: {  	[smem:$0x3FB3] =	sst s5  }
0xe: {  	[smem:$0x3FB4] =	sst s6  }
0xf: {  	[smem:$0x3FB5] =	sst s7  }
0x10: {  	[smem:$0x3FB6] =	sst s8  }
0x11: {  	[smem:$0x3FB7] =	sst s9;
	s0 =	simm.s32 @!p0 $0x0  }
0x12: {  	s1 =	sld [smem:$0x3F9D];
	s0 =	simm.s32 @p0 $0x1  }
0x13: {  	[smem:$0x3FB8] =	sst s0;
	s0 =	simm.s32 @!p1 $0x0  }
0x14: {  	s2 =	sld [smem:$0x3F9C];
	s0 =	simm.s32 @p1 $0x1  }
0x15: {  	[smem:$0x3FB9] =	sst s0;
	s0 =	simm.s32 @!p2 $0x0  }
0x16: {  	s3 =	sld [smem:$0x3FDB];
	s0 =	simm.s32 @p2 $0x1  }
0x17: {  	s4 =	simm.s32 $0x1BF5;
	[smem:$0x3FBB] =	sst s0  }
0x18: {  	s0 =	sld [smem:$0x3F9E];
	_ =	swait.ge [sflag:s4], $0x0  }
0x19: {  	s7 =	sld [smem:$0x3F9F]  }
0x1a: {  	s8 =	sadd.s32 $0xFFFFE003, lr  }
0x1b: {  	s9 =	sadd.s32 $0xFFFFFEF7, lr;
	s5 =	simm.s32 $0xFFFFFFFF;
	p2 =	slt.u32 s8, $0xFFFFF086  }
0x1c: {  	p1 =	slt.u32 s9, $0xF7A;
	s5 =	simm.s32 @!p2 $0x0  }
0x1d: {  	s5 =	simm.s32 @p1 $0x1;
	p0 =	seq.s32 s7, s2  }
0x1e: {  	s7 =	smul.u32 @!p0 $0xF7A, s2;
	p2 =	seq.s32 @!p0 s5, $0x0  }
0x1f: {  	s9 =	smul.u32 $0xF7A, s1;
	s8 =	simm.s32 @!p0 $0x1BF5;
	p2 =	por !p2, p0  }
0x20: {  	[sflag:s8] =	ssyncset.s32 @!p0 $0xFFFFF086;
	s6 =	sadd.s32 @!p0 s3, s7;
	s7 =	simm.s32 @!p0 $0x108  }
0x21: {  	s3 =	sadd.s32 s3, s9;
	s6 =	sadd.s32 @!p0 $0x88, s6;
	s7 =	simm.s32 @p2 $0x1082  }
0x22: {  	[simem:s7], [sflag:s8] =	dma.local @!p0 [hbm:s6], $0xF7A  }
0x23: {  	s9 =	sor.u32 $0xD0000000, s2;
	s6 =	simm.s32 $0x108;
	_ =	swait.ge @!p0 [sflag:s8], $0x0  }
0x24: {  	s3 =	sadd.s32 $0x88, s3;
	s6 =	simm.s32 @!p1 $0x1082;
	[sflag:s4] =	ssyncset.s32 $0xFFFFF086  }
0x25: {  	[simem:s6], [sflag:s4] =	dma.local [hbm:s3], $0xF7A  }
0x26: {  	[smem:$0x3F9F] =	sst s1;
	(tag) =	ssettag s2;
	_ =	strace s9  }
0x27: {  	s1 =	sld [smem:$0x3FAF]  }
0x28: {  	s2 =	sld [smem:$0x3FB0]  }
0x29: {  	s4 =	sld [smem:$0x3FB2]  }
0x2a: {  	p0 =	seq.s32 s5, $0x0;
	s5 =	sld [smem:$0x3FB3]  }
0x2b: {  	s6 =	sld [smem:$0x3FB4]  }
0x2c: {  	s7 =	sld [smem:$0x3FB5]  }
0x2d: {  	s3 =	simm.s32 $0x108;
	s8 =	sld [smem:$0x3FB6]  }
0x2e: {  	s3 =	simm.s32 @!p0 $0x1082;
	s9 =	sld [smem:$0x3FB7]  }
0x2f: {  	lr =	sadd.s32 s0, s3;
	s0 =	sld [smem:$0x3FAE]  }
0x30: {  	s3 =	sld [smem:$0x3FB1]  }
0x31: {  	[smem:$0x3FBA] =	sst s10  }
0x32: {  	s10 =	sld [smem:$0x3FB8];
	_ =	sdelay $0x3  }
0x33: {  	p0 =	seq.s32 s10, $0x1;
	s10 =	sld [smem:$0x3FBA];
	_ =	sdelay $0x3  }
0x34: {  	[smem:$0x3FBA] =	sst s10  }
0x35: {  	s10 =	sld [smem:$0x3FB9];
	_ =	sdelay $0x3  }
0x36: {  	p1 =	seq.s32 s10, $0x1;
	s10 =	sld [smem:$0x3FBA];
	_ =	sdelay $0x3  }
0x37: {  	[smem:$0x3FBA] =	sst s10  }
0x38: {  	s10 =	sld [smem:$0x3FBB]  }
0x39: {  	_ = 	snop;
	(pc) =	sbr.ind lr, $3  }
0x3a: {  	_ = 	snop  }
0x3b: {  	_ = 	snop  }
0x3c: {  	p2 =	seq.s32 s10, $0x1;
	s10 =	sld [smem:$0x3FBA]  }
0x3d: {  	_ =	shalt  }
0x3e: {  	_ =	shalt  }
0x3f: {  	_ =	shalt  }
0x40: {  	_ =	shalt  }
0x41: {  	_ =	shalt  }
0x42: {  	_ =	shalt  }
0x43: {  	_ =	shalt  }
0x44: {  	_ =	shalt  }
0x45: {  	_ =	shalt  }
0x46: {  	_ =	shalt  }
0x47: {  	_ =	shalt  }
0x48: {  	_ =	shalt  }
0x49: {  	_ =	shalt  }
0x4a: {  	_ =	shalt  }
0x4b: {  	_ =	shalt  }
0x4c: {  	_ =	shalt  }
0x4d: {  	_ =	shalt  }
0x4e: {  	_ =	shalt  }
0x4f: {  	_ =	shalt  }
0x50: {  	_ =	shalt  }
0x51: {  	_ =	shalt  }
0x52: {  	_ =	shalt  }
0x53: {  	_ =	shalt  }
0x54: {  	_ =	shalt  }
0x55: {  	_ =	shalt  }
0x56: {  	_ =	shalt  }
0x57: {  	_ =	shalt  }
0x58: {  	_ =	shalt  }
0x59: {  	_ =	shalt  }
0x5a: {  	_ =	shalt  }
0x5b: {  	_ =	shalt  }
0x5c: {  	_ =	shalt  }
0x5d: {  	_ =	shalt  }
0x5e: {  	_ =	shalt  }
0x5f: {  	_ =	shalt  }
0x60: {  	_ =	shalt  }
0x61: {  	_ =	shalt  }
0x62: {  	_ =	shalt  }
0x63: {  	_ =	shalt  }
0x64: {  	_ =	shalt  }
0x65: {  	_ =	shalt  }
0x66: {  	_ =	shalt  }
0x67: {  	_ =	shalt  }
0x68: {  	_ =	shalt  }
0x69: {  	_ =	shalt  }
0x6a: {  	_ =	shalt  }
0x6b: {  	_ =	shalt  }
0x6c: {  	_ =	shalt  }
0x6d: {  	_ =	shalt  }
0x6e: {  	_ =	shalt  }
0x6f: {  	_ =	shalt  }
0x70: {  	_ =	shalt  }
0x71: {  	_ =	shalt  }
0x72: {  	_ =	shalt  }
0x73: {  	_ =	shalt  }
0x74: {  	_ =	shalt  }
0x75: {  	_ =	shalt  }
0x76: {  	_ =	shalt  }
0x77: {  	_ =	shalt  }
0x78: {  	_ =	shalt  }
0x79: {  	_ =	shalt  }
0x7a: {  	_ =	shalt  }
0x7b: {  	_ =	shalt  }
0x7c: {  	_ =	shalt  }
0x7d: {  	_ =	shalt  }
0x7e: {  	_ =	shalt  }
0x7f: {  	_ =	shalt  }
0x80: {  	_ =	shalt  }
0x81: {  	_ =	shalt  }
0x82: {  	_ =	shalt  }
0x83: {  	_ =	shalt  }
0x84: {  	_ =	shalt  }
0x85: {  	_ =	shalt  }
0x86: {  	_ =	shalt  }
0x87: {  	_ =	shalt  }
.Lfunc_end0:
.L_simem_size_0:
called_computation.1_lowered:
.L_overlay_start_0:
0x88: {  	s2 =	sld [smem:$0x3FD9]  }
0x89: {  	s3 =	sld [smem:$0x3FFE];
	_ =	sdelay $0x1  }
0x8a: {  	s1 =	srdreg.scid  }
0x8b: {  	s0 =	sand.u32 $0x1, s1  }
0x8c: {  	s17 =	sshll.u32 s0, $0xA;
	s2 =	sadd.s32 s3, s2  }
0x8d: {  	s2 =	sadd.s32 s2, s17  }
0x8e: {  	[smem:$0x3FC6] =	sst s2  }
0x8f: {  	_ = 	snop  }
0x90: {  	s2 =	sld [smem:$0x3FD0];
	(tm) =	ssettm $0x1  }
0x91: {  	s18 =	sld [smem:$0x3FFB];
	_ =	sdelay $0x3  }
0x92: {  	_ =	strace s18  }
0x93: {  	s3 =	sld [smem:$0x3FFC];
	_ =	sdelay $0x3  }
0x94: {  	_ =	strace s3  }
0x95: {  	s3 =	sld [smem:$0x3FFD];
	_ =	sdelay $0x3  }
0x96: {  	_ =	strace s3  }
0x97: {  	_ =	strace $0x8FFFFFFF  }
0x98: {  	s19 =	sld [smem:$0x3FDB];
	_ =	sdelay $0x1  }
0x99: {  	s4 =	simm.s32 $_scs_section_size  }
0x9a: {  	s5 =	simm.s32 $_size__tile_overlayer_lowered;
	s6 =	simm.s32 $_tile_overlayer_lowered  }
0x9b: {  	s22 =	simm.s32 $0x1BFF;
	s21 =	sshll.u32 s6, $0x1;
	s3 =	sadd.s32 s4, s19  }
0x9c: {  	s7 =	simm.s32 $0x0;
	s20 =	sshll.u32 s5, $0x1;
	s5 =	sadd.s32 s21, s3  }
0x9d: {  	[timem:s7], [sflag:s22] =	dma.local [hbm:s5], s20  }
0x9e: {  	_ =	swait.ge [sflag:s22], s20  }
0x9f: {  	s4 =	ssub.s32 $0x0, s20;
	[sflag:s22] =	ssyncset.done $0x0  }
0xa0: {  	[sflag:s22] =	ssyncadd.s32 s4;
	_ =	sdelay $0x1  }
0xa1: {  	s23 =	simm.s32 $0x1B8B  }
0xa2: {  	_ =	swait.ge [sflag:s23], $0x1  }
0xa3: {  	[sflag:s23] =	ssyncset.done $0x0  }
0xa4: {  	s25 =	simm.s32 $0x1B8E;
	s24 =	sld [smem:$0x3FFE];
	[sflag:s23] =	ssyncadd.s32 $0xFFFFFFFF  }
0xa5: {  	s26 =	simm.s32 $execute0_lowered;
	[smem:$0x3FD2] =	sst s25  }
0xa6: {  	s5 =	sshll.u32 s26, $0x1;
	_ =	strace $0x80000046;
	[dreg:$0x1] =	wrdreg $0xFFFFFFFF  }
0xa7: {  	s28 =	simm.s32 $_size_execute0_lowered;
	s3 =	sadd.s32 s3, s5;
	[dreg:$0x0] =	wrdreg $0x0  }
0xa8: {  	s5 =	sshll.u32 s28, $0x1;
	[dreg:$0x2] =	wrdreg s3  }
0xa9: {  	[dreg:$0x3] =	wrdreg s5  }
0xaa: {  	[dreg:$0x4] =	wrdreg $0xC0  }
0xab: {  	_ =	task [dreg:s7], $0x5FFFF  }
0xac: {  	[dreg:$0x1] =	wrdreg $0xFFFFFFFF  }
0xad: {  	[dreg:$0x0] =	wrdreg $0x60  }
0xae: {  	[dreg:$0x2] =	wrdreg s2  }
0xaf: {  	[dreg:$0x3] =	wrdreg s24  }
0xb0: {  	[dreg:$0x4] =	wrdreg $0x9  }
0xb1: {  	_ =	task.clear_ibuf [dreg:s7], $0x5FFFF;
	_ =	strace $0x90000046  }
0xb2: {  	s29 =	simm.s32 $0x9;
	_ =	strace $0x80000048  }
0xb3: {  	_ =	swait.ge [sflag:s29], $0x1  }
0xb4: {  	[sflag:s29] =	ssyncadd.s32 $0xFFFFFFFF  }
0xb5: {  	_ =	strace $0x90000048  }
0xb6: {  	_ =	sfence  }
0xb7: {  	s30 =	sld [smem:$0x0];
	_ =	sdelay $0x2  }
0xb8: {  	s31 =	sshll.u32 s1, $0xD;
	s1 =	sshrl.u32 s1, $0x2  }
0xb9: {  	s3 =	sand.u32 $0x4000, s31;
	s1 =	sadd.s32 s1, s30  }
0xba: {  	s0 =	sor.u32 s3, s0;
	s1 =	sshll.u32 s1, $0x11  }
0xbb: {  	s0 =	sor.u32 s1, s0  }
0xbc: {  	s0 =	sadd.s32 $0x8F2B, s0  }
0xbd: {  	[sflag:s0] =	ssyncadd.remote.s32 $0x1  }
0xbe: {  	_ =	sfence.sel $0xFFFF  }
0xbf: {  	[dreg:$0x0] =	wrdreg $0xFFFFFFFF;
	(pc) =	sbr.abs _section_cstart, $3  }
0xc0: {  	[dreg:$0x1] =	wrdreg $0xFFFFFFFF  }
0xc1: {  	_ =	task.clear_ibuf [dreg:s7], $0x2FFFF;
	_ =	strace $0x9FFFFFFF  }
0xc2: {  	(tm) =	ssettm $0x7FFFFFFF  }
0xc3: {  	_ =	shalt  }
tec
execute0_lowered:
.L_overlay_start_1:
0x0: {  	(tag) =	ssettag $0x1  }
0x1: {  	s0 =	rddreg [dreg:$0x0];
	s1 =	srdreg.scid  }
0x2: {  	s3 =	stileid.u32;
	s2 =	rddreg [dreg:$0x1]  }
0x3: {  	s5 =	simm.s32 $0x0;
	s1 =	sand.u32 $0x1, s1;
	s3 =	sshll.u32 s3, $0x1  }
0x4: {  	[smem:$0x7FF] =	sst s5;
	s6 =	sadd.s32 $0xA00, s2;
	s26 =	sadd.s32 $0x1400, s2  }
0x5: {  	v0 =	vlaneseq.u32;
	s3 =	sor.u32 s1, s3;
	_ =	strace $0x80000047;
	s1 =	ssub.s32 $0x2, s1  }
0x6: {  	v1 =	vmul.u32 $0x400, v0;
	[dreg:$0x8] =	wrdreg s6;
	s4 =	smul.u32 $0x81000, s3;
	s29 =	sshrl.u32 s1, $0x1  }
0x7: {  	v0 =	vmul.u32 $0x80, v0;
	[dreg:$0x9] =	wrdreg s26;
	s3 =	sshll.u32 s3, $0xC;
	s1 =	ssub.s32 s1, s29  }
0x8: {  	[tilespmem:$0x1FFC0] =	vst v1;
	s0 =	sadd.s32 s0, s3;
	[dreg:$0x7] =	wrdreg s4;
	s28 =	sshrl.u32 s4, $0x3  }
0x9: {  	v1 =	vor.u32 $0x4000, v1;
	[tilespmem:$0x1FFE0] =	vst v0;
	[dreg:$0xa] =	wrdreg s0;
	s31 =	smax.u32 s1, $0x1;
	s2 =	sadd.s32 s26, s28  }
0xa: {  	s10 =	simm.s32 $0x4080;
	v0 =	vor.u32 $0x800, v0;
	[tilespmem:$0x1FFD0] =	vst v1;
	[dreg:$0xc] =	wrdreg s31;
	s30 =	sadd.s32 $0x4000, s2  }
0xb: {  	[tilespmem:$0x1FFF0] =	vst v0;
	s1 =	simm.s32 $0x3;
	s2 =	simm.s32 $0x0;
	[dreg:$0xb] =	wrdreg s30  }
.LBB2_1:
0xc: {  	[dreg:$0xd] =	wrdreg s2  }
0xd: {  	s0 =	rddreg [dreg:$0x8]  }
0xe: {  	[tilespmem:s5], [sflag:$0x3] =	stream.linear.gather [hbm4b:s0+s5], $0x4080, $0x38;
	[tilespmem:$0x15080] =	vst v63  }
0xf: {  	_ =	swait.ge [sflag:s1], $0x4080  }
0x10: {  	[sflag:s1] =	ssyncset.done $0x0  }
0x11: {  	s31 =	rddreg [dreg:$0xa];
	[sflag:s1] =	ssyncadd.s32 $0xFFFFBF80  }
0x12: {  	[tilespmem:s10], [sflag:$0x3] =	stream.linear.gather [hbm4b:s31+s5], $0x8000, $0x38;
	[tilespmem:$0x15080] =	vst v63  }
0x13: {  	_ =	swait.ge [sflag:s1], $0x8000  }
0x14: {  	[sflag:s1] =	ssyncset.done $0x0  }
0x15: {  	s16 =	simm.s32 $0x0;
	[sflag:s1] =	ssyncadd.s32 $0xFFFF8000  }
.LBB2_2:
0x16: {  	p0 =	seq.s32 s16, $0x0;
	s1 =	sshll.u32 s16, $0xA  }
0x17: {  	s0 =	simm.s32 @!p0 $0x1;
	s1 =	sand.u32 $0x3FFFFC00, s1  }
0x18: {  	s2 =	simm.s32 $0x0;
	_ =	swait.ge @!p0 [sflag:s0], $0x4000;
	[dreg:$0x3] =	wrdreg s1  }
0x19: {  	s5 =	simm.s32 $0x10;
	s3 =	sand.u32 $0x180, s2;
	s1 =	rddreg [dreg:$0x3]  }
0x1a: {  	s31 =	sand.u32 $0x70, s5;
	[sflag:s0] =	ssyncset.done @!p0 $0x0;
	s3 =	sadd.s32 s3, s1  }
0x1b: {  	[sflag:s0] =	ssyncadd.s32 @!p0 $0xFFFFC000;
	s12 =	sadd.s32 s31, s3  }
0x1c: {  	v9 =	vld [tilespmem:s12+$0x0];
	_ =	sdelay $0x7  }
0x1d: {  	v0 =	vld.idx.msk [tilespmem:v9+s10+$0x0], $0xffff  }
0x1e: {  	s1 =	sand.u32 $0x60, s2;
	v1 =	vadd.s32 $0x400, v9  }
0x1f: {  	s4 =	sand.u32 $0xC00, s2;
	s13 =	sadd.s32 s1, s3  }
0x20: {  	s14 =	sor.u32 $0xC080, s4;
	v8 =	vld [tilespmem:s13+$0x0]  }
0x21: {  	s15 =	sor.u32 s31, s14  }
0x22: {  	[tilespmem:s15+$0x0] =	vst v0  }
0x23: {  	v0 =	vld.idx.msk [tilespmem:v1+s10+$0x0], $0xffff  }
0x24: {  	v1 =	vadd.s32 $0x800, v9;
	_ =	sdelay $0x3  }
0x25: {  	v2 =	vld.idx.msk [tilespmem:v8+s10+$0x0], $0xffff;
	[tilespmem:s15+$0x80] =	vst v0  }
0x26: {  	v0 =	vadd.s32 $0x400, v8;
	v1 =	vld.idx.msk [tilespmem:v1+s10+$0x0], $0xffff  }
0x27: {  	v3 =	vadd.s32 $0xC00, v9;
	_ =	sdelay $0x1  }
0x28: {  	s0 =	sor.u32 s1, s14  }
0x29: {  	[tilespmem:s0+$0x0] =	vst v2  }
0x2a: {  	v0 =	vld.idx.msk [tilespmem:v0+s10+$0x0], $0xffff;
	[tilespmem:s15+$0x100] =	vst v1  }
0x2b: {  	v1 =	vadd.s32 $0x800, v8;
	v2 =	vld.idx.msk [tilespmem:v3+s10+$0x0], $0xffff  }
0x2c: {  	v3 =	vadd.s32 $0x1000, v9;
	_ =	sdelay $0x2  }
0x2d: {  	[tilespmem:s0+$0x80] =	vst v0  }
0x2e: {  	v0 =	vld.idx.msk [tilespmem:v1+s10+$0x0], $0xffff;
	[tilespmem:s15+$0x180] =	vst v2  }
0x2f: {  	v1 =	vadd.s32 $0xC00, v8;
	v2 =	vld.idx.msk [tilespmem:v3+s10+$0x0], $0xffff  }
0x30: {  	v3 =	vadd.s32 $0x1400, v9;
	_ =	sdelay $0x2  }
0x31: {  	[tilespmem:s0+$0x100] =	vst v0  }
0x32: {  	v0 =	vld.idx.msk [tilespmem:v1+s10+$0x0], $0xffff;
	[tilespmem:s15+$0x200] =	vst v2  }
0x33: {  	v1 =	vadd.s32 $0x1000, v8;
	v2 =	vld.idx.msk [tilespmem:v3+s10+$0x0], $0xffff  }
0x34: {  	v3 =	vadd.s32 $0x1800, v9;
	_ =	sdelay $0x2  }
0x35: {  	[tilespmem:s0+$0x180] =	vst v0  }
0x36: {  	v0 =	vld.idx.msk [tilespmem:v1+s10+$0x0], $0xffff;
	[tilespmem:s15+$0x280] =	vst v2  }
0x37: {  	s17 =	sand.u32 $0x7, s2;
	v1 =	vadd.s32 $0x1400, v8;
	v2 =	vld.idx.msk [tilespmem:v3+s10+$0x0], $0xffff  }
0x38: {  	s3 =	sshll.u32 s17, $0x4;
	v3 =	vadd.s32 $0x1C00, v9  }
0x39: {  	s3 =	sadd.s32 $0x0, s3  }
0x3a: {  	s3 =	sadd.s32 $0x10, s3  }
0x3b: {  	s3 =	sor.u32 $0x300, s3;
	[tilespmem:s0+$0x200] =	vst v0  }
0x3c: {  	v0 =	vld.idx.msk [tilespmem:v1+s10+$0x0], $0xffff;
	[tilespmem:s3+$0xC080] =	vst v2  }
0x3d: {  	v1 =	vadd.s32 $0x1800, v8;
	v2 =	vld.idx.msk [tilespmem:v3+s10+$0x0], $0xffff  }
0x3e: {  	v3 =	vadd.s32 $0x2000, v9  }
0x3f: {  	s6 =	simm.s32 $0x20  }
0x40: {  	s5 =	sor.u32 s5, s2;
	s7 =	sand.u32 $0x180, s6  }
0x41: {  	s5 =	sor.u32 $0x380, s5;
	s18 =	rddreg [dreg:$0x3];
	[tilespmem:s0+$0x280] =	vst v0;
	s0 =	simm.s32 $0x30  }
0x42: {  	s3 =	sadd.s32 s7, s18;
	v0 =	vld.idx.msk [tilespmem:v1+s10+$0x0], $0xffff;
	s21 =	sand.u32 $0x70, s0;
	[tilespmem:s5+$0xC080] =	vst v2  }
0x43: {  	s19 =	sand.u32 $0x3, s2;
	v1 =	vadd.s32 $0x1C00, v8;
	s7 =	sadd.s32 s21, s3;
	v2 =	vld.idx.msk [tilespmem:v3+s10+$0x0], $0xffff  }
0x44: {  	s5 =	sshll.u32 s19, $0x5;
	v5 =	vld [tilespmem:s7+$0x0]  }
0x45: {  	s5 =	sadd.s32 $0x0, s5;
	v3 =	vadd.s32 $0x2400, v9  }
0x46: {  	s5 =	sor.u32 $0x300, s5  }
0x47: {  	s22 =	sand.u32 $0x60, s6;
	s20 =	sor.u32 $0xD080, s4;
	[tilespmem:s5+$0xC080] =	vst v0  }
0x48: {  	s23 =	sor.u32 s31, s20;
	s3 =	sadd.s32 s22, s3;
	v0 =	vld.idx.msk [tilespmem:v1+s10+$0x0], $0xffff  }
0x49: {  	v10 =	vld [tilespmem:s3+$0x0];
	v1 =	vadd.s32 $0x2000, v8;
	[tilespmem:s23+$0x0] =	vst v2  }
0x4a: {  	v2 =	vld.idx.msk [tilespmem:v3+s10+$0x0], $0xffff  }
0x4b: {  	s2 =	sor.u32 s2, s2;
	v3 =	vadd.s32 $0x2800, v9  }
0x4c: {  	s2 =	sor.u32 $0x380, s2;
	v4 =	vld.idx.msk [tilespmem:v5+s10+$0x0], $0xffff  }
0x4d: {  	s8 =	sor.u32 $0xD100, s4;
	s3 =	simm.s32 $0x100;
	[tilespmem:s2+$0xC080] =	vst v0;
	v0 =	vadd.s32 $0x400, v5  }
0x4e: {  	s24 =	sor.u32 s31, s8;
	s23 =	sand.u32 $0xC00, s3;
	v1 =	vld.idx.msk [tilespmem:v1+s10+$0x0], $0xffff  }
0x4f: {  	v6 =	vadd.s32 $0x2400, v8;
	s25 =	sor.u32 $0xC080, s23;
	[tilespmem:s24+$0x0] =	vst v2  }
0x50: {  	s26 =	sor.u32 s21, s25;
	v2 =	vld.idx.msk [tilespmem:v3+s10+$0x0], $0xffff  }
0x51: {  	v3 =	vld.idx.msk [tilespmem:v10+s10+$0x0], $0xffff;
	[tilespmem:s26+$0x0] =	vst v4;
	v4 =	vadd.s32 $0x2C00, v9  }
0x52: {  	s5 =	sor.u32 s1, s20;
	v7 =	vadd.s32 $0x400, v10;
	v0 =	vld.idx.msk [tilespmem:v0+s10+$0x0], $0xffff  }
0x53: {  	s11 =	sor.u32 $0xD180, s4;
	[tilespmem:s5+$0x0] =	vst v1;
	v1 =	vadd.s32 $0x800, v5  }
0x54: {  	s9 =	sor.u32 s31, s11;
	v6 =	vld.idx.msk [tilespmem:v6+s10+$0x0], $0xffff  }
0x55: {  	v11 =	vadd.s32 $0x2800, v8;
	s2 =	sor.u32 s22, s25;
	[tilespmem:s9+$0x0] =	vst v2  }
0x56: {  	[tilespmem:s2+$0x0] =	vst v3;
	v2 =	vld.idx.msk [tilespmem:v4+s10+$0x0], $0xffff  }
0x57: {  	v3 =	vld.idx.msk [tilespmem:v7+s10+$0x0], $0xffff;
	[tilespmem:s26+$0x80] =	vst v0;
	v0 =	vadd.s32 $0x3000, v9  }
0x58: {  	s8 =	sor.u32 s1, s8;
	v4 =	vadd.s32 $0x800, v10;
	v1 =	vld.idx.msk [tilespmem:v1+s10+$0x0], $0xffff  }
0x59: {  	s12 =	sor.u32 $0xD200, s4;
	[tilespmem:s8+$0x0] =	vst v6;
	v6 =	vadd.s32 $0xC00, v5  }
0x5a: {  	s13 =	sor.u32 s31, s12;
	v7 =	vld.idx.msk [tilespmem:v11+s10+$0x0], $0xffff  }
0x5b: {  	v11 =	vadd.s32 $0x2C00, v8;
	[tilespmem:s13+$0x0] =	vst v2  }
0x5c: {  	[tilespmem:s2+$0x80] =	vst v3;
	v0 =	vld.idx.msk [tilespmem:v0+s10+$0x0], $0xffff  }
0x5d: {  	v2 =	vld.idx.msk [tilespmem:v4+s10+$0x0], $0xffff;
	[tilespmem:s26+$0x100] =	vst v1;
	v1 =	vadd.s32 $0x3400, v9  }
0x5e: {  	s5 =	sor.u32 s1, s11;
	v3 =	vadd.s32 $0xC00, v10;
	v4 =	vld.idx.msk [tilespmem:v6+s10+$0x0], $0xffff  }
0x5f: {  	s14 =	sor.u32 $0xD280, s4;
	v6 =	vadd.s32 $0x1000, v5;
	[tilespmem:s5+$0x0] =	vst v7  }
0x60: {  	s15 =	sor.u32 s31, s14;
	v7 =	vld.idx.msk [tilespmem:v11+s10+$0x0], $0xffff  }
0x61: {  	v11 =	vadd.s32 $0x3000, v8;
	[tilespmem:s15+$0x0] =	vst v0  }
0x62: {  	[tilespmem:s2+$0x100] =	vst v2;
	v0 =	vld.idx.msk [tilespmem:v1+s10+$0x0], $0xffff  }
0x63: {  	v2 =	vadd.s32 $0x3800, v9;
	v1 =	vld.idx.msk [tilespmem:v3+s10+$0x0], $0xffff;
	[tilespmem:s26+$0x180] =	vst v4  }
0x64: {  	s8 =	sor.u32 s1, s12;
	v3 =	vadd.s32 $0x1000, v10;
	v4 =	vld.idx.msk [tilespmem:v6+s10+$0x0], $0xffff  }
0x65: {  	s17 =	sor.u32 $0xD300, s4;
	v6 =	vadd.s32 $0x1400, v5;
	[tilespmem:s8+$0x0] =	vst v7  }
0x66: {  	s18 =	sor.u32 s31, s17;
	v7 =	vld.idx.msk [tilespmem:v11+s10+$0x0], $0xffff  }
0x67: {  	v11 =	vadd.s32 $0x3400, v8;
	[tilespmem:s18+$0x0] =	vst v0  }
0x68: {  	[tilespmem:s2+$0x180] =	vst v1;
	v0 =	vld.idx.msk [tilespmem:v2+s10+$0x0], $0xffff  }
0x69: {  	v1 =	vld.idx.msk [tilespmem:v3+s10+$0x0], $0xffff;
	v2 =	vadd.s32 $0x3C00, v9;
	[tilespmem:s26+$0x200] =	vst v4  }
0x6a: {  	s5 =	sor.u32 s1, s14;
	v3 =	vadd.s32 $0x1400, v10;
	v4 =	vld.idx.msk [tilespmem:v6+s10+$0x0], $0xffff  }
0x6b: {  	s19 =	sor.u32 $0xD380, s4;
	v6 =	vadd.s32 $0x1800, v5;
	[tilespmem:s5+$0x0] =	vst v7  }
0x6c: {  	s20 =	sor.u32 s31, s19;
	v7 =	vld.idx.msk [tilespmem:v11+s10+$0x0], $0xffff  }
0x6d: {  	v11 =	vadd.s32 $0x3800, v8;
	[tilespmem:s20+$0x0] =	vst v0  }
0x6e: {  	[tilespmem:s2+$0x200] =	vst v1;
	v0 =	vld.idx.msk [tilespmem:v2+s10+$0x0], $0xffff  }
0x6f: {  	s24 =	simm.s32 $0x2;
	v1 =	vld.idx.msk [tilespmem:v3+s10+$0x0], $0xffff;
	v2 =	vadd.s32 $0x4000, v9;
	[tilespmem:s26+$0x280] =	vst v4  }
0x70: {  	s7 =	sand.u32 $0x7, s24;
	s8 =	sor.u32 s1, s17;
	v3 =	vadd.s32 $0x1800, v10;
	v4 =	vld.idx.msk [tilespmem:v6+s10+$0x0], $0xffff  }
0x71: {  	s25 =	sadd.s32 $0xD400, s4;
	s7 =	sshll.u32 s7, $0x4;
	v6 =	vadd.s32 $0x1C00, v5;
	[tilespmem:s8+$0x0] =	vst v7  }
0x72: {  	s7 =	sadd.s32 $0x100, s7;
	s26 =	sor.u32 s31, s25;
	v7 =	vld.idx.msk [tilespmem:v11+s10+$0x0], $0xffff  }
0x73: {  	s7 =	sadd.s32 $0x10, s7;
	v11 =	vadd.s32 $0x3C00, v8;
	[tilespmem:s26+$0x0] =	vst v0  }
0x74: {  	s9 =	sor.u32 $0x300, s7;
	[tilespmem:s2+$0x280] =	vst v1;
	v0 =	vld.idx.msk [tilespmem:v2+s10+$0x0], $0xffff  }
0x75: {  	s11 =	simm.s32 $0x1;
	v1 =	vld.idx.msk [tilespmem:v3+s10+$0x0], $0xffff;
	v2 =	vadd.s32 $0x4400, v9;
	[tilespmem:s9+$0xC080] =	vst v4  }
0x76: {  	s12 =	sand.u32 $0x3, s11;
	s5 =	sor.u32 s1, s19;
	v3 =	vadd.s32 $0x1C00, v10;
	v4 =	vld.idx.msk [tilespmem:v6+s10+$0x0], $0xffff  }
0x77: {  	s13 =	sor.u32 $0xE080, s4;
	s2 =	sshll.u32 s12, $0x5;
	v6 =	vadd.s32 $0x2000, v5;
	[tilespmem:s5+$0x0] =	vst v7  }
0x78: {  	s0 =	sor.u32 s0, s3;
	s14 =	sor.u32 s31, s13;
	s2 =	sadd.s32 $0x100, s2;
	v7 =	vld.idx.msk [tilespmem:v11+s10+$0x0], $0xffff  }
0x79: {  	s15 =	rddreg [dreg:$0x3];
	s11 =	sor.u32 $0x300, s2;
	s2 =	simm.s32 $0x40;
	v11 =	vadd.s32 $0x4000, v8;
	[tilespmem:s14+$0x0] =	vst v0  }
0x7a: {  	s17 =	sor.u32 $0x380, s0;
	s0 =	simm.s32 $0x50;
	s18 =	sand.u32 $0x180, s2;
	[tilespmem:s11+$0xC080] =	vst v1;
	v0 =	vld.idx.msk [tilespmem:v2+s10+$0x0], $0xffff  }
0x7b: {  	s24 =	sand.u32 $0x70, s0;
	s19 =	sadd.s32 s18, s15;
	v1 =	vld.idx.msk [tilespmem:v3+s10+$0x0], $0xffff;
	v2 =	vadd.s32 $0x4800, v9;
	[tilespmem:s17+$0xC080] =	vst v4  }
0x7c: {  	s8 =	sor.u32 s1, s25;
	s9 =	sadd.s32 s24, s19;
	v3 =	vld.idx.msk [tilespmem:v6+s10+$0x0], $0xffff  }
0x7d: {  	s20 =	sor.u32 $0xE100, s4;
	s25 =	sand.u32 $0x60, s2;
	v4 =	vadd.s32 $0x2000, v10;
	v6 =	vld [tilespmem:s9+$0x0];
	[tilespmem:s8+$0x0] =	vst v7  }
0x7e: {  	s26 =	sor.u32 s31, s20;
	s7 =	sadd.s32 s25, s19;
	v7 =	vld.idx.msk [tilespmem:v11+s10+$0x0], $0xffff;
	v11 =	vadd.s32 $0x2400, v5  }
0x7f: {  	v12 =	vadd.s32 $0x4400, v8;
	s3 =	sor.u32 s6, s3;
	v17 =	vld [tilespmem:s7+$0x0];
	[tilespmem:s26+$0x0] =	vst v0  }
0x80: {  	s3 =	sor.u32 $0x380, s3;
	s7 =	sor.u32 $0xD080, s23;
	v0 =	vld.idx.msk [tilespmem:v2+s10+$0x0], $0xffff  }
0x81: {  	s9 =	sor.u32 s21, s7;
	[tilespmem:s3+$0xC080] =	vst v1;
	v1 =	vadd.s32 $0x4C00, v9  }
0x82: {  	s5 =	sor.u32 s1, s13;
	v2 =	vld.idx.msk [tilespmem:v4+s10+$0x0], $0xffff;
	[tilespmem:s9+$0x0] =	vst v3  }
0x83: {  	v3 =	vadd.s32 $0x2400, v10;
	[tilespmem:s5+$0x0] =	vst v7;
	v4 =	vld.idx.msk [tilespmem:v11+s10+$0x0], $0xffff;
	s5 =	sor.u32 $0xE180, s4  }
0x84: {  	v11 =	vadd.s32 $0x2800, v5;
	v7 =	vld.idx.msk [tilespmem:v12+s10+$0x0], $0xffff;
	s11 =	sor.u32 s31, s5  }
0x85: {  	v12 =	vadd.s32 $0x4800, v8;
	v13 =	vld.idx.msk [tilespmem:v6+s10+$0x0], $0xffff;
	[tilespmem:s11+$0x0] =	vst v0  }
0x86: {  	s6 =	simm.s32 $0x200;
	s13 =	sor.u32 $0xD100, s23;
	s12 =	sor.u32 s22, s7;
	v0 =	vld.idx.msk [tilespmem:v1+s10+$0x0], $0xffff;
	v1 =	vadd.s32 $0x400, v6  }
0x87: {  	v14 =	vadd.s32 $0x5000, v9;
	s14 =	sor.u32 s21, s13;
	s26 =	sand.u32 $0xC00, s6;
	[tilespmem:s12+$0x0] =	vst v2;
	v2 =	vld.idx.msk [tilespmem:v17+s10+$0x0], $0xffff  }
0x88: {  	s15 =	sor.u32 s1, s20;
	v15 =	vadd.s32 $0x400, v17;
	s17 =	sor.u32 $0xC080, s26;
	v3 =	vld.idx.msk [tilespmem:v3+s10+$0x0], $0xffff;
	[tilespmem:s14+$0x0] =	vst v4  }
0x89: {  	s18 =	sor.u32 $0xE200, s4;
	s7 =	sor.u32 s24, s17;
	v4 =	vadd.s32 $0x2800, v10;
	[tilespmem:s15+$0x0] =	vst v7;
	v7 =	vld.idx.msk [tilespmem:v11+s10+$0x0], $0xffff  }
0x8a: {  	s19 =	sor.u32 s31, s18;
	[tilespmem:s7+$0x0] =	vst v13;
	v11 =	vadd.s32 $0x2C00, v5;
	v12 =	vld.idx.msk [tilespmem:v12+s10+$0x0], $0xffff  }
0x8b: {  	s3 =	sor.u32 s25, s17;
	v13 =	vadd.s32 $0x4C00, v8;
	v1 =	vld.idx.msk [tilespmem:v1+s10+$0x0], $0xffff;
	[tilespmem:s19+$0x0] =	vst v0  }
0x8c: {  	s20 =	sor.u32 $0xD180, s23;
	s9 =	sor.u32 s22, s13;
	[tilespmem:s3+$0x0] =	vst v2;
	v2 =	vadd.s32 $0x800, v6;
	v0 =	vld.idx.msk [tilespmem:v14+s10+$0x0], $0xffff  }
0x8d: {  	s12 =	sor.u32 s21, s20;
	[tilespmem:s9+$0x0] =	vst v3;
	v3 =	vadd.s32 $0x5400, v9;
	v14 =	vld.idx.msk [tilespmem:v15+s10+$0x0], $0xffff  }
0x8e: {  	s5 =	sor.u32 s1, s5;
	v15 =	vadd.s32 $0x800, v17;
	v4 =	vld.idx.msk [tilespmem:v4+s10+$0x0], $0xffff;
	[tilespmem:s12+$0x0] =	vst v7  }
0x8f: {  	v7 =	vadd.s32 $0x2C00, v10;
	v11 =	vld.idx.msk [tilespmem:v11+s10+$0x0], $0xffff;
	[tilespmem:s5+$0x0] =	vst v12;
	s5 =	sor.u32 $0xE280, s4  }
0x90: {  	[tilespmem:s7+$0x80] =	vst v1;
	v1 =	vadd.s32 $0x3000, v5;
	v12 =	vld.idx.msk [tilespmem:v13+s10+$0x0], $0xffff;
	s13 =	sor.u32 s31, s5  }
0x91: {  	v13 =	vadd.s32 $0x5000, v8;
	v2 =	vld.idx.msk [tilespmem:v2+s10+$0x0], $0xffff;
	[tilespmem:s13+$0x0] =	vst v0  }
0x92: {  	s14 =	sor.u32 s22, s20;
	s15 =	sor.u32 $0xD200, s23;
	[tilespmem:s3+$0x80] =	vst v14;
	v0 =	vld.idx.msk [tilespmem:v3+s10+$0x0], $0xffff;
	v3 =	vadd.s32 $0xC00, v6  }
0x93: {  	s17 =	sor.u32 s21, s15;
	v14 =	vld.idx.msk [tilespmem:v15+s10+$0x0], $0xffff;
	[tilespmem:s14+$0x0] =	vst v4;
	v4 =	vadd.s32 $0x5800, v9  }
0x94: {  	s8 =	sor.u32 s1, s18;
	v15 =	vadd.s32 $0xC00, v17;
	v7 =	vld.idx.msk [tilespmem:v7+s10+$0x0], $0xffff;
	[tilespmem:s17+$0x0] =	vst v11  }
0x95: {  	v11 =	vadd.s32 $0x3000, v10;
	v1 =	vld.idx.msk [tilespmem:v1+s10+$0x0], $0xffff;
	[tilespmem:s8+$0x0] =	vst v12;
	s8 =	sor.u32 $0xE300, s4  }
0x96: {  	[tilespmem:s7+$0x100] =	vst v2;
	v2 =	vadd.s32 $0x3400, v5;
	v12 =	vld.idx.msk [tilespmem:v13+s10+$0x0], $0xffff;
	s18 =	sor.u32 s31, s8  }
0x97: {  	v13 =	vadd.s32 $0x5400, v8;
	v3 =	vld.idx.msk [tilespmem:v3+s10+$0x0], $0xffff;
	[tilespmem:s18+$0x0] =	vst v0  }
0x98: {  	s20 =	sor.u32 $0xD280, s23;
	s19 =	sor.u32 s22, s15;
	[tilespmem:s3+$0x100] =	vst v14;
	v0 =	vld.idx.msk [tilespmem:v4+s10+$0x0], $0xffff;
	v4 =	vadd.s32 $0x1000, v6  }
0x99: {  	s12 =	sor.u32 s21, s20;
	v14 =	vld.idx.msk [tilespmem:v15+s10+$0x0], $0xffff;
	[tilespmem:s19+$0x0] =	vst v7;
	v7 =	vadd.s32 $0x5C00, v9  }
0x9a: {  	s5 =	sor.u32 s1, s5;
	v15 =	vadd.s32 $0x1000, v17;
	v11 =	vld.idx.msk [tilespmem:v11+s10+$0x0], $0xffff;
	[tilespmem:s12+$0x0] =	vst v1  }
0x9b: {  	v1 =	vadd.s32 $0x3400, v10;
	v2 =	vld.idx.msk [tilespmem:v2+s10+$0x0], $0xffff;
	[tilespmem:s5+$0x0] =	vst v12;
	s5 =	sor.u32 $0xE380, s4  }
0x9c: {  	[tilespmem:s7+$0x180] =	vst v3;
	v3 =	vadd.s32 $0x3800, v5;
	v12 =	vld.idx.msk [tilespmem:v13+s10+$0x0], $0xffff;
	s13 =	sor.u32 s31, s5  }
0x9d: {  	v13 =	vadd.s32 $0x5800, v8;
	v4 =	vld.idx.msk [tilespmem:v4+s10+$0x0], $0xffff;
	[tilespmem:s13+$0x0] =	vst v0  }
0x9e: {  	s15 =	sor.u32 $0xD300, s23;
	s14 =	sor.u32 s22, s20;
	[tilespmem:s3+$0x180] =	vst v14;
	v0 =	vld.idx.msk [tilespmem:v7+s10+$0x0], $0xffff;
	v7 =	vadd.s32 $0x1400, v6  }
0x9f: {  	s17 =	sor.u32 s21, s15;
	v14 =	vld.idx.msk [tilespmem:v15+s10+$0x0], $0xffff;
	[tilespmem:s14+$0x0] =	vst v11;
	v11 =	vadd.s32 $0x6000, v9  }
0xa0: {  	s8 =	sor.u32 s1, s8;
	v15 =	vadd.s32 $0x1400, v17;
	v1 =	vld.idx.msk [tilespmem:v1+s10+$0x0], $0xffff;
	[tilespmem:s17+$0x0] =	vst v2  }
0xa1: {  	v2 =	vadd.s32 $0x3800, v10;
	v3 =	vld.idx.msk [tilespmem:v3+s10+$0x0], $0xffff;
	[tilespmem:s8+$0x0] =	vst v12;
	s8 =	sadd.s32 $0xE400, s4  }
0xa2: {  	[tilespmem:s7+$0x200] =	vst v4;
	v4 =	vadd.s32 $0x3C00, v5;
	v12 =	vld.idx.msk [tilespmem:v13+s10+$0x0], $0xffff;
	s18 =	sor.u32 s31, s8  }
0xa3: {  	v13 =	vadd.s32 $0x5C00, v8;
	v7 =	vld.idx.msk [tilespmem:v7+s10+$0x0], $0xffff;
	[tilespmem:s18+$0x0] =	vst v0  }
0xa4: {  	s20 =	sor.u32 $0xD380, s23;
	s19 =	sor.u32 s22, s15;
	[tilespmem:s3+$0x200] =	vst v14;
	v0 =	vld.idx.msk [tilespmem:v11+s10+$0x0], $0xffff;
	v11 =	vadd.s32 $0x1800, v6  }
0xa5: {  	s12 =	sor.u32 s21, s20;
	v14 =	vld.idx.msk [tilespmem:v15+s10+$0x0], $0xffff;
	[tilespmem:s19+$0x0] =	vst v1;
	v1 =	vadd.s32 $0x6400, v9  }
0xa6: {  	s5 =	sor.u32 s1, s5;
	v15 =	vadd.s32 $0x1800, v17;
	v2 =	vld.idx.msk [tilespmem:v2+s10+$0x0], $0xffff;
	[tilespmem:s12+$0x0] =	vst v3  }
0xa7: {  	s9 =	sor.u32 $0xF080, s4;
	v3 =	vadd.s32 $0x3C00, v10;
	v4 =	vld.idx.msk [tilespmem:v4+s10+$0x0], $0xffff;
	[tilespmem:s5+$0x0] =	vst v12  }
0xa8: {  	s13 =	sor.u32 s31, s9;
	s14 =	simm.s32 $0x4;
	[tilespmem:s7+$0x280] =	vst v7;
	v7 =	vadd.s32 $0x4000, v5;
	v12 =	vld.idx.msk [tilespmem:v13+s10+$0x0], $0xffff  }
0xa9: {  	s15 =	sand.u32 $0x7, s14;
	v13 =	vadd.s32 $0x6000, v8;
	v11 =	vld.idx.msk [tilespmem:v11+s10+$0x0], $0xffff;
	[tilespmem:s13+$0x0] =	vst v0  }
0xaa: {  	s17 =	sor.u32 s22, s20;
	s18 =	sadd.s32 $0xD400, s23;
	s5 =	sshll.u32 s15, $0x4;
	[tilespmem:s3+$0x280] =	vst v14;
	v0 =	vld.idx.msk [tilespmem:v1+s10+$0x0], $0xffff;
	v1 =	vadd.s32 $0x1C00, v6  }
0xab: {  	s19 =	simm.s32 $0x2;
	s20 =	sor.u32 s21, s18;
	s5 =	sadd.s32 $0x200, s5;
	v14 =	vld.idx.msk [tilespmem:v15+s10+$0x0], $0xffff;
	[tilespmem:s17+$0x0] =	vst v2;
	v2 =	vadd.s32 $0x6800, v9  }
0xac: {  	s8 =	sor.u32 s1, s8;
	s11 =	sand.u32 $0x3, s19;
	s5 =	sadd.s32 $0x10, s5;
	v15 =	vadd.s32 $0x1C00, v17;
	v3 =	vld.idx.msk [tilespmem:v3+s10+$0x0], $0xffff;
	[tilespmem:s20+$0x0] =	vst v4  }
0xad: {  	s12 =	sshll.u32 s11, $0x5;
	s13 =	sor.u32 $0x300, s5;
	s5 =	sor.u32 $0xF100, s4;
	v4 =	vadd.s32 $0x4000, v10;
	v7 =	vld.idx.msk [tilespmem:v7+s10+$0x0], $0xffff;
	[tilespmem:s8+$0x0] =	vst v12  }
0xae: {  	s7 =	sadd.s32 $0x200, s12;
	s14 =	sor.u32 s31, s5;
	[tilespmem:s13+$0xC080] =	vst v11;
	v11 =	vadd.s32 $0x4400, v5;
	v12 =	vld.idx.msk [tilespmem:v13+s10+$0x0], $0xffff  }
0xaf: {  	s7 =	sor.u32 $0x300, s7;
	v13 =	vadd.s32 $0x6400, v8;
	v1 =	vld.idx.msk [tilespmem:v1+s10+$0x0], $0xffff;
	[tilespmem:s14+$0x0] =	vst v0  }
0xb0: {  	s15 =	sor.u32 $0xE080, s23;
	s3 =	sor.u32 s22, s18;
	[tilespmem:s7+$0xC080] =	vst v14;
	v0 =	vld.idx.msk [tilespmem:v2+s10+$0x0], $0xffff;
	v2 =	vadd.s32 $0x2000, v6  }
0xb1: {  	s0 =	sor.u32 s0, s6;
	s17 =	sor.u32 s21, s15;
	v14 =	vld.idx.msk [tilespmem:v15+s10+$0x0], $0xffff;
	[tilespmem:s3+$0x0] =	vst v3  }
0xb2: {  	s9 =	sor.u32 s1, s9;
	s12 =	sor.u32 $0x380, s0;
	s7 =	simm.s32 $0x60;
	v4 =	vld.idx.msk [tilespmem:v4+s10+$0x0], $0xffff;
	[tilespmem:s17+$0x0] =	vst v7  }
0xb3: {  	s18 =	rddreg [dreg:$0x3];
	v3 =	vadd.s32 $0x6C00, v9;
	s19 =	sand.u32 $0x180, s7;
	s17 =	simm.s32 $0x70;
	v11 =	vld.idx.msk [tilespmem:v11+s10+$0x0], $0xffff;
	[tilespmem:s9+$0x0] =	vst v12  }
0xb4: {  	s3 =	sor.u32 $0xF180, s4;
	s9 =	sadd.s32 s19, s18;
	s28 =	sand.u32 $0x70, s17;
	[tilespmem:s12+$0xC080] =	vst v1;
	v1 =	vadd.s32 $0x4800, v5;
	v12 =	vld.idx.msk [tilespmem:v13+s10+$0x0], $0xffff  }
0xb5: {  	s29 =	sand.u32 $0x60, s7;
	s20 =	sor.u32 s31, s3;
	v13 =	vadd.s32 $0x2000, v17;
	s11 =	sadd.s32 s28, s9;
	v2 =	vld.idx.msk [tilespmem:v2+s10+$0x0], $0xffff  }
0xb6: {  	s0 =	sor.u32 $0xE100, s23;
	s9 =	sadd.s32 s29, s9;
	[tilespmem:s20+$0x0] =	vst v0;
	v0 =	vadd.s32 $0x4400, v10;
	v7 =	vld [tilespmem:s11+$0x0]  }
0xb7: {  	v16 =	vadd.s32 $0x6800, v8;
	s2 =	sor.u32 s2, s6;
	s11 =	sor.u32 s21, s0;
	v34 =	vld [tilespmem:s9+$0x0]  }
0xb8: {  	s2 =	sor.u32 $0x380, s2;
	v15 =	vadd.s32 $0x2400, v6;
	v3 =	vld.idx.msk [tilespmem:v3+s10+$0x0], $0xffff;
	[tilespmem:s11+$0x0] =	vst v11  }
0xb9: {  	s13 =	sor.u32 s22, s15;
	[tilespmem:s2+$0xC080] =	vst v14;
	v11 =	vadd.s32 $0x7000, v9;
	v1 =	vld.idx.msk [tilespmem:v1+s10+$0x0], $0xffff  }
0xba: {  	s5 =	sor.u32 s1, s5;
	s14 =	sor.u32 $0xD080, s26;
	[tilespmem:s13+$0x0] =	vst v4;
	v4 =	vld.idx.msk [tilespmem:v13+s10+$0x0], $0xffff  }
0xbb: {  	s15 =	sor.u32 s24, s14;
	s11 =	sor.u32 $0xF200, s4;
	[tilespmem:s5+$0x0] =	vst v12;
	v0 =	vld.idx.msk [tilespmem:v0+s10+$0x0], $0xffff  }
0xbc: {  	s18 =	sor.u32 s31, s11;
	s5 =	sor.u32 $0xE180, s23;
	[tilespmem:s15+$0x0] =	vst v2;
	v2 =	vadd.s32 $0x4C00, v5;
	v14 =	vld.idx.msk [tilespmem:v16+s10+$0x0], $0xffff  }
0xbd: {  	s19 =	sor.u32 s21, s5;
	v13 =	vld.idx.msk [tilespmem:v15+s10+$0x0], $0xffff;
	[tilespmem:s18+$0x0] =	vst v3;
	v3 =	vadd.s32 $0x2400, v17  }
0xbe: {  	s2 =	sor.u32 s25, s14;
	v12 =	vadd.s32 $0x2800, v6;
	v11 =	vld.idx.msk [tilespmem:v11+s10+$0x0], $0xffff;
	[tilespmem:s19+$0x0] =	vst v1  }
0xbf: {  	s20 =	sor.u32 s22, s0;
	v16 =	vadd.s32 $0x4800, v10;
	v15 =	vld.idx.msk [tilespmem:v7+s10+$0x0], $0xffff;
	[tilespmem:s2+$0x0] =	vst v4  }
0xc0: {  	s3 =	sor.u32 s1, s3;
	s0 =	sor.u32 $0xD100, s26;
	s18 =	simm.s32 $0x300;
	v1 =	vadd.s32 $0x7400, v9;
	v4 =	vld.idx.msk [tilespmem:v34+s10+$0x0], $0xffff;
	[tilespmem:s20+$0x0] =	vst v0  }
0xc1: {  	s9 =	sor.u32 $0xF280, s4;
	s12 =	sor.u32 s24, s0;
	v18 =	vadd.s32 $0x400, v7;
	s30 =	sand.u32 $0xC00, s18;
	v2 =	vld.idx.msk [tilespmem:v2+s10+$0x0], $0xffff;
	[tilespmem:s3+$0x0] =	vst v14  }
0xc2: {  	s13 =	sor.u32 s31, s9;
	s14 =	sor.u32 $0xC080, s30;
	v0 =	vld.idx.msk [tilespmem:v3+s10+$0x0], $0xffff;
	[tilespmem:s12+$0x0] =	vst v13;
	v3 =	vadd.s32 $0x5000, v5  }
0xc3: {  	s8 =	sor.u32 s28, s14;
	v13 =	vadd.s32 $0x400, v34;
	v12 =	vld.idx.msk [tilespmem:v12+s10+$0x0], $0xffff;
	[tilespmem:s13+$0x0] =	vst v11  }
0xc4: {  	s6 =	sor.u32 s29, s14;
	v11 =	vadd.s32 $0x2800, v17;
	s13 =	sor.u32 $0xE200, s23;
	[tilespmem:s8+$0x0] =	vst v15;
	v15 =	vld.idx.msk [tilespmem:v16+s10+$0x0], $0xffff  }
0xc5: {  	v14 =	vadd.s32 $0x2C00, v6;
	v1 =	vld.idx.msk [tilespmem:v1+s10+$0x0], $0xffff;
	s15 =	sor.u32 s21, s13;
	[tilespmem:s6+$0x0] =	vst v4  }
0xc6: {  	s2 =	sor.u32 s25, s0;
	s19 =	sor.u32 $0xD180, s26;
	v16 =	vld.idx.msk [tilespmem:v18+s10+$0x0], $0xffff;
	v18 =	vadd.s32 $0x4C00, v10;
	[tilespmem:s15+$0x0] =	vst v2  }
0xc7: {  	s20 =	sor.u32 s24, s19;
	v2 =	vadd.s32 $0x7800, v9;
	v3 =	vld.idx.msk [tilespmem:v3+s10+$0x0], $0xffff;
	[tilespmem:s2+$0x0] =	vst v0  }
0xc8: {  	s5 =	sor.u32 s22, s5;
	v4 =	vld.idx.msk [tilespmem:v13+s10+$0x0], $0xffff;
	v13 =	vadd.s32 $0x800, v7;
	s2 =	sor.u32 $0xF300, s4;
	[tilespmem:s20+$0x0] =	vst v12  }
0xc9: {  	s0 =	sor.u32 s31, s2;
	v0 =	vld.idx.msk [tilespmem:v11+s10+$0x0], $0xffff;
	v11 =	vadd.s32 $0x5400, v5;
	[tilespmem:s5+$0x0] =	vst v15  }
0xca: {  	v12 =	vadd.s32 $0x800, v34;
	v14 =	vld.idx.msk [tilespmem:v14+s10+$0x0], $0xffff;
	s5 =	sor.u32 $0xE280, s23;
	[tilespmem:s0+$0x0] =	vst v1  }
0xcb: {  	v1 =	vadd.s32 $0x2C00, v17;
	[tilespmem:s8+$0x80] =	vst v16;
	v16 =	vld.idx.msk [tilespmem:v18+s10+$0x0], $0xffff;
	s14 =	sor.u32 s21, s5  }
0xcc: {  	v15 =	vadd.s32 $0x3000, v6;
	v2 =	vld.idx.msk [tilespmem:v2+s10+$0x0], $0xffff;
	[tilespmem:s14+$0x0] =	vst v3  }
0xcd: {  	s3 =	sor.u32 s25, s19;
	s15 =	sor.u32 $0xD200, s26;
	v13 =	vld.idx.msk [tilespmem:v13+s10+$0x0], $0xffff;
	v3 =	vadd.s32 $0x7C00, v9;
	[tilespmem:s6+$0x80] =	vst v4  }
0xce: {  	v9 =	vadd.s32 $0x5000, v10;
	s14 =	sor.u32 s24, s15;
	v4 =	vld.idx.msk [tilespmem:v11+s10+$0x0], $0xffff;
	[tilespmem:s3+$0x0] =	vst v0  }
0xcf: {  	s13 =	sor.u32 s22, s13;
	v11 =	vld.idx.msk [tilespmem:v12+s10+$0x0], $0xffff;
	v12 =	vadd.s32 $0xC00, v7;
	s3 =	sor.u32 $0xF380, s4;
	[tilespmem:s14+$0x0] =	vst v14  }
0xd0: {  	v0 =	vld.idx.msk [tilespmem:v1+s10+$0x0], $0xffff;
	v1 =	vadd.s32 $0x5800, v5;
	s19 =	sor.u32 s31, s3;
	[tilespmem:s13+$0x0] =	vst v16  }
0xd1: {  	v14 =	vadd.s32 $0xC00, v34;
	v15 =	vld.idx.msk [tilespmem:v15+s10+$0x0], $0xffff;
	s13 =	sor.u32 $0xE300, s23;
	[tilespmem:s19+$0x0] =	vst v2  }
0xd2: {  	v2 =	vadd.s32 $0x3000, v17;
	s20 =	sor.u32 s21, s13;
	v3 =	vld.idx.msk [tilespmem:v3+s10+$0x0], $0xffff;
	[tilespmem:s8+$0x100] =	vst v13  }
0xd3: {  	v13 =	vadd.s32 $0x3400, v6;
	v9 =	vld.idx.msk [tilespmem:v9+s10+$0x0], $0xffff;
	[tilespmem:s20+$0x0] =	vst v4  }
0xd4: {  	s12 =	sor.u32 s25, s15;
	s0 =	sor.u32 $0xD280, s26;
	v16 =	vadd.s32 $0x6C00, v8;
	v12 =	vld.idx.msk [tilespmem:v12+s10+$0x0], $0xffff;
	[tilespmem:s6+$0x100] =	vst v11  }
0xd5: {  	s15 =	sor.u32 s24, s0;
	v4 =	vadd.s32 $0x5400, v10;
	v1 =	vld.idx.msk [tilespmem:v1+s10+$0x0], $0xffff;
	[tilespmem:s12+$0x0] =	vst v0;
	s12 =	sadd.s32 $0xF400, s4  }
0xd6: {  	v11 =	vld.idx.msk [tilespmem:v14+s10+$0x0], $0xffff;
	v14 =	vadd.s32 $0x1000, v7;
	[tilespmem:s15+$0x0] =	vst v15;
	s4 =	sor.u32 s31, s12  }
0xd7: {  	s5 =	sor.u32 s22, s5;
	v0 =	vld.idx.msk [tilespmem:v2+s10+$0x0], $0xffff;
	v2 =	vadd.s32 $0x5C00, v5;
	[tilespmem:s4+$0x0] =	vst v3  }
0xd8: {  	v15 =	vadd.s32 $0x1000, v34;
	v13 =	vld.idx.msk [tilespmem:v13+s10+$0x0], $0xffff;
	[tilespmem:s5+$0x0] =	vst v9;
	s4 =	sor.u32 $0xE380, s23  }
0xd9: {  	v3 =	vadd.s32 $0x3400, v17;
	v9 =	vld.idx.msk [tilespmem:v16+s10+$0x0], $0xffff;
	s19 =	sor.u32 s21, s4;
	[tilespmem:s8+$0x180] =	vst v12  }
0xda: {  	v12 =	vadd.s32 $0x3800, v6;
	v4 =	vld.idx.msk [tilespmem:v4+s10+$0x0], $0xffff;
	[tilespmem:s19+$0x0] =	vst v1  }
0xdb: {  	s20 =	sor.u32 s25, s0;
	s31 =	sor.u32 $0xD300, s26;
	v16 =	vadd.s32 $0x7000, v8;
	v14 =	vld.idx.msk [tilespmem:v14+s10+$0x0], $0xffff;
	[tilespmem:s6+$0x180] =	vst v11  }
0xdc: {  	s0 =	sor.u32 s24, s31;
	v1 =	vadd.s32 $0x5800, v10;
	v2 =	vld.idx.msk [tilespmem:v2+s10+$0x0], $0xffff;
	[tilespmem:s20+$0x0] =	vst v0  }
0xdd: {  	v41 =	vadd.s32 $0x7C00, v8;
	s11 =	sor.u32 s1, s11;
	v19 =	vadd.s32 $0x1400, v7;
	v18 =	vld.idx.msk [tilespmem:v15+s10+$0x0], $0xffff;
	[tilespmem:s0+$0x0] =	vst v13  }
0xde: {  	s15 =	sor.u32 s22, s13;
	v11 =	vadd.s32 $0x7400, v8;
	v0 =	vadd.s32 $0x7800, v8;
	v8 =	vadd.s32 $0x6000, v5;
	v3 =	vld.idx.msk [tilespmem:v3+s10+$0x0], $0xffff;
	[tilespmem:s11+$0x0] =	vst v9  }
0xdf: {  	v20 =	vadd.s32 $0x5C00, v10;
	v22 =	vadd.s32 $0x6000, v10;
	v44 =	vadd.s32 $0x6400, v10;
	s11 =	sadd.s32 $0xE400, s23;
	v12 =	vld.idx.msk [tilespmem:v12+s10+$0x0], $0xffff;
	[tilespmem:s15+$0x0] =	vst v4  }
0xe0: {  	v43 =	vadd.s32 $0x6800, v10;
	v24 =	vadd.s32 $0x6C00, v10;
	v21 =	vadd.s32 $0x1400, v34;
	s19 =	sor.u32 s21, s11;
	v4 =	vld.idx.msk [tilespmem:v16+s10+$0x0], $0xffff;
	[tilespmem:s8+$0x200] =	vst v14  }
0xe1: {  	v23 =	vadd.s32 $0x7000, v10;
	v15 =	vadd.s32 $0x7800, v10;
	v9 =	vadd.s32 $0x3800, v17;
	v1 =	vld.idx.msk [tilespmem:v1+s10+$0x0], $0xffff;
	[tilespmem:s19+$0x0] =	vst v2  }
0xe2: {  	v13 =	vadd.s32 $0x7C00, v10;
	v16 =	vadd.s32 $0x7400, v10;
	v10 =	vld.idx.msk [tilespmem:v19+s10+$0x0], $0xffff;
	[tilespmem:s6+$0x200] =	vst v18;
	v18 =	vadd.s32 $0x4C00, v17  }
0xe3: {  	s20 =	sor.u32 s25, s31;
	v14 =	vadd.s32 $0x3C00, v6;
	v8 =	vld.idx.msk [tilespmem:v8+s10+$0x0], $0xffff;
	[tilespmem:$0x1FF50] =	vst v18  }
0xe4: {  	s31 =	sor.u32 $0xD380, s26;
	[tilespmem:s20+$0x0] =	vst v3;
	v3 =	vadd.s32 $0x5000, v17  }
0xe5: {  	v55 =	vadd.s32 $0x4400, v17;
	v40 =	vadd.s32 $0x4800, v17;
	s0 =	sor.u32 s24, s31;
	v25 =	vld.idx.msk [tilespmem:v21+s10+$0x0], $0xffff;
	[tilespmem:$0x1FF60] =	vst v3  }
0xe6: {  	v37 =	vadd.s32 $0x5400, v17;
	v36 =	vadd.s32 $0x5800, v17;
	s9 =	sor.u32 s1, s9;
	v29 =	vadd.s32 $0x1800, v7;
	[tilespmem:s0+$0x0] =	vst v12  }
0xe7: {  	v33 =	vadd.s32 $0x5C00, v17;
	v31 =	vadd.s32 $0x6000, v17;
	s4 =	sor.u32 s22, s4;
	v3 =	vld.idx.msk [tilespmem:v9+s10+$0x0], $0xffff;
	v9 =	vadd.s32 $0x6400, v5;
	[tilespmem:s9+$0x0] =	vst v4  }
0xe8: {  	v28 =	vadd.s32 $0x6400, v17;
	v27 =	vadd.s32 $0x6800, v17;
	v26 =	vadd.s32 $0x6C00, v17;
	s13 =	sor.u32 $0xF080, s23;
	[tilespmem:s4+$0x0] =	vst v1;
	v32 =	vld.idx.msk [tilespmem:v14+s10+$0x0], $0xffff  }
0xe9: {  	v2 =	vadd.s32 $0x3C00, v17;
	v19 =	vadd.s32 $0x4000, v17;
	v12 =	vadd.s32 $0x1800, v34;
	s9 =	sor.u32 s21, s13;
	v1 =	vld.idx.msk [tilespmem:v11+s10+$0x0], $0xffff;
	[tilespmem:s8+$0x280] =	vst v10  }
0xea: {  	v18 =	vadd.s32 $0x7800, v17;
	v21 =	vadd.s32 $0x7000, v17;
	v4 =	vadd.s32 $0x4000, v6;
	v10 =	vld.idx.msk [tilespmem:v20+s10+$0x0], $0xffff;
	[tilespmem:s9+$0x0] =	vst v8  }
0xeb: {  	v20 =	vadd.s32 $0x7400, v17;
	v14 =	vadd.s32 $0x7C00, v17;
	v17 =	vadd.s32 $0x2C00, v34;
	v11 =	vld.idx.msk [tilespmem:v29+s10+$0x0], $0xffff;
	[tilespmem:s6+$0x280] =	vst v25  }
0xec: {  	s15 =	sor.u32 s25, s31;
	s20 =	sadd.s32 $0xD400, s26;
	v9 =	vld.idx.msk [tilespmem:v9+s10+$0x0], $0xffff;
	[tilespmem:$0x1FF70] =	vst v17  }
0xed: {  	s31 =	sor.u32 s24, s20;
	[tilespmem:s15+$0x0] =	vst v3  }
0xee: {  	s2 =	sor.u32 s1, s2;
	v12 =	vld.idx.msk [tilespmem:v12+s10+$0x0], $0xffff;
	[tilespmem:s31+$0x0] =	vst v32  }
0xef: {  	s4 =	simm.s32 $0x6;
	[tilespmem:s2+$0x0] =	vst v1;
	v1 =	vadd.s32 $0x4800, v34;
	v25 =	vld.idx.msk [tilespmem:v2+s10+$0x0], $0xffff  }
0xf0: {  	s19 =	sand.u32 $0x7, s4;
	v29 =	vld.idx.msk [tilespmem:v4+s10+$0x0], $0xffff;
	[tilespmem:$0x1FF80] =	vst v1;
	v1 =	vadd.s32 $0x4C00, v34  }
0xf1: {  	s8 =	sshll.u32 s19, $0x4;
	s9 =	sor.u32 s22, s11;
	[tilespmem:$0x1FF90] =	vst v1  }
0xf2: {  	s6 =	simm.s32 $0x3;
	s8 =	sadd.s32 $0x300, s8;
	v1 =	vadd.s32 $0x5000, v34;
	[tilespmem:s9+$0x0] =	vst v10  }
0xf3: {  	s0 =	sand.u32 $0x3, s6;
	s8 =	sadd.s32 $0x10, s8;
	v17 =	vadd.s32 $0x1C00, v7;
	v0 =	vld.idx.msk [tilespmem:v0+s10+$0x0], $0xffff;
	[tilespmem:$0x1FFA0] =	vst v1;
	v1 =	vadd.s32 $0x5400, v34  }
0xf4: {  	v54 =	vadd.s32 $0x2000, v34;
	v52 =	vadd.s32 $0x2400, v34;
	s5 =	sshll.u32 s0, $0x5;
	s8 =	sor.u32 $0x300, s8;
	v2 =	vadd.s32 $0x6800, v5;
	[tilespmem:$0x1FFB0] =	vst v1  }
0xf5: {  	v51 =	vadd.s32 $0x2800, v34;
	v49 =	vadd.s32 $0x3000, v34;
	v8 =	vadd.s32 $0x1C00, v34;
	s2 =	sadd.s32 $0x300, s5;
	s5 =	sor.u32 $0xF100, s23;
	[tilespmem:s8+$0xC080] =	vst v11  }
0xf6: {  	v48 =	vadd.s32 $0x3400, v34;
	v47 =	vadd.s32 $0x3800, v34;
	v46 =	vadd.s32 $0x3C00, v34;
	s9 =	sor.u32 s1, s12;
	s12 =	sshll.u32 s16, $0x1;
	v1 =	vld.idx.msk [tilespmem:v22+s10+$0x0], $0xffff;
	[dreg:$0xe] =	wrdreg s16  }
0xf7: {  	v45 =	vadd.s32 $0x4000, v34;
	v53 =	vadd.s32 $0x4400, v34;
	v42 =	vadd.s32 $0x5800, v34;
	s11 =	sor.u32 s21, s5;
	[dreg:$0x10] =	wrdreg s12  }
0xf8: {  	v38 =	vadd.s32 $0x5C00, v34;
	v35 =	vadd.s32 $0x6000, v34;
	v50 =	vadd.s32 $0x6400, v34;
	s19 =	sor.u32 s25, s20;
	s20 =	sor.u32 $0xE080, s26;
	s2 =	sor.u32 $0x300, s2;
	[tilespmem:s11+$0x0] =	vst v9;
	v3 =	vld.idx.msk [tilespmem:v17+s10+$0x0], $0xffff  }
0xf9: {  	v39 =	vadd.s32 $0x6800, v34;
	v30 =	vadd.s32 $0x7000, v34;
	s15 =	sor.u32 s1, s3;
	v32 =	vadd.s32 $0x6C00, v34;
	s31 =	sor.u32 s24, s20;
	s3 =	sor.u32 s22, s5;
	[tilespmem:s2+$0xC080] =	vst v12;
	v2 =	vld.idx.msk [tilespmem:v2+s10+$0x0], $0xffff  }
0xfa: {  	s1 =	simm.s32 $0x6;
	v10 =	vadd.s32 $0x2000, v7;
	v22 =	vadd.s32 $0x7400, v34;
	v11 =	vadd.s32 $0x4400, v6;
	s16 =	sor.u32 s7, s18;
	s12 =	sor.u32 s22, s13;
	[tilespmem:s19+$0x0] =	vst v25;
	v4 =	vld.idx.msk [tilespmem:v8+s10+$0x0], $0xffff  }
0xfb: {  	s7 =	simm.s32 $0x80;
	s8 =	sor.u32 $0x380, s16;
	v17 =	vadd.s32 $0x7800, v34;
	v34 =	vadd.s32 $0x7C00, v34;
	s2 =	sor.u32 s25, s20;
	[tilespmem:s31+$0x0] =	vst v29;
	v9 =	vld.idx.msk [tilespmem:v19+s10+$0x0], $0xffff;
	v8 =	vadd.s32 $0x6C00, v5  }
.LBB2_3:
0xfc: {  	[tilespmem:$0x1FEF0] =	vst v17  }
0xfd: {  	[tilespmem:$0x1FF00] =	vst v35  }
0xfe: {  	[tilespmem:$0x1FF20] =	vst v45  }
0xff: {  	s0 =	sor.u32 s17, s18;
	[tilespmem:s15+$0x0] =	vst v0  }
0x100: {  	v11 =	vld.idx.msk [tilespmem:v11+s10+$0x0], $0xffff;
	s11 =	sor.u32 $0x380, s0;
	[tilespmem:s12+$0x0] =	vst v1  }
0x101: {  	s5 =	rddreg [dreg:$0x3];
	s31 =	sor.u32 $0xF180, s23;
	v1 =	vmov v34;
	v0 =	vld.idx.msk [tilespmem:v41+s10+$0x0], $0xffff;
	[tilespmem:s11+$0xC080] =	vst v3  }
0x102: {  	s13 =	sand.u32 $0x180, s7;
	s17 =	sadd.s32 $0x10, s7;
	s0 =	sor.u32 s21, s31;
	[tilespmem:$0x1FE90] =	vst v1;
	v1 =	vadd.s32 $0x4800, v6;
	v10 =	vld.idx.msk [tilespmem:v10+s10+$0x0], $0xffff  }
0x103: {  	s19 =	sand.u32 $0x60, s7;
	s5 =	sadd.s32 s13, s5;
	s16 =	sand.u32 $0x70, s17;
	v3 =	vld.idx.msk [tilespmem:v44+s10+$0x0], $0xffff;
	[tilespmem:s0+$0x0] =	vst v2  }
0x104: {  	s14 =	sor.u32 $0xE100, s26;
	s13 =	sadd.s32 s19, s5;
	s5 =	sadd.s32 s16, s5;
	[tilespmem:s8+$0xC080] =	vst v4;
	v4 =	vadd.s32 $0x2400, v7;
	v2 =	vld.idx.msk [tilespmem:v8+s10+$0x0], $0xffff  }
0x105: {  	s15 =	sor.u32 s24, s14;
	v8 =	vld [tilespmem:s5+$0x0];
	[tilespmem:s2+$0x0] =	vst v9  }
0x106: {  	s20 =	sor.u32 $0xD080, s30;
	[tilespmem:s15+$0x0] =	vst v11;
	v34 =	vld [tilespmem:s13+$0x0]  }
0x107: {  	v9 =	vadd.s32 $0x7000, v5;
	s5 =	sor.u32 s28, s20;
	v11 =	vld.idx.msk [tilespmem:v1+s10+$0x0], $0xffff;
	[tilespmem:s9+$0x0] =	vst v0  }
0x108: {  	v0 =	vld.idx.msk [tilespmem:v54+s10+$0x0], $0xffff;
	[tilespmem:s5+$0x0] =	vst v10  }
0x109: {  	v14 =	vmov v14;
	s9 =	sor.u32 $0xF200, s23;
	[tilespmem:s3+$0x0] =	vst v3;
	v4 =	vld.idx.msk [tilespmem:v4+s10+$0x0], $0xffff  }
0x10a: {  	[tilespmem:$0x1FF30] =	vst v14;
	v10 =	vadd.s32 $0x4C00, v6;
	s3 =	sor.u32 s21, s9;
	v3 =	vld.idx.msk [tilespmem:v55+s10+$0x0], $0xffff  }
0x10b: {  	v45 =	vmov v13;
	v13 =	vmov v28;
	s13 =	sor.u32 $0xE180, s26;
	[tilespmem:s3+$0x0] =	vst v2;
	v60 =	vld.idx.msk [tilespmem:v43+s10+$0x0], $0xffff  }
0x10c: {  	v35 =	vadd.s32 $0x2800, v7;
	s6 =	sadd.s32 $0x1, s6;
	[tilespmem:$0x1FE80] =	vst v13;
	s3 =	sor.u32 s24, s13;
	v2 =	vld.idx.msk [tilespmem:v9+s10+$0x0], $0xffff  }
0x10d: {  	s8 =	sor.u32 s22, s31;
	s31 =	sor.u32 s29, s20;
	s15 =	sor.u32 $0xD100, s30;
	v44 =	vld.idx.msk [tilespmem:v8+s10+$0x0], $0xffff;
	[tilespmem:s3+$0x0] =	vst v11  }
0x10e: {  	s18 =	sadd.s32 $0x100, s18;
	v25 =	vld [tilespmem:$0x1FF80];
	s0 =	sor.u32 $0xF280, s23;
	v11 =	vadd.s32 $0x7400, v5;
	[tilespmem:s31+$0x0] =	vst v0;
	s31 =	sor.u32 s28, s15  }
0x10f: {  	s2 =	sor.u32 s25, s14;
	s14 =	sand.u32 $0x3, s6;
	s12 =	sor.u32 s22, s9;
	v10 =	vld.idx.msk [tilespmem:v10+s10+$0x0], $0xffff;
	[tilespmem:s31+$0x0] =	vst v4  }
0x110: {  	v29 =	vmov v16;
	s9 =	sor.u32 s25, s13;
	v16 =	vadd.s32 $0x400, v8;
	s13 =	sor.u32 s21, s0;
	s3 =	sand.u32 $0xC00, s18;
	v14 =	vld.idx.msk [tilespmem:v34+s10+$0x0], $0xffff;
	[tilespmem:s2+$0x0] =	vst v3  }
0x111: {  	s5 =	sshll.u32 s14, $0x5;
	v55 =	vmov v18;
	v4 =	vadd.s32 $0x5000, v6;
	s14 =	sor.u32 $0xC080, s3;
	v18 =	vld.idx.msk [tilespmem:v35+s10+$0x0], $0xffff;
	[tilespmem:s13+$0x0] =	vst v2  }
0x112: {  	v63 =	vadd.s32 $0x400, v34;
	v17 =	vld.idx.msk [tilespmem:v52+s10+$0x0], $0xffff;
	s13 =	sor.u32 s19, s14;
	v2 =	vadd.s32 $0x4800, v34;
	s14 =	sor.u32 s16, s14;
	[tilespmem:s8+$0x0] =	vst v60  }
0x113: {  	v28 =	vmovc v33;
	v33 =	vmovc v21;
	s20 =	sor.u32 $0xE200, s26;
	s31 =	sor.u32 s7, s18;
	v21 =	vld.idx.msk [tilespmem:v11+s10+$0x0], $0xffff;
	[tilespmem:s14+$0x0] =	vst v44;
	v44 =	vmov v42;
	v42 =	vmov v25;
	v25 =	vmov v2  }
0x114: {  	v56 =	vmovc v22;
	v22 =	vadd.s32 $0x2C00, v7;
	v43 =	vmovc v38;
	v38 =	vmov v30;
	v30 =	vmov v23;
	s8 =	sor.u32 $0x380, s31;
	s31 =	sor.u32 s24, s20;
	v23 =	vld.idx.msk [tilespmem:v40+s10+$0x0], $0xffff;
	[tilespmem:$0x1FF80] =	vst v25  }
0x115: {  	s11 =	sor.u32 s29, s15;
	v16 =	vld.idx.msk [tilespmem:v16+s10+$0x0], $0xffff;
	[tilespmem:s31+$0x0] =	vst v10  }
0x116: {  	[dreg:$0x6] =	wrdreg s12;
	s12 =	sor.u32 s22, s0;
	s0 =	sor.u32 $0xD180, s30;
	[tilespmem:s13+$0x0] =	vst v14;
	v25 =	vld.idx.msk [tilespmem:v4+s10+$0x0], $0xffff  }
0x117: {  	v57 =	vmov v36;
	v36 =	vmov v26;
	s31 =	sor.u32 s28, s0;
	v26 =	vld.idx.msk [tilespmem:v63+s10+$0x0], $0xffff;
	[tilespmem:s11+$0x0] =	vst v17  }
0x118: {  	v13 =	vadd.s32 $0x2800, v34;
	[tilespmem:s31+$0x0] =	vst v18;
	v17 =	vld.idx.msk [tilespmem:v51+s10+$0x0], $0xffff  }
0x119: {  	s5 =	sadd.s32 s5, s18;
	v40 =	vmovc v32;
	v32 =	vmov v24;
	v24 =	vadd.s32 $0x7800, v5;
	v51 =	vmov v13;
	v13 =	vld.idx.msk [tilespmem:v22+s10+$0x0], $0xffff  }
0x11a: {  	s2 =	sor.u32 $0x300, s5;
	v22 =	vld [tilespmem:$0x1FF50]  }
0x11b: {  	s5 =	sor.u32 s25, s20;
	s20 =	sor.u32 s29, s0;
	s0 =	sor.u32 $0xF300, s23  }
0x11c: {  	s15 =	sor.u32 s21, s0  }
0x11d: {  	v12 =	vmov v50;
	[tilespmem:s15+$0x0] =	vst v21  }
0x11e: {  	[tilespmem:$0x1FED0] =	vst v12;
	v12 =	vadd.s32 $0x800, v34;
	v21 =	vld.idx.msk [tilespmem:v24+s10+$0x0], $0xffff  }
0x11f: {  	[tilespmem:$0x1FEC0] =	vst v15;
	v24 =	vld [tilespmem:$0x1FF90]  }
0x120: {  	v9 =	vmov v27;
	v27 =	vadd.s32 $0x800, v8;
	[tilespmem:s9+$0x0] =	vst v23  }
0x121: {  	v19 =	vadd.s32 $0x4C00, v34;
	v18 =	vadd.s32 $0x5400, v6;
	[tilespmem:s14+$0x80] =	vst v16  }
0x122: {  	v23 =	vmov v19;
	v16 =	vadd.s32 $0x3000, v7;
	v22 =	vld.idx.msk [tilespmem:v22+s10+$0x0], $0xffff;
	[tilespmem:s13+$0x80] =	vst v26  }
0x123: {  	s15 =	sor.u32 $0xE280, s26;
	[tilespmem:$0x1FF90] =	vst v23;
	v12 =	vld.idx.msk [tilespmem:v12+s10+$0x0], $0xffff  }
0x124: {  	s11 =	sor.u32 s22, s0;
	s0 =	sor.u32 $0xD200, s30;
	s9 =	sor.u32 s24, s15;
	v24 =	vmov v24;
	[tilespmem:s20+$0x0] =	vst v17;
	v17 =	vld [tilespmem:$0x1FF70]  }
0x125: {  	v19 =	vld.idx.msk [tilespmem:v27+s10+$0x0], $0xffff;
	[tilespmem:s9+$0x0] =	vst v25;
	s9 =	sor.u32 s28, s0  }
0x126: {  	v15 =	vadd.s32 $0x2C00, v34;
	v23 =	vadd.s32 $0x7C00, v5;
	v5 =	vmovc v6;
	v6 =	vmovc v7;
	v7 =	vmov v8;
	v8 =	vld.idx.msk [tilespmem:v18+s10+$0x0], $0xffff;
	[tilespmem:s9+$0x0] =	vst v13;
	s20 =	sor.u32 s29, s0;
	s0 =	sor.u32 $0xF380, s23  }
0x127: {  	s31 =	sor.u32 s25, s15;
	[tilespmem:$0x1FF50] =	vst v24;
	s15 =	sor.u32 s22, s0;
	s0 =	sor.u32 s21, s0;
	v24 =	vmov v15;
	v15 =	vld.idx.msk [tilespmem:v16+s10+$0x0], $0xffff  }
0x128: {  	v1 =	vmov v53;
	[tilespmem:s0+$0x0] =	vst v21;
	v21 =	vld [tilespmem:$0x1FF60]  }
0x129: {  	[tilespmem:$0x1FEE0] =	vst v1;
	v18 =	vadd.s32 $0xC00, v7  }
0x12a: {  	[tilespmem:$0x1FEA0] =	vst v9;
	v9 =	vadd.s32 $0x1800, v34;
	v13 =	vadd.s32 $0x5800, v5  }
0x12b: {  	[tilespmem:$0x1FEB0] =	vst v9;
	v9 =	vadd.s32 $0x1C00, v34  }
0x12c: {  	v1 =	vadd.s32 $0xC00, v34;
	[tilespmem:$0x1FF10] =	vst v9;
	s9 =	sor.u32 $0xE300, s26;
	v17 =	vld.idx.msk [tilespmem:v17+s10+$0x0], $0xffff  }
0x12d: {  	s0 =	sor.u32 s24, s9;
	v16 =	vld.idx.msk [tilespmem:v23+s10+$0x0], $0xffff;
	[tilespmem:s14+$0x100] =	vst v19  }
0x12e: {  	v19 =	vadd.s32 $0x3400, v6;
	v18 =	vld.idx.msk [tilespmem:v18+s10+$0x0], $0xffff;
	[tilespmem:s0+$0x0] =	vst v8  }
0x12f: {  	v8 =	vld.idx.msk [tilespmem:v13+s10+$0x0], $0xffff;
	[tilespmem:s5+$0x0] =	vst v22  }
0x130: {  	s5 =	sor.u32 s25, s9;
	s9 =	sor.u32 $0xD280, s30;
	v21 =	vld.idx.msk [tilespmem:v21+s10+$0x0], $0xffff;
	[tilespmem:s13+$0x100] =	vst v12  }
0x131: {  	s23 =	sadd.s32 $0xF400, s23;
	s0 =	sor.u32 s28, s9;
	v1 =	vld.idx.msk [tilespmem:v1+s10+$0x0], $0xffff;
	[tilespmem:s20+$0x0] =	vst v17  }
0x132: {  	v9 =	vadd.s32 $0x3000, v34;
	[tilespmem:s0+$0x0] =	vst v15;
	s20 =	sor.u32 s29, s9;
	s9 =	sor.u32 s22, s23;
	s23 =	sor.u32 s21, s23;
	v13 =	vld.idx.msk [tilespmem:v49+s10+$0x0], $0xffff  }
0x133: {  	v41 =	vmov v37;
	v49 =	vmov v9;
	v9 =	vld.idx.msk [tilespmem:v19+s10+$0x0], $0xffff;
	[tilespmem:s23+$0x0] =	vst v16  }
0x134: {  	v12 =	vadd.s32 $0x1000, v7;
	[tilespmem:s14+$0x180] =	vst v18;
	v18 =	vld [tilespmem:$0x1FFB0]  }
0x135: {  	v62 =	vadd.s32 $0x1000, v34  }
0x136: {  	v37 =	vmov v39;
	v15 =	vadd.s32 $0x5C00, v5;
	[tilespmem:s31+$0x0] =	vst v21  }
0x137: {  	v0 =	vadd.s32 $0x4000, v34;
	v16 =	vld.idx.msk [tilespmem:v32+s10+$0x0], $0xffff  }
0x138: {  	[tilespmem:$0x1FF40] =	vst v0;
	v11 =	vadd.s32 $0x5400, v34;
	v14 =	vadd.s32 $0x6C00, v34;
	s21 =	smov.u32 s24;
	s31 =	sor.u32 $0xE380, s26;
	v17 =	vld.idx.msk [tilespmem:v41+s10+$0x0], $0xffff  }
0x139: {  	v27 =	vmovc v37;
	s23 =	smov.u32 s26;
	s26 =	smov.u32 s30;
	v32 =	vmovc v14;
	v14 =	vadd.s32 $0x3800, v6;
	s0 =	sor.u32 s21, s31;
	[tilespmem:s13+$0x180] =	vst v1;
	v37 =	vmov v18;
	v18 =	vmov v11;
	v11 =	vld.idx.msk [tilespmem:v12+s10+$0x0], $0xffff  }
0x13a: {  	s24 =	smov.u32 s28;
	s30 =	smov.u32 s3;
	s3 =	sor.u32 $0xD300, s26;
	[tilespmem:s0+$0x0] =	vst v8;
	v8 =	vld.idx.msk [tilespmem:v62+s10+$0x0], $0xffff  }
0x13b: {  	v12 =	vadd.s32 $0x1400, v7;
	[tilespmem:s20+$0x0] =	vst v13;
	s0 =	sor.u32 s24, s3;
	v1 =	vld.idx.msk [tilespmem:v15+s10+$0x0], $0xffff  }
0x13c: {  	v23 =	vld [tilespmem:$0x1FFA0];
	s20 =	rddreg [dreg:$0x6];
	[tilespmem:s0+$0x0] =	vst v9;
	v9 =	vadd.s32 $0x6000, v5  }
0x13d: {  	v3 =	vadd.s32 $0x3400, v34;
	s22 =	smov.u32 s25;
	v13 =	vld.idx.msk [tilespmem:v48+s10+$0x0], $0xffff;
	[tilespmem:s20+$0x0] =	vst v16  }
0x13e: {  	s28 =	smov.u32 s16;
	s16 =	sor.u32 s22, s31;
	s31 =	sadd.s32 $0xE400, s23;
	v48 =	vmov v3;
	v3 =	vld.idx.msk [tilespmem:v14+s10+$0x0], $0xffff;
	[tilespmem:s5+$0x0] =	vst v17  }
0x13f: {  	v59 =	vadd.s32 $0x1400, v34;
	v0 =	vadd.s32 $0x5800, v34;
	v10 =	vadd.s32 $0x7000, v34;
	s0 =	sor.u32 s21, s31;
	v14 =	vld.idx.msk [tilespmem:v30+s10+$0x0], $0xffff;
	[tilespmem:s14+$0x200] =	vst v11  }
0x140: {  	v26 =	vmovc v40;
	v40 =	vmovc v42;
	v42 =	vmov v0;
	v30 =	vmov v10;
	v10 =	vadd.s32 $0x3C00, v6;
	v0 =	vld.idx.msk [tilespmem:v12+s10+$0x0], $0xffff;
	[tilespmem:s0+$0x0] =	vst v1  }
0x141: {  	[tilespmem:$0x1FF70] =	vst v24;
	v22 =	vmov v23;
	v1 =	vld.idx.msk [tilespmem:v9+s10+$0x0], $0xffff;
	v9 =	vadd.s32 $0x1800, v7  }
0x142: {  	v24 =	vmov v36;
	v36 =	vmov v44;
	v44 =	vld [tilespmem:$0x1FE80];
	[tilespmem:$0x1FF60] =	vst v22;
	s5 =	sor.u32 $0xD380, s26  }
0x143: {  	v11 =	vld.idx.msk [tilespmem:v57+s10+$0x0], $0xffff;
	[tilespmem:s13+$0x200] =	vst v8;
	s0 =	sor.u32 s24, s5  }
0x144: {  	s25 =	smov.u32 s29;
	v8 =	vld.idx.msk [tilespmem:v59+s10+$0x0], $0xffff;
	[tilespmem:s0+$0x0] =	vst v3  }
0x145: {  	v2 =	vadd.s32 $0x5C00, v34;
	s29 =	smov.u32 s19;
	s19 =	sor.u32 s25, s3;
	s20 =	sor.u32 $0xF080, s23;
	v10 =	vld.idx.msk [tilespmem:v10+s10+$0x0], $0xffff;
	[tilespmem:s14+$0x280] =	vst v0  }
0x146: {  	v21 =	vmov v38;
	v38 =	vmov v2;
	[tilespmem:s19+$0x0] =	vst v13;
	s0 =	sor.u32 s21, s20;
	v2 =	vld.idx.msk [tilespmem:v9+s10+$0x0], $0xffff  }
0x147: {  	v35 =	vmovc v31;
	v31 =	vmov v20;
	v20 =	vadd.s32 $0x5000, v34;
	v3 =	vadd.s32 $0x6400, v5;
	[tilespmem:s0+$0x0] =	vst v1;
	v1 =	vld [tilespmem:$0x1FEB0]  }
0x148: {  	v22 =	vmov v20;
	v12 =	vld.idx.msk [tilespmem:v47+s10+$0x0], $0xffff;
	[tilespmem:s12+$0x0] =	vst v14;
	v0 =	vadd.s32 $0x4000, v6  }
0x149: {  	v23 =	vmov v33;
	v33 =	vmov v43;
	v43 =	vld [tilespmem:$0x1FEA0];
	[tilespmem:s16+$0x0] =	vst v11  }
0x14a: {  	v4 =	vadd.s32 $0x7400, v34;
	[tilespmem:$0x1FFA0] =	vst v22;
	v11 =	vld.idx.msk [tilespmem:v29+s10+$0x0], $0xffff;
	s14 =	sadd.s32 $0xD400, s26  }
0x14b: {  	v22 =	vmov v4;
	v4 =	vld.idx.msk [tilespmem:v28+s10+$0x0], $0xffff;
	[tilespmem:s13+$0x280] =	vst v8;
	s13 =	sor.u32 s24, s14  }
0x14c: {  	v8 =	vld.idx.msk [tilespmem:v3+s10+$0x0], $0xffff;
	[tilespmem:s13+$0x0] =	vst v10  }
0x14d: {  	v13 =	vld.idx.msk [tilespmem:v0+s10+$0x0], $0xffff  }
0x14e: {  	s4 =	sadd.s32 $0x2, s4;
	s19 =	sor.u32 s25, s5;
	v0 =	vld [tilespmem:$0x1FEC0]  }
0x14f: {  	s3 =	sor.u32 s22, s31;
	s31 =	sand.u32 $0x7, s4;
	v9 =	vld.idx.msk [tilespmem:v1+s10+$0x0], $0xffff;
	[tilespmem:s19+$0x0] =	vst v12  }
0x150: {  	s0 =	sshll.u32 s31, $0x4;
	v3 =	vadd.s32 $0x1C00, v7;
	v12 =	vld.idx.msk [tilespmem:v46+s10+$0x0], $0xffff;
	[tilespmem:s11+$0x0] =	vst v11  }
0x151: {  	s0 =	sadd.s32 s18, s0;
	[tilespmem:s3+$0x0] =	vst v4;
	v4 =	vld [tilespmem:$0x1FF10]  }
0x152: {  	v15 =	vmov v55;
	v55 =	vld [tilespmem:$0x1FEE0];
	s0 =	sadd.s32 $0x10, s0  }
0x153: {  	s0 =	sor.u32 $0x300, s0;
	v1 =	vld [tilespmem:$0x1FEF0]  }
0x154: {  	[tilespmem:s0+$0xC080] =	vst v2;
	v2 =	vld [tilespmem:$0x1FF00];
	s19 =	sor.u32 $0xF100, s23  }
0x155: {  	s12 =	sor.u32 s22, s20;
	v3 =	vld.idx.msk [tilespmem:v3+s10+$0x0], $0xffff;
	s20 =	sor.u32 s21, s19  }
0x156: {  	[tilespmem:s20+$0x0] =	vst v8;
	v8 =	vld [tilespmem:$0x1FF20]  }
0x157: {  	[tilespmem:$0x1FFB0] =	vst v18;
	v0 =	vld.idx.msk [tilespmem:v0+s10+$0x0], $0xffff  }
0x158: {  	v10 =	vadd.s32 $0x6800, v5;
	v18 =	vmov v1;
	v1 =	vld.idx.msk [tilespmem:v35+s10+$0x0], $0xffff;
	[tilespmem:s2+$0xC080] =	vst v9  }
0x159: {  	s1 =	sadd.s32 $0x2, s1;
	s16 =	sor.u32 s25, s14;
	v4 =	vld.idx.msk [tilespmem:v4+s10+$0x0], $0xffff  }
0x15a: {  	p1 =	slt.u32 s1, $0x1E;
	v54 =	vadd.s32 $0x2000, v34;
	[tilespmem:s16+$0x0] =	vst v12;
	v12 =	vld [tilespmem:$0x1FF40]  }
.Ltmp0:
0x15b: {  	v58 =	vadd.s32 $0x2400, v34;
	v61 =	vadd.s32 $0x3800, v34;
	v53 =	vadd.s32 $0x4400, v34;
	v14 =	vld [tilespmem:$0x1FE90];
	(pc) =	sbr.rel @p1 .LBB2_3-.Ltmp0, $4  }
0x15c: {  	v50 =	vadd.s32 $0x6400, v34;
	v39 =	vadd.s32 $0x6800, v34;
	v52 =	vmovc v58;
	v58 =	vadd.s32 $0x3C00, v34;
	v28 =	vld [tilespmem:$0x1FED0];
	s31 =	sor.u32 $0xE080, s26  }
0x15d: {  	v60 =	vadd.s32 $0x6000, v34;
	v63 =	vadd.s32 $0x7800, v34;
	v34 =	vadd.s32 $0x7C00, v34;
	v16 =	vmovc v31;
	s0 =	sor.u32 s24, s31;
	v31 =	vmovc v2;
	v2 =	vld.idx.msk [tilespmem:v10+s10+$0x0], $0xffff  }
0x15e: {  	v20 =	vmovc v56;
	v41 =	vmovc v45;
	v17 =	vmov v63;
	v47 =	vmov v61;
	v46 =	vmov v58;
	[tilespmem:s0+$0x0] =	vst v13;
	v13 =	vld [tilespmem:$0x1FF30]  }
0x15f: {  	s7 =	sadd.s32 $0x20, s7;
	v11 =	vadd.s32 $0x4400, v6;
	s3 =	sor.u32 s22, s19;
	v10 =	vadd.s32 $0x2000, v7;
	v35 =	vmovc v60;
	s2 =	sor.u32 s25, s31;
	v9 =	vld.idx.msk [tilespmem:v8+s10+$0x0], $0xffff;
	v8 =	vadd.s32 $0x6C00, v5;
	v45 =	vmovc v12  }
0x160: {  	_ = 	snop  }
0x161: {  	[tilespmem:s15+$0x0] =	vst v0  }
0x162: {  	s0 =	sor.u32 s17, s18;
	[tilespmem:s12+$0x0] =	vst v1  }
0x163: {  	[tilespmem:s8+$0xC080] =	vst v4;
	s1 =	sor.u32 $0x380, s0;
	s0 =	sor.u32 $0xF180, s23  }
0x164: {  	v1 =	vld.idx.msk [tilespmem:v41+s10+$0x0], $0xffff;
	[tilespmem:s1+$0xC080] =	vst v3;
	s13 =	sor.u32 s21, s0  }
0x165: {  	v10 =	vld.idx.msk [tilespmem:v10+s10+$0x0], $0xffff;
	[tilespmem:s13+$0x0] =	vst v2  }
0x166: {  	v4 =	vadd.s32 $0x2400, v7;
	[tilespmem:s2+$0x0] =	vst v9;
	v9 =	vld.idx.msk [tilespmem:v54+s10+$0x0], $0xffff  }
0x167: {  	v8 =	vld.idx.msk [tilespmem:v8+s10+$0x0], $0xffff  }
0x168: {  	v0 =	vld.idx.msk [tilespmem:v11+s10+$0x0], $0xffff;
	s15 =	sor.u32 $0xD080, s30  }
0x169: {  	s16 =	sor.u32 s28, s15;
	v2 =	vld.idx.msk [tilespmem:v44+s10+$0x0], $0xffff;
	[tilespmem:s9+$0x0] =	vst v1  }
0x16a: {  	s5 =	sor.u32 s29, s15;
	s1 =	sor.u32 $0xF200, s23;
	v1 =	vld.idx.msk [tilespmem:v55+s10+$0x0], $0xffff;
	[tilespmem:s16+$0x0] =	vst v10  }
0x16b: {  	s4 =	sor.u32 $0xE100, s26;
	v3 =	vadd.s32 $0x4800, v6;
	s17 =	sor.u32 s21, s1;
	v4 =	vld.idx.msk [tilespmem:v4+s10+$0x0], $0xffff;
	[tilespmem:s5+$0x0] =	vst v9  }
0x16c: {  	v11 =	vadd.s32 $0x2800, v7;
	s14 =	sor.u32 s24, s4;
	[tilespmem:s17+$0x0] =	vst v8;
	v8 =	vld.idx.msk [tilespmem:v52+s10+$0x0], $0xffff  }
0x16d: {  	[tilespmem:s14+$0x0] =	vst v0  }
0x16e: {  	s19 =	sor.u32 $0xD100, s30;
	s4 =	sor.u32 s25, s4;
	[tilespmem:s3+$0x0] =	vst v2  }
0x16f: {  	s20 =	sor.u32 s28, s19;
	[tilespmem:s4+$0x0] =	vst v1  }
0x170: {  	v3 =	vld.idx.msk [tilespmem:v3+s10+$0x0], $0xffff;
	s3 =	sor.u32 s29, s19;
	[tilespmem:s20+$0x0] =	vst v4  }
0x171: {  	v1 =	vld.idx.msk [tilespmem:v11+s10+$0x0], $0xffff;
	[tilespmem:s3+$0x0] =	vst v8  }
0x172: {  	v4 =	vld.idx.msk [tilespmem:v51+s10+$0x0], $0xffff  }
0x173: {  	s2 =	sor.u32 $0xE180, s26  }
0x174: {  	s6 =	sor.u32 $0xD180, s30;
	s18 =	sor.u32 s24, s2  }
0x175: {  	s7 =	sor.u32 s28, s6;
	[tilespmem:s18+$0x0] =	vst v3  }
0x176: {  	s3 =	sor.u32 s29, s6;
	[tilespmem:s7+$0x0] =	vst v1  }
0x177: {  	[tilespmem:s3+$0x0] =	vst v4  }
0x178: {  	v4 =	vld [tilespmem:$0x1FF70];
	_ =	sdelay $0x1  }
0x179: {  	v3 =	vadd.s32 $0x2C00, v7;
	_ =	sdelay $0x4  }
0x17a: {  	v1 =	vld.idx.msk [tilespmem:v3+s10+$0x0], $0xffff  }
0x17b: {  	v3 =	vadd.s32 $0x3000, v7;
	v4 =	vld.idx.msk [tilespmem:v4+s10+$0x0], $0xffff;
	_ =	sdelay $0x1  }
0x17c: {  	s8 =	sor.u32 $0xD200, s30  }
0x17d: {  	s9 =	sor.u32 s28, s8  }
0x17e: {  	s3 =	sor.u32 s29, s8;
	[tilespmem:s9+$0x0] =	vst v1  }
0x17f: {  	v1 =	vld.idx.msk [tilespmem:v3+s10+$0x0], $0xffff;
	[tilespmem:s3+$0x0] =	vst v4  }
0x180: {  	v3 =	vadd.s32 $0x3400, v7;
	v4 =	vld.idx.msk [tilespmem:v49+s10+$0x0], $0xffff;
	_ =	sdelay $0x1  }
0x181: {  	s11 =	sor.u32 $0xD280, s30  }
0x182: {  	s12 =	sor.u32 s28, s11  }
0x183: {  	v0 =	vadd.s32 $0x7000, v5;
	[tilespmem:s12+$0x0] =	vst v1;
	s3 =	sor.u32 s29, s11  }
0x184: {  	v10 =	vadd.s32 $0x4C00, v6;
	v1 =	vld.idx.msk [tilespmem:v3+s10+$0x0], $0xffff;
	[tilespmem:s3+$0x0] =	vst v4  }
0x185: {  	v3 =	vadd.s32 $0x3800, v7;
	v4 =	vld.idx.msk [tilespmem:v48+s10+$0x0], $0xffff;
	_ =	sdelay $0x1  }
0x186: {  	s13 =	sor.u32 $0xD300, s30;
	v2 =	vld.idx.msk [tilespmem:v43+s10+$0x0], $0xffff  }
0x187: {  	s14 =	sor.u32 s28, s13;
	v61 =	vld.idx.msk [tilespmem:v0+s10+$0x0], $0xffff  }
0x188: {  	v0 =	vld.idx.msk [tilespmem:v10+s10+$0x0], $0xffff;
	[tilespmem:s14+$0x0] =	vst v1;
	s3 =	sor.u32 s29, s13  }
0x189: {  	v1 =	vld.idx.msk [tilespmem:v3+s10+$0x0], $0xffff;
	[tilespmem:s3+$0x0] =	vst v4  }
0x18a: {  	v3 =	vadd.s32 $0x3C00, v7;
	v4 =	vld.idx.msk [tilespmem:v47+s10+$0x0], $0xffff;
	_ =	sdelay $0x1  }
0x18b: {  	s15 =	sor.u32 $0xD380, s30  }
0x18c: {  	s16 =	sor.u32 s28, s15  }
0x18d: {  	s3 =	sor.u32 s29, s15;
	[tilespmem:s16+$0x0] =	vst v1  }
0x18e: {  	v1 =	vld.idx.msk [tilespmem:v3+s10+$0x0], $0xffff;
	[tilespmem:s3+$0x0] =	vst v4  }
0x18f: {  	v3 =	vadd.s32 $0x4000, v7;
	v4 =	vld.idx.msk [tilespmem:v46+s10+$0x0], $0xffff;
	_ =	sdelay $0x1  }
0x190: {  	s17 =	sadd.s32 $0xD400, s30  }
0x191: {  	s18 =	sor.u32 s28, s17  }
0x192: {  	s3 =	sor.u32 s29, s17;
	[tilespmem:s18+$0x0] =	vst v1  }
0x193: {  	v1 =	vld.idx.msk [tilespmem:v3+s10+$0x0], $0xffff;
	[tilespmem:s3+$0x0] =	vst v4  }
0x194: {  	v3 =	vadd.s32 $0x4400, v7;
	v4 =	vld.idx.msk [tilespmem:v45+s10+$0x0], $0xffff;
	_ =	sdelay $0x1  }
0x195: {  	s19 =	sor.u32 $0xE080, s30  }
0x196: {  	s20 =	sor.u32 s28, s19  }
0x197: {  	s3 =	sor.u32 s29, s19;
	[tilespmem:s20+$0x0] =	vst v1  }
0x198: {  	v1 =	vld.idx.msk [tilespmem:v3+s10+$0x0], $0xffff;
	[tilespmem:s3+$0x0] =	vst v4  }
0x199: {  	v4 =	vld.idx.msk [tilespmem:v53+s10+$0x0], $0xffff;
	_ =	sdelay $0x1  }
0x19a: {  	s4 =	sor.u32 $0xE100, s30  }
0x19b: {  	s5 =	sor.u32 s28, s4  }
0x19c: {  	s3 =	sor.u32 s29, s4;
	[tilespmem:s5+$0x0] =	vst v1  }
0x19d: {  	[tilespmem:s3+$0x0] =	vst v4  }
0x19e: {  	v4 =	vld [tilespmem:$0x1FF80];
	_ =	sdelay $0x1  }
0x19f: {  	v3 =	vadd.s32 $0x4800, v7;
	_ =	sdelay $0x3  }
0x1a0: {  	v8 =	vld.idx.msk [tilespmem:v40+s10+$0x0], $0xffff  }
0x1a1: {  	v1 =	vld.idx.msk [tilespmem:v3+s10+$0x0], $0xffff  }
0x1a2: {  	v4 =	vld.idx.msk [tilespmem:v4+s10+$0x0], $0xffff;
	_ =	sdelay $0x1  }
0x1a3: {  	s2 =	sor.u32 s25, s2;
	s6 =	sor.u32 $0xE180, s30  }
0x1a4: {  	s7 =	sor.u32 s28, s6;
	[tilespmem:s2+$0x0] =	vst v8  }
0x1a5: {  	s3 =	sor.u32 s29, s6;
	v9 =	vld [tilespmem:$0x1FF50];
	[tilespmem:s7+$0x0] =	vst v1  }
0x1a6: {  	[tilespmem:s3+$0x0] =	vst v4  }
0x1a7: {  	v4 =	vld [tilespmem:$0x1FF90];
	_ =	sdelay $0x1  }
0x1a8: {  	v3 =	vadd.s32 $0x4C00, v7;
	_ =	sdelay $0x3  }
0x1a9: {  	v9 =	vld.idx.msk [tilespmem:v9+s10+$0x0], $0xffff  }
0x1aa: {  	v1 =	vld.idx.msk [tilespmem:v3+s10+$0x0], $0xffff  }
0x1ab: {  	s8 =	sor.u32 $0xE200, s26;
	v4 =	vld.idx.msk [tilespmem:v4+s10+$0x0], $0xffff  }
0x1ac: {  	s9 =	sor.u32 s24, s8  }
0x1ad: {  	s11 =	sor.u32 $0xE200, s30;
	s2 =	sor.u32 s25, s8;
	[tilespmem:s9+$0x0] =	vst v0  }
0x1ae: {  	s12 =	sor.u32 s28, s11;
	[tilespmem:s2+$0x0] =	vst v9  }
0x1af: {  	s3 =	sor.u32 s29, s11;
	v9 =	vld [tilespmem:$0x1FF60];
	[tilespmem:s12+$0x0] =	vst v1  }
0x1b0: {  	[tilespmem:s3+$0x0] =	vst v4  }
0x1b1: {  	v8 =	vadd.s32 $0x5000, v6;
	v4 =	vld [tilespmem:$0x1FFA0];
	_ =	sdelay $0x1  }
0x1b2: {  	v3 =	vadd.s32 $0x5000, v7;
	_ =	sdelay $0x2  }
0x1b3: {  	v0 =	vld.idx.msk [tilespmem:v8+s10+$0x0], $0xffff  }
0x1b4: {  	v9 =	vld.idx.msk [tilespmem:v9+s10+$0x0], $0xffff  }
0x1b5: {  	v1 =	vld.idx.msk [tilespmem:v3+s10+$0x0], $0xffff  }
0x1b6: {  	s13 =	sor.u32 $0xE280, s26;
	v4 =	vld.idx.msk [tilespmem:v4+s10+$0x0], $0xffff  }
0x1b7: {  	s14 =	sor.u32 s24, s13  }
0x1b8: {  	s15 =	sor.u32 $0xE280, s30;
	s2 =	sor.u32 s25, s13;
	[tilespmem:s14+$0x0] =	vst v0  }
0x1b9: {  	s16 =	sor.u32 s28, s15;
	[tilespmem:s2+$0x0] =	vst v9  }
0x1ba: {  	v8 =	vadd.s32 $0x5400, v6;
	s3 =	sor.u32 s29, s15;
	[tilespmem:s16+$0x0] =	vst v1  }
0x1bb: {  	[tilespmem:s3+$0x0] =	vst v4  }
0x1bc: {  	v4 =	vld [tilespmem:$0x1FFB0];
	_ =	sdelay $0x1  }
0x1bd: {  	v3 =	vadd.s32 $0x5400, v7  }
0x1be: {  	v0 =	vld.idx.msk [tilespmem:v8+s10+$0x0], $0xffff  }
0x1bf: {  	v8 =	vadd.s32 $0x5800, v6;
	_ =	sdelay $0x1  }
0x1c0: {  	s17 =	sor.u32 $0xE300, s26;
	v9 =	vld.idx.msk [tilespmem:v37+s10+$0x0], $0xffff  }
0x1c1: {  	s18 =	sor.u32 s24, s17;
	v1 =	vld.idx.msk [tilespmem:v3+s10+$0x0], $0xffff  }
0x1c2: {  	v3 =	vadd.s32 $0x5800, v7;
	[tilespmem:s18+$0x0] =	vst v0;
	v4 =	vld.idx.msk [tilespmem:v4+s10+$0x0], $0xffff  }
0x1c3: {  	v0 =	vld.idx.msk [tilespmem:v8+s10+$0x0], $0xffff  }
0x1c4: {  	s19 =	sor.u32 $0xE300, s30;
	s2 =	sor.u32 s25, s17;
	v8 =	vadd.s32 $0x5C00, v6  }
0x1c5: {  	s20 =	sor.u32 s28, s19;
	[tilespmem:s2+$0x0] =	vst v9  }
0x1c6: {  	s4 =	sor.u32 $0xE380, s26;
	s3 =	sor.u32 s29, s19;
	[tilespmem:s20+$0x0] =	vst v1;
	v9 =	vld.idx.msk [tilespmem:v36+s10+$0x0], $0xffff  }
0x1c7: {  	s5 =	sor.u32 s24, s4;
	v1 =	vld.idx.msk [tilespmem:v3+s10+$0x0], $0xffff;
	[tilespmem:s3+$0x0] =	vst v4  }
0x1c8: {  	v3 =	vadd.s32 $0x5C00, v7;
	[tilespmem:s5+$0x0] =	vst v0;
	v4 =	vld.idx.msk [tilespmem:v42+s10+$0x0], $0xffff  }
0x1c9: {  	v0 =	vld.idx.msk [tilespmem:v8+s10+$0x0], $0xffff  }
0x1ca: {  	s6 =	sor.u32 $0xE380, s30;
	s2 =	sor.u32 s25, s4;
	v8 =	vadd.s32 $0x6000, v6  }
0x1cb: {  	s7 =	sor.u32 s28, s6;
	[tilespmem:s2+$0x0] =	vst v9  }
0x1cc: {  	s8 =	sadd.s32 $0xE400, s26;
	[tilespmem:s7+$0x0] =	vst v1;
	v9 =	vld.idx.msk [tilespmem:v33+s10+$0x0], $0xffff;
	s3 =	sor.u32 s29, s6  }
0x1cd: {  	s9 =	sor.u32 s24, s8;
	v1 =	vld.idx.msk [tilespmem:v3+s10+$0x0], $0xffff;
	[tilespmem:s3+$0x0] =	vst v4  }
0x1ce: {  	v3 =	vadd.s32 $0x6000, v7;
	[tilespmem:s9+$0x0] =	vst v0;
	v4 =	vld.idx.msk [tilespmem:v38+s10+$0x0], $0xffff  }
0x1cf: {  	v0 =	vld.idx.msk [tilespmem:v8+s10+$0x0], $0xffff  }
0x1d0: {  	s11 =	sadd.s32 $0xE400, s30;
	s2 =	sor.u32 s25, s8;
	v8 =	vadd.s32 $0x6400, v6  }
0x1d1: {  	s12 =	sor.u32 s28, s11;
	[tilespmem:s2+$0x0] =	vst v9  }
0x1d2: {  	s13 =	sor.u32 $0xF080, s26;
	[tilespmem:s12+$0x0] =	vst v1;
	v9 =	vld.idx.msk [tilespmem:v31+s10+$0x0], $0xffff;
	s3 =	sor.u32 s29, s11  }
0x1d3: {  	s14 =	sor.u32 s24, s13;
	v1 =	vld.idx.msk [tilespmem:v3+s10+$0x0], $0xffff;
	[tilespmem:s3+$0x0] =	vst v4  }
0x1d4: {  	v3 =	vadd.s32 $0x6400, v7;
	[tilespmem:s14+$0x0] =	vst v0;
	v4 =	vld.idx.msk [tilespmem:v35+s10+$0x0], $0xffff  }
0x1d5: {  	v0 =	vld.idx.msk [tilespmem:v8+s10+$0x0], $0xffff  }
0x1d6: {  	s15 =	sor.u32 $0xF080, s30;
	s2 =	sor.u32 s25, s13;
	v8 =	vadd.s32 $0x6800, v6  }
0x1d7: {  	s16 =	sor.u32 s28, s15;
	[tilespmem:s2+$0x0] =	vst v9  }
0x1d8: {  	s17 =	sor.u32 $0xF100, s26;
	[tilespmem:s16+$0x0] =	vst v1;
	v9 =	vld.idx.msk [tilespmem:v28+s10+$0x0], $0xffff;
	s3 =	sor.u32 s29, s15  }
0x1d9: {  	s18 =	sor.u32 s24, s17;
	v1 =	vld.idx.msk [tilespmem:v3+s10+$0x0], $0xffff;
	[tilespmem:s3+$0x0] =	vst v4  }
0x1da: {  	v3 =	vadd.s32 $0x6800, v7;
	[tilespmem:s18+$0x0] =	vst v0;
	v4 =	vld.idx.msk [tilespmem:v50+s10+$0x0], $0xffff  }
0x1db: {  	s0 =	sor.u32 s22, s0;
	v0 =	vld.idx.msk [tilespmem:v8+s10+$0x0], $0xffff  }
0x1dc: {  	s19 =	sor.u32 $0xF100, s30;
	[tilespmem:s0+$0x0] =	vst v2;
	s2 =	sor.u32 s25, s17;
	v8 =	vadd.s32 $0x6C00, v6  }
0x1dd: {  	s20 =	sor.u32 s28, s19;
	v2 =	vld.idx.msk [tilespmem:v24+s10+$0x0], $0xffff;
	[tilespmem:s2+$0x0] =	vst v9  }
0x1de: {  	s4 =	sor.u32 $0xF180, s26;
	[tilespmem:s20+$0x0] =	vst v1;
	v9 =	vld.idx.msk [tilespmem:v27+s10+$0x0], $0xffff;
	s3 =	sor.u32 s29, s19  }
0x1df: {  	s5 =	sor.u32 s24, s4;
	v1 =	vld.idx.msk [tilespmem:v3+s10+$0x0], $0xffff;
	[tilespmem:s3+$0x0] =	vst v4  }
0x1e0: {  	v3 =	vadd.s32 $0x6C00, v7;
	[tilespmem:s5+$0x0] =	vst v0;
	v4 =	vld.idx.msk [tilespmem:v39+s10+$0x0], $0xffff  }
0x1e1: {  	s11 =	sor.u32 s22, s1;
	v0 =	vld.idx.msk [tilespmem:v8+s10+$0x0], $0xffff  }
0x1e2: {  	s7 =	sor.u32 $0xF180, s30;
	s6 =	sor.u32 s25, s4;
	[tilespmem:s11+$0x0] =	vst v2;
	v8 =	vadd.s32 $0x7000, v6  }
0x1e3: {  	s8 =	sor.u32 s28, s7;
	[tilespmem:s6+$0x0] =	vst v9  }
0x1e4: {  	s9 =	sor.u32 s29, s7;
	s12 =	sor.u32 $0xF200, s26;
	v2 =	vadd.s32 $0x7400, v5;
	[tilespmem:s8+$0x0] =	vst v1;
	v9 =	vld.idx.msk [tilespmem:v26+s10+$0x0], $0xffff  }
0x1e5: {  	s13 =	sor.u32 s24, s12;
	v1 =	vld.idx.msk [tilespmem:v3+s10+$0x0], $0xffff;
	[tilespmem:s9+$0x0] =	vst v4  }
0x1e6: {  	s16 =	sor.u32 $0xF280, s23;
	v3 =	vadd.s32 $0x7000, v7;
	[tilespmem:s13+$0x0] =	vst v0;
	v4 =	vld.idx.msk [tilespmem:v32+s10+$0x0], $0xffff  }
0x1e7: {  	s17 =	sor.u32 s21, s16;
	v0 =	vld.idx.msk [tilespmem:v8+s10+$0x0], $0xffff  }
0x1e8: {  	s14 =	sor.u32 $0xF200, s30;
	s1 =	sor.u32 s25, s12;
	[tilespmem:s17+$0x0] =	vst v61;
	v10 =	vld.idx.msk [tilespmem:v23+s10+$0x0], $0xffff;
	v8 =	vadd.s32 $0x7400, v6  }
0x1e9: {  	s15 =	sor.u32 s28, s14;
	v2 =	vld.idx.msk [tilespmem:v2+s10+$0x0], $0xffff;
	[tilespmem:s1+$0x0] =	vst v9  }
0x1ea: {  	s0 =	sor.u32 s29, s14;
	s19 =	sor.u32 $0xF280, s26;
	[tilespmem:s15+$0x0] =	vst v1;
	v9 =	vld.idx.msk [tilespmem:v21+s10+$0x0], $0xffff  }
0x1eb: {  	s20 =	sor.u32 s24, s19;
	v1 =	vld.idx.msk [tilespmem:v3+s10+$0x0], $0xffff;
	[tilespmem:s0+$0x0] =	vst v4  }
0x1ec: {  	s18 =	sor.u32 s22, s16;
	s5 =	sor.u32 $0xF300, s23;
	v3 =	vadd.s32 $0x7400, v7;
	[tilespmem:s20+$0x0] =	vst v0;
	v4 =	vld.idx.msk [tilespmem:v30+s10+$0x0], $0xffff  }
0x1ed: {  	[tilespmem:s18+$0x0] =	vst v10;
	s7 =	sor.u32 s21, s5;
	v0 =	vld.idx.msk [tilespmem:v8+s10+$0x0], $0xffff  }
0x1ee: {  	s2 =	sor.u32 s25, s19;
	[tilespmem:s7+$0x0] =	vst v2;
	s3 =	sor.u32 $0xF280, s30;
	v8 =	vadd.s32 $0x7800, v6  }
0x1ef: {  	v10 =	vadd.s32 $0x7800, v5;
	v11 =	vld.idx.msk [tilespmem:v16+s10+$0x0], $0xffff;
	s4 =	sor.u32 s28, s3;
	[tilespmem:s2+$0x0] =	vst v9  }
0x1f0: {  	s6 =	sor.u32 s29, s3;
	[tilespmem:s4+$0x0] =	vst v1;
	v9 =	vld.idx.msk [tilespmem:v20+s10+$0x0], $0xffff;
	s9 =	sor.u32 $0xF300, s26  }
0x1f1: {  	v1 =	vld.idx.msk [tilespmem:v3+s10+$0x0], $0xffff;
	s11 =	sor.u32 s24, s9;
	[tilespmem:s6+$0x0] =	vst v4  }
0x1f2: {  	v2 =	vadd.s32 $0x7800, v7;
	[tilespmem:s11+$0x0] =	vst v0;
	v3 =	vld.idx.msk [tilespmem:v22+s10+$0x0], $0xffff  }
0x1f3: {  	s8 =	sor.u32 s22, s5;
	v0 =	vld.idx.msk [tilespmem:v8+s10+$0x0], $0xffff  }
0x1f4: {  	s12 =	sor.u32 $0xF300, s30;
	[tilespmem:s8+$0x0] =	vst v11;
	v6 =	vadd.s32 $0x7C00, v6;
	s1 =	sor.u32 s25, s9;
	v4 =	vld.idx.msk [tilespmem:v10+s10+$0x0], $0xffff  }
0x1f5: {  	v5 =	vadd.s32 $0x7C00, v5;
	s13 =	sor.u32 s28, s12;
	[tilespmem:s1+$0x0] =	vst v9;
	v10 =	vld.idx.msk [tilespmem:v15+s10+$0x0], $0xffff  }
0x1f6: {  	s17 =	sor.u32 $0xF380, s26;
	[tilespmem:s13+$0x0] =	vst v1;
	v8 =	vld.idx.msk [tilespmem:v18+s10+$0x0], $0xffff;
	s0 =	sor.u32 s29, s12  }
0x1f7: {  	s14 =	sor.u32 $0xF380, s23;
	s18 =	sor.u32 s24, s17;
	v1 =	vld.idx.msk [tilespmem:v2+s10+$0x0], $0xffff;
	[tilespmem:s0+$0x0] =	vst v3  }
0x1f8: {  	s15 =	sor.u32 s21, s14;
	v2 =	vadd.s32 $0x7C00, v7;
	[tilespmem:s18+$0x0] =	vst v0;
	v3 =	vld.idx.msk [tilespmem:v17+s10+$0x0], $0xffff  }
0x1f9: {  	s16 =	sor.u32 s22, s14;
	v0 =	vld.idx.msk [tilespmem:v6+s10+$0x0], $0xffff;
	[tilespmem:s15+$0x0] =	vst v4  }
0x1fa: {  	s19 =	sor.u32 $0xF380, s30;
	s1 =	sor.u32 s25, s17;
	[tilespmem:s16+$0x0] =	vst v10;
	v4 =	vld.idx.msk [tilespmem:v5+s10+$0x0], $0xffff  }
0x1fb: {  	s20 =	sor.u32 s28, s19;
	[tilespmem:s1+$0x0] =	vst v8;
	v5 =	vld.idx.msk [tilespmem:v13+s10+$0x0], $0xffff  }
0x1fc: {  	s5 =	sadd.s32 $0xF400, s26;
	[tilespmem:s20+$0x0] =	vst v1;
	v6 =	vld.idx.msk [tilespmem:v14+s10+$0x0], $0xffff;
	s0 =	sor.u32 s29, s19  }
0x1fd: {  	s23 =	sadd.s32 $0xF400, s23;
	v1 =	vld.idx.msk [tilespmem:v2+s10+$0x0], $0xffff;
	s6 =	sor.u32 s24, s5;
	[tilespmem:s0+$0x0] =	vst v3  }
0x1fe: {  	s3 =	sor.u32 s21, s23;
	[tilespmem:s6+$0x0] =	vst v0;
	v2 =	vld.idx.msk [tilespmem:v34+s10+$0x0], $0xffff  }
0x1ff: {  	s4 =	sor.u32 s22, s23;
	[tilespmem:s3+$0x0] =	vst v4  }
0x200: {  	s7 =	sadd.s32 $0xF400, s30;
	s1 =	sor.u32 s25, s5;
	[tilespmem:s4+$0x0] =	vst v5  }
0x201: {  	s9 =	sor.u32 s28, s7;
	s8 =	rddreg [dreg:$0xe];
	[tilespmem:s1+$0x0] =	vst v6  }
0x202: {  	s0 =	sor.u32 s29, s7;
	s3 =	rddreg [dreg:$0x7];
	[tilespmem:s9+$0x0] =	vst v1  }
0x203: {  	s2 =	sshll.u32 s8, $0xD;
	[tilespmem:s0+$0x0] =	vst v2  }
0x204: {  	s14 =	simm.s32 $0xC080;
	s2 =	sadd.s32 s3, s2;
	s0 =	rddreg [dreg:$0x9]  }
0x205: {  	s13 =	simm.s32 $0x20400;
	s11 =	sshrl.u32 s2, $0x3;
	s15 =	rddreg [dreg:$0x10]  }
0x206: {  	s12 =	simm.s32 $0x1000;
	s0 =	sadd.s32 s0, s11;
	s16 =	sor.u32 $0x1, s15  }
0x207: {  	[hbm4b:s0+s12] =	stream.strided.scatter [tilespmem:s14], [sflag:$0x1], $0x4000, s13, s12, $0x38;
	[tilespmem:$0x15080] =	vst v63  }
0x208: {  	s1 =	sshll.u32 s16, $0x9  }
0x209: {  	s0 =	simm.s32 @!p0 $0x2;
	[dreg:$0xf] =	wrdreg s16;
	s1 =	sand.u32 $0x3FFFFE00, s1  }
0x20a: {  	s17 =	simm.s32 $0x0;
	_ =	swait.ge @!p0 [sflag:s0], $0x4000;
	[dreg:$0x4] =	wrdreg s1  }
0x20b: {  	s18 =	sand.u32 $0x180, s17;
	s19 =	simm.s32 $0x10;
	s1 =	rddreg [dreg:$0x4]  }
0x20c: {  	s4 =	sand.u32 $0x70, s19;
	[sflag:s0] =	ssyncset.done @!p0 $0x0;
	s3 =	sadd.s32 s18, s1  }
0x20d: {  	[sflag:s0] =	ssyncadd.s32 @!p0 $0xFFFFC000;
	s20 =	sadd.s32 s4, s3  }
0x20e: {  	v9 =	vld [tilespmem:s20+$0x0];
	_ =	sdelay $0x7  }
0x20f: {  	v0 =	vld.idx.msk [tilespmem:v9+s10+$0x0], $0xffff  }
0x210: {  	s1 =	sand.u32 $0x60, s17;
	v1 =	vadd.s32 $0x400, v9  }
0x211: {  	s6 =	sand.u32 $0xC00, s17;
	s21 =	sadd.s32 s1, s3  }
0x212: {  	s22 =	sor.u32 $0x10080, s6;
	v8 =	vld [tilespmem:s21+$0x0]  }
0x213: {  	s23 =	sor.u32 s4, s22  }
0x214: {  	[tilespmem:s23+$0x0] =	vst v0  }
0x215: {  	v0 =	vld.idx.msk [tilespmem:v1+s10+$0x0], $0xffff  }
0x216: {  	v1 =	vadd.s32 $0x800, v9;
	_ =	sdelay $0x3  }
0x217: {  	v2 =	vld.idx.msk [tilespmem:v8+s10+$0x0], $0xffff;
	[tilespmem:s23+$0x80] =	vst v0  }
0x218: {  	v0 =	vadd.s32 $0x400, v8;
	v1 =	vld.idx.msk [tilespmem:v1+s10+$0x0], $0xffff  }
0x219: {  	v3 =	vadd.s32 $0xC00, v9;
	_ =	sdelay $0x1  }
0x21a: {  	s0 =	sor.u32 s1, s22  }
0x21b: {  	[tilespmem:s0+$0x0] =	vst v2  }
0x21c: {  	v0 =	vld.idx.msk [tilespmem:v0+s10+$0x0], $0xffff;
	[tilespmem:s23+$0x100] =	vst v1  }
0x21d: {  	v1 =	vadd.s32 $0x800, v8;
	v2 =	vld.idx.msk [tilespmem:v3+s10+$0x0], $0xffff  }
0x21e: {  	v3 =	vadd.s32 $0x1000, v9;
	_ =	sdelay $0x2  }
0x21f: {  	[tilespmem:s0+$0x80] =	vst v0  }
0x220: {  	v0 =	vld.idx.msk [tilespmem:v1+s10+$0x0], $0xffff;
	[tilespmem:s23+$0x180] =	vst v2  }
0x221: {  	v1 =	vadd.s32 $0xC00, v8;
	v2 =	vld.idx.msk [tilespmem:v3+s10+$0x0], $0xffff  }
0x222: {  	v3 =	vadd.s32 $0x1400, v9;
	_ =	sdelay $0x2  }
0x223: {  	[tilespmem:s0+$0x100] =	vst v0  }
0x224: {  	v0 =	vld.idx.msk [tilespmem:v1+s10+$0x0], $0xffff;
	[tilespmem:s23+$0x200] =	vst v2  }
0x225: {  	v1 =	vadd.s32 $0x1000, v8;
	v2 =	vld.idx.msk [tilespmem:v3+s10+$0x0], $0xffff  }
0x226: {  	v3 =	vadd.s32 $0x1800, v9;
	_ =	sdelay $0x2  }
0x227: {  	[tilespmem:s0+$0x180] =	vst v0  }
0x228: {  	v0 =	vld.idx.msk [tilespmem:v1+s10+$0x0], $0xffff;
	[tilespmem:s23+$0x280] =	vst v2  }
0x229: {  	s24 =	sand.u32 $0x7, s17;
	v1 =	vadd.s32 $0x1400, v8;
	v2 =	vld.idx.msk [tilespmem:v3+s10+$0x0], $0xffff  }
0x22a: {  	s3 =	sshll.u32 s24, $0x4;
	v3 =	vadd.s32 $0x1C00, v9  }
0x22b: {  	s3 =	sadd.s32 $0x0, s3  }
0x22c: {  	s3 =	sadd.s32 $0x10, s3  }
0x22d: {  	s3 =	sor.u32 $0x300, s3;
	[tilespmem:s0+$0x200] =	vst v0  }
0x22e: {  	v0 =	vld.idx.msk [tilespmem:v1+s10+$0x0], $0xffff;
	[tilespmem:s3+$0x10080] =	vst v2  }
0x22f: {  	v1 =	vadd.s32 $0x1800, v8;
	v2 =	vld.idx.msk [tilespmem:v3+s10+$0x0], $0xffff  }
0x230: {  	v3 =	vadd.s32 $0x2000, v9  }
0x231: {  	s5 =	sor.u32 s19, s17  }
0x232: {  	s5 =	sor.u32 $0x380, s5;
	s7 =	simm.s32 $0x20  }
0x233: {  	s26 =	sand.u32 $0x180, s7;
	s25 =	rddreg [dreg:$0x4];
	[tilespmem:s0+$0x280] =	vst v0;
	s0 =	simm.s32 $0x30  }
0x234: {  	s3 =	sadd.s32 s26, s25;
	v0 =	vld.idx.msk [tilespmem:v1+s10+$0x0], $0xffff;
	s22 =	sand.u32 $0x70, s0;
	[tilespmem:s5+$0x10080] =	vst v2  }
0x235: {  	s9 =	sand.u32 $0x3, s17;
	v1 =	vadd.s32 $0x1C00, v8;
	s8 =	sadd.s32 s22, s3;
	v2 =	vld.idx.msk [tilespmem:v3+s10+$0x0], $0xffff  }
0x236: {  	s5 =	sshll.u32 s9, $0x5;
	v5 =	vld [tilespmem:s8+$0x0]  }
0x237: {  	s5 =	sadd.s32 $0x0, s5;
	v3 =	vadd.s32 $0x2400, v9  }
0x238: {  	s5 =	sor.u32 $0x300, s5  }
0x239: {  	s11 =	sor.u32 $0x11080, s6;
	s23 =	sand.u32 $0x60, s7;
	[tilespmem:s5+$0x10080] =	vst v0  }
0x23a: {  	s12 =	sor.u32 s4, s11;
	s3 =	sadd.s32 s23, s3;
	v0 =	vld.idx.msk [tilespmem:v1+s10+$0x0], $0xffff  }
0x23b: {  	v10 =	vld [tilespmem:s3+$0x0];
	v1 =	vadd.s32 $0x2000, v8;
	[tilespmem:s12+$0x0] =	vst v2  }
0x23c: {  	v2 =	vld.idx.msk [tilespmem:v3+s10+$0x0], $0xffff  }
0x23d: {  	s2 =	sor.u32 s17, s17;
	v3 =	vadd.s32 $0x2800, v9  }
0x23e: {  	s2 =	sor.u32 $0x380, s2;
	v4 =	vld.idx.msk [tilespmem:v5+s10+$0x0], $0xffff  }
0x23f: {  	s13 =	sor.u32 $0x11100, s6;
	s3 =	simm.s32 $0x100;
	[tilespmem:s2+$0x10080] =	vst v0;
	v0 =	vadd.s32 $0x400, v5  }
0x240: {  	s14 =	sor.u32 s4, s13;
	s24 =	sand.u32 $0xC00, s3;
	v1 =	vld.idx.msk [tilespmem:v1+s10+$0x0], $0xffff  }
0x241: {  	v6 =	vadd.s32 $0x2400, v8;
	s15 =	sor.u32 $0x10080, s24;
	[tilespmem:s14+$0x0] =	vst v2  }
0x242: {  	s16 =	sor.u32 s22, s15;
	v2 =	vld.idx.msk [tilespmem:v3+s10+$0x0], $0xffff  }
0x243: {  	v3 =	vld.idx.msk [tilespmem:v10+s10+$0x0], $0xffff;
	[tilespmem:s16+$0x0] =	vst v4;
	v4 =	vadd.s32 $0x2C00, v9  }
0x244: {  	s5 =	sor.u32 s1, s11;
	v7 =	vadd.s32 $0x400, v10;
	v0 =	vld.idx.msk [tilespmem:v0+s10+$0x0], $0xffff  }
0x245: {  	s17 =	sor.u32 $0x11180, s6;
	[tilespmem:s5+$0x0] =	vst v1;
	v1 =	vadd.s32 $0x800, v5  }
0x246: {  	s11 =	sor.u32 s4, s17;
	v6 =	vld.idx.msk [tilespmem:v6+s10+$0x0], $0xffff  }
0x247: {  	v11 =	vadd.s32 $0x2800, v8;
	s2 =	sor.u32 s23, s15;
	[tilespmem:s11+$0x0] =	vst v2  }
0x248: {  	[tilespmem:s2+$0x0] =	vst v3;
	v2 =	vld.idx.msk [tilespmem:v4+s10+$0x0], $0xffff  }
0x249: {  	v3 =	vld.idx.msk [tilespmem:v7+s10+$0x0], $0xffff;
	[tilespmem:s16+$0x80] =	vst v0;
	v0 =	vadd.s32 $0x3000, v9  }
0x24a: {  	s9 =	sor.u32 s1, s13;
	v4 =	vadd.s32 $0x800, v10;
	v1 =	vld.idx.msk [tilespmem:v1+s10+$0x0], $0xffff  }
0x24b: {  	s18 =	sor.u32 $0x11200, s6;
	[tilespmem:s9+$0x0] =	vst v6;
	v6 =	vadd.s32 $0xC00, v5  }
0x24c: {  	s19 =	sor.u32 s4, s18;
	v7 =	vld.idx.msk [tilespmem:v11+s10+$0x0], $0xffff  }
0x24d: {  	v11 =	vadd.s32 $0x2C00, v8;
	[tilespmem:s19+$0x0] =	vst v2  }
0x24e: {  	[tilespmem:s2+$0x80] =	vst v3;
	v0 =	vld.idx.msk [tilespmem:v0+s10+$0x0], $0xffff  }
0x24f: {  	v2 =	vld.idx.msk [tilespmem:v4+s10+$0x0], $0xffff;
	[tilespmem:s16+$0x100] =	vst v1;
	v1 =	vadd.s32 $0x3400, v9  }
0x250: {  	s5 =	sor.u32 s1, s17;
	v3 =	vadd.s32 $0xC00, v10;
	v4 =	vld.idx.msk [tilespmem:v6+s10+$0x0], $0xffff  }
0x251: {  	s20 =	sor.u32 $0x11280, s6;
	v6 =	vadd.s32 $0x1000, v5;
	[tilespmem:s5+$0x0] =	vst v7  }
0x252: {  	s21 =	sor.u32 s4, s20;
	v7 =	vld.idx.msk [tilespmem:v11+s10+$0x0], $0xffff  }
0x253: {  	v11 =	vadd.s32 $0x3000, v8;
	[tilespmem:s21+$0x0] =	vst v0  }
0x254: {  	[tilespmem:s2+$0x100] =	vst v2;
	v0 =	vld.idx.msk [tilespmem:v1+s10+$0x0], $0xffff  }
0x255: {  	v2 =	vadd.s32 $0x3800, v9;
	v1 =	vld.idx.msk [tilespmem:v3+s10+$0x0], $0xffff;
	[tilespmem:s16+$0x180] =	vst v4  }
0x256: {  	s9 =	sor.u32 s1, s18;
	v3 =	vadd.s32 $0x1000, v10;
	v4 =	vld.idx.msk [tilespmem:v6+s10+$0x0], $0xffff  }
0x257: {  	s25 =	sor.u32 $0x11300, s6;
	v6 =	vadd.s32 $0x1400, v5;
	[tilespmem:s9+$0x0] =	vst v7  }
0x258: {  	s26 =	sor.u32 s4, s25;
	v7 =	vld.idx.msk [tilespmem:v11+s10+$0x0], $0xffff  }
0x259: {  	v11 =	vadd.s32 $0x3400, v8;
	[tilespmem:s26+$0x0] =	vst v0  }
0x25a: {  	[tilespmem:s2+$0x180] =	vst v1;
	v0 =	vld.idx.msk [tilespmem:v2+s10+$0x0], $0xffff  }
0x25b: {  	v1 =	vld.idx.msk [tilespmem:v3+s10+$0x0], $0xffff;
	v2 =	vadd.s32 $0x3C00, v9;
	[tilespmem:s16+$0x200] =	vst v4  }
0x25c: {  	s5 =	sor.u32 s1, s20;
	v3 =	vadd.s32 $0x1400, v10;
	v4 =	vld.idx.msk [tilespmem:v6+s10+$0x0], $0xffff  }
0x25d: {  	s12 =	sor.u32 $0x11380, s6;
	v6 =	vadd.s32 $0x1800, v5;
	[tilespmem:s5+$0x0] =	vst v7  }
0x25e: {  	s13 =	sor.u32 s4, s12;
	v7 =	vld.idx.msk [tilespmem:v11+s10+$0x0], $0xffff  }
0x25f: {  	v11 =	vadd.s32 $0x3800, v8;
	[tilespmem:s13+$0x0] =	vst v0  }
0x260: {  	[tilespmem:s2+$0x200] =	vst v1;
	v0 =	vld.idx.msk [tilespmem:v2+s10+$0x0], $0xffff  }
0x261: {  	s14 =	simm.s32 $0x2;
	v1 =	vld.idx.msk [tilespmem:v3+s10+$0x0], $0xffff;
	v2 =	vadd.s32 $0x4000, v9;
	[tilespmem:s16+$0x280] =	vst v4  }
0x262: {  	s8 =	sand.u32 $0x7, s14;
	s9 =	sor.u32 s1, s25;
	v3 =	vadd.s32 $0x1800, v10;
	v4 =	vld.idx.msk [tilespmem:v6+s10+$0x0], $0xffff  }
0x263: {  	s15 =	sadd.s32 $0x11400, s6;
	s8 =	sshll.u32 s8, $0x4;
	v6 =	vadd.s32 $0x1C00, v5;
	[tilespmem:s9+$0x0] =	vst v7  }
0x264: {  	s8 =	sadd.s32 $0x100, s8;
	s16 =	sor.u32 s4, s15;
	v7 =	vld.idx.msk [tilespmem:v11+s10+$0x0], $0xffff  }
0x265: {  	s8 =	sadd.s32 $0x10, s8;
	v11 =	vadd.s32 $0x3C00, v8;
	[tilespmem:s16+$0x0] =	vst v0  }
0x266: {  	s17 =	sor.u32 $0x300, s8;
	[tilespmem:s2+$0x280] =	vst v1;
	v0 =	vld.idx.msk [tilespmem:v2+s10+$0x0], $0xffff  }
0x267: {  	s18 =	simm.s32 $0x1;
	v1 =	vld.idx.msk [tilespmem:v3+s10+$0x0], $0xffff;
	v2 =	vadd.s32 $0x4400, v9;
	[tilespmem:s17+$0x10080] =	vst v4  }
0x268: {  	s19 =	sand.u32 $0x3, s18;
	s5 =	sor.u32 s1, s12;
	v3 =	vadd.s32 $0x1C00, v10;
	v4 =	vld.idx.msk [tilespmem:v6+s10+$0x0], $0xffff  }
0x269: {  	s20 =	sor.u32 $0x12080, s6;
	s2 =	sshll.u32 s19, $0x5;
	v6 =	vadd.s32 $0x2000, v5;
	[tilespmem:s5+$0x0] =	vst v7  }
0x26a: {  	s0 =	sor.u32 s0, s3;
	s21 =	sor.u32 s4, s20;
	s2 =	sadd.s32 $0x100, s2;
	v7 =	vld.idx.msk [tilespmem:v11+s10+$0x0], $0xffff  }
0x26b: {  	s25 =	rddreg [dreg:$0x4];
	s26 =	sor.u32 $0x300, s2;
	s2 =	simm.s32 $0x40;
	v11 =	vadd.s32 $0x4000, v8;
	[tilespmem:s21+$0x0] =	vst v0  }
0x26c: {  	s12 =	sor.u32 $0x380, s0;
	s0 =	simm.s32 $0x50;
	s13 =	sand.u32 $0x180, s2;
	[tilespmem:s26+$0x10080] =	vst v1;
	v0 =	vld.idx.msk [tilespmem:v2+s10+$0x0], $0xffff  }
0x26d: {  	s14 =	sadd.s32 s13, s25;
	s25 =	sand.u32 $0x70, s0;
	v1 =	vld.idx.msk [tilespmem:v3+s10+$0x0], $0xffff;
	v2 =	vadd.s32 $0x4800, v9;
	[tilespmem:s12+$0x10080] =	vst v4  }
0x26e: {  	s9 =	sor.u32 s1, s15;
	s11 =	sadd.s32 s25, s14;
	v3 =	vld.idx.msk [tilespmem:v6+s10+$0x0], $0xffff  }
0x26f: {  	s15 =	sor.u32 $0x12100, s6;
	s26 =	sand.u32 $0x60, s2;
	v4 =	vadd.s32 $0x2000, v10;
	v6 =	vld [tilespmem:s11+$0x0];
	[tilespmem:s9+$0x0] =	vst v7  }
0x270: {  	s16 =	sor.u32 s4, s15;
	s8 =	sadd.s32 s26, s14;
	v7 =	vld.idx.msk [tilespmem:v11+s10+$0x0], $0xffff;
	v11 =	vadd.s32 $0x2400, v5  }
0x271: {  	v12 =	vadd.s32 $0x4400, v8;
	s3 =	sor.u32 s7, s3;
	v19 =	vld [tilespmem:s8+$0x0];
	[tilespmem:s16+$0x0] =	vst v0  }
0x272: {  	s3 =	sor.u32 $0x380, s3;
	s17 =	sor.u32 $0x11080, s24;
	v0 =	vld.idx.msk [tilespmem:v2+s10+$0x0], $0xffff  }
0x273: {  	s18 =	sor.u32 s22, s17;
	[tilespmem:s3+$0x10080] =	vst v1;
	v1 =	vadd.s32 $0x4C00, v9  }
0x274: {  	s5 =	sor.u32 s1, s20;
	v2 =	vld.idx.msk [tilespmem:v4+s10+$0x0], $0xffff;
	[tilespmem:s18+$0x0] =	vst v3  }
0x275: {  	v3 =	vadd.s32 $0x2400, v10;
	[tilespmem:s5+$0x0] =	vst v7;
	v4 =	vld.idx.msk [tilespmem:v11+s10+$0x0], $0xffff;
	s5 =	sor.u32 $0x12180, s6  }
0x276: {  	v11 =	vadd.s32 $0x2800, v5;
	v7 =	vld.idx.msk [tilespmem:v12+s10+$0x0], $0xffff;
	s19 =	sor.u32 s4, s5  }
0x277: {  	v12 =	vadd.s32 $0x4800, v8;
	v13 =	vld.idx.msk [tilespmem:v6+s10+$0x0], $0xffff;
	[tilespmem:s19+$0x0] =	vst v0  }
0x278: {  	s7 =	simm.s32 $0x200;
	s20 =	sor.u32 s23, s17;
	s21 =	sor.u32 $0x11100, s24;
	v0 =	vld.idx.msk [tilespmem:v1+s10+$0x0], $0xffff;
	v1 =	vadd.s32 $0x400, v6  }
0x279: {  	v14 =	vadd.s32 $0x5000, v9;
	s28 =	sand.u32 $0xC00, s7;
	s13 =	sor.u32 s22, s21;
	[tilespmem:s20+$0x0] =	vst v2;
	v2 =	vld.idx.msk [tilespmem:v19+s10+$0x0], $0xffff  }
0x27a: {  	s14 =	sor.u32 s1, s15;
	s15 =	sor.u32 $0x10080, s28;
	v15 =	vadd.s32 $0x400, v19;
	v3 =	vld.idx.msk [tilespmem:v3+s10+$0x0], $0xffff;
	[tilespmem:s13+$0x0] =	vst v4  }
0x27b: {  	s8 =	sor.u32 s25, s15;
	s16 =	sor.u32 $0x12200, s6;
	v4 =	vadd.s32 $0x2800, v10;
	[tilespmem:s14+$0x0] =	vst v7;
	v7 =	vld.idx.msk [tilespmem:v11+s10+$0x0], $0xffff  }
0x27c: {  	s17 =	sor.u32 s4, s16;
	[tilespmem:s8+$0x0] =	vst v13;
	v11 =	vadd.s32 $0x2C00, v5;
	v12 =	vld.idx.msk [tilespmem:v12+s10+$0x0], $0xffff  }
0x27d: {  	s3 =	sor.u32 s26, s15;
	v13 =	vadd.s32 $0x4C00, v8;
	v1 =	vld.idx.msk [tilespmem:v1+s10+$0x0], $0xffff;
	[tilespmem:s17+$0x0] =	vst v0  }
0x27e: {  	s11 =	sor.u32 s23, s21;
	s18 =	sor.u32 $0x11180, s24;
	[tilespmem:s3+$0x0] =	vst v2;
	v2 =	vadd.s32 $0x800, v6;
	v0 =	vld.idx.msk [tilespmem:v14+s10+$0x0], $0xffff  }
0x27f: {  	s19 =	sor.u32 s22, s18;
	[tilespmem:s11+$0x0] =	vst v3;
	v3 =	vadd.s32 $0x5400, v9;
	v14 =	vld.idx.msk [tilespmem:v15+s10+$0x0], $0xffff  }
0x280: {  	s5 =	sor.u32 s1, s5;
	v15 =	vadd.s32 $0x800, v19;
	v4 =	vld.idx.msk [tilespmem:v4+s10+$0x0], $0xffff;
	[tilespmem:s19+$0x0] =	vst v7  }
0x281: {  	s20 =	sor.u32 $0x12280, s6;
	v7 =	vadd.s32 $0x2C00, v10;
	v11 =	vld.idx.msk [tilespmem:v11+s10+$0x0], $0xffff;
	[tilespmem:s5+$0x0] =	vst v12  }
0x282: {  	s21 =	sor.u32 s4, s20;
	[tilespmem:s8+$0x80] =	vst v1;
	v1 =	vadd.s32 $0x3000, v5;
	v12 =	vld.idx.msk [tilespmem:v13+s10+$0x0], $0xffff  }
0x283: {  	v13 =	vadd.s32 $0x5000, v8;
	v2 =	vld.idx.msk [tilespmem:v2+s10+$0x0], $0xffff;
	[tilespmem:s21+$0x0] =	vst v0  }
0x284: {  	s13 =	sor.u32 s23, s18;
	s14 =	sor.u32 $0x11200, s24;
	[tilespmem:s3+$0x80] =	vst v14;
	v0 =	vld.idx.msk [tilespmem:v3+s10+$0x0], $0xffff;
	v3 =	vadd.s32 $0xC00, v6  }
0x285: {  	s15 =	sor.u32 s22, s14;
	v14 =	vld.idx.msk [tilespmem:v15+s10+$0x0], $0xffff;
	[tilespmem:s13+$0x0] =	vst v4;
	v4 =	vadd.s32 $0x5800, v9  }
0x286: {  	s9 =	sor.u32 s1, s16;
	v15 =	vadd.s32 $0xC00, v19;
	v7 =	vld.idx.msk [tilespmem:v7+s10+$0x0], $0xffff;
	[tilespmem:s15+$0x0] =	vst v11  }
0x287: {  	v11 =	vadd.s32 $0x3000, v10;
	v1 =	vld.idx.msk [tilespmem:v1+s10+$0x0], $0xffff;
	[tilespmem:s9+$0x0] =	vst v12;
	s9 =	sor.u32 $0x12300, s6  }
0x288: {  	[tilespmem:s8+$0x100] =	vst v2;
	v2 =	vadd.s32 $0x3400, v5;
	v12 =	vld.idx.msk [tilespmem:v13+s10+$0x0], $0xffff;
	s16 =	sor.u32 s4, s9  }
0x289: {  	v13 =	vadd.s32 $0x5400, v8;
	v3 =	vld.idx.msk [tilespmem:v3+s10+$0x0], $0xffff;
	[tilespmem:s16+$0x0] =	vst v0  }
0x28a: {  	s18 =	sor.u32 $0x11280, s24;
	s17 =	sor.u32 s23, s14;
	[tilespmem:s3+$0x100] =	vst v14;
	v0 =	vld.idx.msk [tilespmem:v4+s10+$0x0], $0xffff;
	v4 =	vadd.s32 $0x1000, v6  }
0x28b: {  	s19 =	sor.u32 s22, s18;
	v14 =	vld.idx.msk [tilespmem:v15+s10+$0x0], $0xffff;
	[tilespmem:s17+$0x0] =	vst v7;
	v7 =	vadd.s32 $0x5C00, v9  }
0x28c: {  	s5 =	sor.u32 s1, s20;
	v15 =	vadd.s32 $0x1000, v19;
	v11 =	vld.idx.msk [tilespmem:v11+s10+$0x0], $0xffff;
	[tilespmem:s19+$0x0] =	vst v1  }
0x28d: {  	s20 =	sor.u32 $0x12380, s6;
	v1 =	vadd.s32 $0x3400, v10;
	v2 =	vld.idx.msk [tilespmem:v2+s10+$0x0], $0xffff;
	[tilespmem:s5+$0x0] =	vst v12  }
0x28e: {  	s21 =	sor.u32 s4, s20;
	[tilespmem:s8+$0x180] =	vst v3;
	v3 =	vadd.s32 $0x3800, v5;
	v12 =	vld.idx.msk [tilespmem:v13+s10+$0x0], $0xffff  }
0x28f: {  	v13 =	vadd.s32 $0x5800, v8;
	v4 =	vld.idx.msk [tilespmem:v4+s10+$0x0], $0xffff;
	[tilespmem:s21+$0x0] =	vst v0  }
0x290: {  	s14 =	sor.u32 $0x11300, s24;
	s13 =	sor.u32 s23, s18;
	[tilespmem:s3+$0x180] =	vst v14;
	v0 =	vld.idx.msk [tilespmem:v7+s10+$0x0], $0xffff;
	v7 =	vadd.s32 $0x1400, v6  }
0x291: {  	s15 =	sor.u32 s22, s14;
	v14 =	vld.idx.msk [tilespmem:v15+s10+$0x0], $0xffff;
	[tilespmem:s13+$0x0] =	vst v11;
	v11 =	vadd.s32 $0x6000, v9  }
0x292: {  	s9 =	sor.u32 s1, s9;
	v15 =	vadd.s32 $0x1400, v19;
	v1 =	vld.idx.msk [tilespmem:v1+s10+$0x0], $0xffff;
	[tilespmem:s15+$0x0] =	vst v2  }
0x293: {  	v2 =	vadd.s32 $0x3800, v10;
	v3 =	vld.idx.msk [tilespmem:v3+s10+$0x0], $0xffff;
	[tilespmem:s9+$0x0] =	vst v12;
	s9 =	sadd.s32 $0x12400, s6  }
0x294: {  	[tilespmem:s8+$0x200] =	vst v4;
	v4 =	vadd.s32 $0x3C00, v5;
	v12 =	vld.idx.msk [tilespmem:v13+s10+$0x0], $0xffff;
	s16 =	sor.u32 s4, s9  }
0x295: {  	v13 =	vadd.s32 $0x5C00, v8;
	v7 =	vld.idx.msk [tilespmem:v7+s10+$0x0], $0xffff;
	[tilespmem:s16+$0x0] =	vst v0  }
0x296: {  	s18 =	sor.u32 $0x11380, s24;
	s17 =	sor.u32 s23, s14;
	[tilespmem:s3+$0x200] =	vst v14;
	v0 =	vld.idx.msk [tilespmem:v11+s10+$0x0], $0xffff;
	v11 =	vadd.s32 $0x1800, v6  }
0x297: {  	s19 =	sor.u32 s22, s18;
	v14 =	vld.idx.msk [tilespmem:v15+s10+$0x0], $0xffff;
	[tilespmem:s17+$0x0] =	vst v1;
	v1 =	vadd.s32 $0x6400, v9  }
0x298: {  	s5 =	sor.u32 s1, s20;
	v15 =	vadd.s32 $0x1800, v19;
	v2 =	vld.idx.msk [tilespmem:v2+s10+$0x0], $0xffff;
	[tilespmem:s19+$0x0] =	vst v3  }
0x299: {  	s11 =	sor.u32 $0x13080, s6;
	v3 =	vadd.s32 $0x3C00, v10;
	v4 =	vld.idx.msk [tilespmem:v4+s10+$0x0], $0xffff;
	[tilespmem:s5+$0x0] =	vst v12  }
0x29a: {  	s20 =	sor.u32 s4, s11;
	s21 =	simm.s32 $0x4;
	[tilespmem:s8+$0x280] =	vst v7;
	v7 =	vadd.s32 $0x4000, v5;
	v12 =	vld.idx.msk [tilespmem:v13+s10+$0x0], $0xffff  }
0x29b: {  	s12 =	sor.u32 s23, s18;
	v13 =	vadd.s32 $0x6000, v8;
	s8 =	sand.u32 $0x7, s21;
	v11 =	vld.idx.msk [tilespmem:v11+s10+$0x0], $0xffff;
	[tilespmem:s20+$0x0] =	vst v0  }
0x29c: {  	s14 =	simm.s32 $0x2;
	s13 =	sadd.s32 $0x11400, s24;
	[tilespmem:s3+$0x280] =	vst v14;
	s5 =	sshll.u32 s8, $0x4;
	v0 =	vld.idx.msk [tilespmem:v1+s10+$0x0], $0xffff;
	v1 =	vadd.s32 $0x1C00, v6  }
0x29d: {  	s15 =	sor.u32 s22, s13;
	s9 =	sor.u32 s1, s9;
	v14 =	vld.idx.msk [tilespmem:v15+s10+$0x0], $0xffff;
	[tilespmem:s12+$0x0] =	vst v2;
	s5 =	sadd.s32 $0x200, s5;
	v2 =	vadd.s32 $0x6800, v9  }
0x29e: {  	s21 =	rddreg [dreg:$0x4];
	s12 =	sand.u32 $0x3, s14;
	v15 =	vadd.s32 $0x1C00, v19;
	v3 =	vld.idx.msk [tilespmem:v3+s10+$0x0], $0xffff;
	s5 =	sadd.s32 $0x10, s5;
	[tilespmem:s15+$0x0] =	vst v4  }
0x29f: {  	s16 =	sshll.u32 s12, $0x5;
	s17 =	sor.u32 $0x300, s5;
	s5 =	sor.u32 $0x13100, s6;
	v7 =	vld.idx.msk [tilespmem:v7+s10+$0x0], $0xffff;
	[tilespmem:s9+$0x0] =	vst v12  }
0x2a0: {  	s8 =	sadd.s32 $0x200, s16;
	s15 =	simm.s32 $0x60;
	s18 =	sor.u32 s4, s5;
	[tilespmem:s17+$0x10080] =	vst v11;
	v11 =	vadd.s32 $0x4400, v5;
	v12 =	vld.idx.msk [tilespmem:v13+s10+$0x0], $0xffff  }
0x2a1: {  	s3 =	sor.u32 s23, s13;
	v4 =	vadd.s32 $0x4000, v10;
	s8 =	sor.u32 $0x300, s8;
	s14 =	sand.u32 $0x180, s15;
	v1 =	vld.idx.msk [tilespmem:v1+s10+$0x0], $0xffff;
	[tilespmem:s18+$0x0] =	vst v0  }
0x2a2: {  	s30 =	sand.u32 $0x60, s15;
	v13 =	vadd.s32 $0x6400, v8;
	s9 =	sadd.s32 s14, s21;
	[tilespmem:s8+$0x10080] =	vst v14;
	s8 =	sor.u32 $0x12080, s24;
	v0 =	vld.idx.msk [tilespmem:v2+s10+$0x0], $0xffff  }
0x2a3: {  	s18 =	sadd.s32 s30, s9;
	v14 =	vld.idx.msk [tilespmem:v15+s10+$0x0], $0xffff;
	[tilespmem:s3+$0x0] =	vst v3;
	s19 =	sor.u32 s22, s8  }
0x2a4: {  	s0 =	sor.u32 s0, s7;
	s20 =	sor.u32 s1, s11;
	v2 =	vadd.s32 $0x2000, v6;
	v34 =	vld [tilespmem:s18+$0x0];
	[tilespmem:s19+$0x0] =	vst v7  }
0x2a5: {  	s13 =	sor.u32 $0x380, s0;
	s0 =	simm.s32 $0x70;
	v3 =	vadd.s32 $0x6C00, v9;
	v11 =	vld.idx.msk [tilespmem:v11+s10+$0x0], $0xffff;
	[tilespmem:s20+$0x0] =	vst v12  }
0x2a6: {  	s29 =	sand.u32 $0x70, s0;
	s3 =	sor.u32 $0x13180, s6;
	v4 =	vld.idx.msk [tilespmem:v4+s10+$0x0], $0xffff;
	[tilespmem:s13+$0x10080] =	vst v1;
	v1 =	vadd.s32 $0x4800, v5  }
0x2a7: {  	s11 =	sadd.s32 s29, s9;
	s16 =	sor.u32 s4, s3;
	v12 =	vld.idx.msk [tilespmem:v13+s10+$0x0], $0xffff;
	v13 =	vadd.s32 $0x2000, v19  }
0x2a8: {  	s17 =	sor.u32 $0x12100, s24;
	v7 =	vld [tilespmem:s11+$0x0];
	[tilespmem:s16+$0x0] =	vst v0;
	v0 =	vadd.s32 $0x4400, v10  }
0x2a9: {  	v16 =	vadd.s32 $0x6800, v8;
	s2 =	sor.u32 s2, s7;
	s19 =	sor.u32 s22, s17;
	v2 =	vld.idx.msk [tilespmem:v2+s10+$0x0], $0xffff  }
0x2aa: {  	s2 =	sor.u32 $0x380, s2;
	v15 =	vadd.s32 $0x2400, v6;
	v3 =	vld.idx.msk [tilespmem:v3+s10+$0x0], $0xffff;
	[tilespmem:s19+$0x0] =	vst v11  }
0x2ab: {  	s20 =	sor.u32 s23, s8;
	[tilespmem:s2+$0x10080] =	vst v14;
	v1 =	vld.idx.msk [tilespmem:v1+s10+$0x0], $0xffff  }
0x2ac: {  	s5 =	sor.u32 s1, s5;
	s21 =	sor.u32 $0x11080, s28;
	[tilespmem:s20+$0x0] =	vst v4;
	v11 =	vadd.s32 $0x7000, v9;
	v4 =	vld.idx.msk [tilespmem:v13+s10+$0x0], $0xffff  }
0x2ad: {  	s11 =	sor.u32 $0x13200, s6;
	s8 =	sor.u32 s25, s21;
	[tilespmem:s5+$0x0] =	vst v12;
	v0 =	vld.idx.msk [tilespmem:v0+s10+$0x0], $0xffff  }
0x2ae: {  	s9 =	sor.u32 s4, s11;
	s5 =	sor.u32 $0x12180, s24;
	[tilespmem:s8+$0x0] =	vst v2;
	v2 =	vadd.s32 $0x4C00, v5;
	v14 =	vld.idx.msk [tilespmem:v16+s10+$0x0], $0xffff  }
0x2af: {  	s13 =	sor.u32 s22, s5;
	v13 =	vld.idx.msk [tilespmem:v15+s10+$0x0], $0xffff;
	[tilespmem:s9+$0x0] =	vst v3;
	v3 =	vadd.s32 $0x2400, v19  }
0x2b0: {  	s2 =	sor.u32 s26, s21;
	v16 =	vadd.s32 $0x4800, v10;
	v15 =	vld.idx.msk [tilespmem:v7+s10+$0x0], $0xffff;
	[tilespmem:s13+$0x0] =	vst v1  }
0x2b1: {  	s14 =	sor.u32 s23, s17;
	s18 =	simm.s32 $0x300;
	v17 =	vadd.s32 $0x400, v7;
	v11 =	vld.idx.msk [tilespmem:v11+s10+$0x0], $0xffff;
	[tilespmem:s2+$0x0] =	vst v4  }
0x2b2: {  	s31 =	sand.u32 $0xC00, s18;
	s3 =	sor.u32 s1, s3;
	s16 =	sor.u32 $0x11100, s28;
	v12 =	vadd.s32 $0x2800, v6;
	v4 =	vld.idx.msk [tilespmem:v34+s10+$0x0], $0xffff;
	[tilespmem:s14+$0x0] =	vst v0  }
0x2b3: {  	s17 =	sor.u32 s25, s16;
	s20 =	sor.u32 $0x10080, s31;
	v1 =	vadd.s32 $0x7400, v9;
	v2 =	vld.idx.msk [tilespmem:v2+s10+$0x0], $0xffff;
	[tilespmem:s3+$0x0] =	vst v14  }
0x2b4: {  	s8 =	sor.u32 s29, s20;
	s9 =	sor.u32 $0x13280, s6;
	v0 =	vld.idx.msk [tilespmem:v3+s10+$0x0], $0xffff;
	[tilespmem:s17+$0x0] =	vst v13;
	v3 =	vadd.s32 $0x5000, v5  }
0x2b5: {  	s19 =	sor.u32 s4, s9;
	v13 =	vadd.s32 $0x400, v34;
	[tilespmem:s8+$0x0] =	vst v15;
	v15 =	vld.idx.msk [tilespmem:v16+s10+$0x0], $0xffff  }
0x2b6: {  	s7 =	sor.u32 s30, s20;
	s13 =	sor.u32 $0x12200, s24;
	v16 =	vld.idx.msk [tilespmem:v17+s10+$0x0], $0xffff;
	v17 =	vadd.s32 $0x4C00, v10;
	[tilespmem:s19+$0x0] =	vst v11  }
0x2b7: {  	s21 =	sor.u32 s22, s13;
	v12 =	vld.idx.msk [tilespmem:v12+s10+$0x0], $0xffff;
	v11 =	vadd.s32 $0x2800, v19;
	[tilespmem:s7+$0x0] =	vst v4  }
0x2b8: {  	s2 =	sor.u32 s26, s16;
	v1 =	vld.idx.msk [tilespmem:v1+s10+$0x0], $0xffff;
	[tilespmem:s21+$0x0] =	vst v2  }
0x2b9: {  	s5 =	sor.u32 s23, s5;
	v14 =	vadd.s32 $0x2C00, v6;
	v3 =	vld.idx.msk [tilespmem:v3+s10+$0x0], $0xffff;
	[tilespmem:s2+$0x0] =	vst v0  }
0x2ba: {  	v2 =	vadd.s32 $0x7800, v9;
	v4 =	vld.idx.msk [tilespmem:v13+s10+$0x0], $0xffff;
	[tilespmem:s5+$0x0] =	vst v15  }
0x2bb: {  	s14 =	sor.u32 $0x11180, s28;
	v13 =	vadd.s32 $0x800, v7;
	[tilespmem:s8+$0x80] =	vst v16;
	v16 =	vld.idx.msk [tilespmem:v17+s10+$0x0], $0xffff  }
0x2bc: {  	s16 =	sor.u32 s25, s14;
	s2 =	sor.u32 $0x13300, s6;
	v0 =	vld.idx.msk [tilespmem:v11+s10+$0x0], $0xffff;
	v11 =	vadd.s32 $0x5400, v5  }
0x2bd: {  	s5 =	sor.u32 $0x12280, s24;
	[tilespmem:s16+$0x0] =	vst v12;
	s17 =	sor.u32 s4, s2;
	v12 =	vadd.s32 $0x800, v34  }
0x2be: {  	s19 =	sor.u32 s22, s5;
	v14 =	vld.idx.msk [tilespmem:v14+s10+$0x0], $0xffff;
	[tilespmem:s17+$0x0] =	vst v1;
	v1 =	vadd.s32 $0x2C00, v19  }
0x2bf: {  	v15 =	vadd.s32 $0x3000, v6;
	v2 =	vld.idx.msk [tilespmem:v2+s10+$0x0], $0xffff;
	[tilespmem:s19+$0x0] =	vst v3  }
0x2c0: {  	s13 =	sor.u32 s23, s13;
	v13 =	vld.idx.msk [tilespmem:v13+s10+$0x0], $0xffff;
	v3 =	vadd.s32 $0x7C00, v9;
	[tilespmem:s7+$0x80] =	vst v4  }
0x2c1: {  	s20 =	sor.u32 $0x11200, s28;
	s3 =	sor.u32 s26, s14;
	v9 =	vadd.s32 $0x5000, v10;
	[tilespmem:s13+$0x0] =	vst v16;
	v4 =	vld.idx.msk [tilespmem:v11+s10+$0x0], $0xffff  }
0x2c2: {  	s14 =	sor.u32 s25, s20;
	v11 =	vld.idx.msk [tilespmem:v12+s10+$0x0], $0xffff;
	v12 =	vadd.s32 $0xC00, v7;
	[tilespmem:s3+$0x0] =	vst v0;
	s3 =	sor.u32 $0x13380, s6  }
0x2c3: {  	[tilespmem:s14+$0x0] =	vst v14;
	v0 =	vld.idx.msk [tilespmem:v1+s10+$0x0], $0xffff;
	v1 =	vadd.s32 $0x5800, v5;
	s21 =	sor.u32 s4, s3  }
0x2c4: {  	s13 =	sor.u32 $0x12300, s24;
	v14 =	vadd.s32 $0xC00, v34;
	v15 =	vld.idx.msk [tilespmem:v15+s10+$0x0], $0xffff;
	[tilespmem:s21+$0x0] =	vst v2  }
0x2c5: {  	s16 =	sor.u32 s22, s13;
	v2 =	vadd.s32 $0x3000, v19;
	v3 =	vld.idx.msk [tilespmem:v3+s10+$0x0], $0xffff;
	[tilespmem:s8+$0x100] =	vst v13  }
0x2c6: {  	v13 =	vadd.s32 $0x3400, v6;
	v9 =	vld.idx.msk [tilespmem:v9+s10+$0x0], $0xffff;
	[tilespmem:s16+$0x0] =	vst v4  }
0x2c7: {  	s12 =	sor.u32 s26, s20;
	s17 =	sor.u32 $0x11280, s28;
	v16 =	vadd.s32 $0x6C00, v8;
	v12 =	vld.idx.msk [tilespmem:v12+s10+$0x0], $0xffff;
	[tilespmem:s7+$0x100] =	vst v11  }
0x2c8: {  	v4 =	vadd.s32 $0x5400, v10;
	s16 =	sor.u32 s25, s17;
	v1 =	vld.idx.msk [tilespmem:v1+s10+$0x0], $0xffff;
	[tilespmem:s12+$0x0] =	vst v0;
	s12 =	sadd.s32 $0x13400, s6  }
0x2c9: {  	v11 =	vld.idx.msk [tilespmem:v14+s10+$0x0], $0xffff;
	v14 =	vadd.s32 $0x1000, v7;
	[tilespmem:s16+$0x0] =	vst v15;
	s4 =	sor.u32 s4, s12  }
0x2ca: {  	s5 =	sor.u32 s23, s5;
	v0 =	vld.idx.msk [tilespmem:v2+s10+$0x0], $0xffff;
	v2 =	vadd.s32 $0x5C00, v5;
	[tilespmem:s4+$0x0] =	vst v3  }
0x2cb: {  	v15 =	vadd.s32 $0x1000, v34;
	v13 =	vld.idx.msk [tilespmem:v13+s10+$0x0], $0xffff;
	[tilespmem:s5+$0x0] =	vst v9;
	s4 =	sor.u32 $0x12380, s24  }
0x2cc: {  	v3 =	vadd.s32 $0x3400, v19;
	v9 =	vld.idx.msk [tilespmem:v16+s10+$0x0], $0xffff;
	s19 =	sor.u32 s22, s4;
	[tilespmem:s8+$0x180] =	vst v12  }
0x2cd: {  	v12 =	vadd.s32 $0x3800, v6;
	v4 =	vld.idx.msk [tilespmem:v4+s10+$0x0], $0xffff;
	[tilespmem:s19+$0x0] =	vst v1  }
0x2ce: {  	v17 =	vadd.s32 $0x7000, v8;
	s20 =	sor.u32 s26, s17;
	s21 =	sor.u32 $0x11300, s28;
	v14 =	vld.idx.msk [tilespmem:v14+s10+$0x0], $0xffff;
	[tilespmem:s7+$0x180] =	vst v11  }
0x2cf: {  	s14 =	sor.u32 s25, s21;
	v1 =	vadd.s32 $0x5800, v10;
	v2 =	vld.idx.msk [tilespmem:v2+s10+$0x0], $0xffff;
	[tilespmem:s20+$0x0] =	vst v0  }
0x2d0: {  	v25 =	vadd.s32 $0x7C00, v8;
	v22 =	vadd.s32 $0x1400, v7;
	s16 =	sor.u32 s1, s11;
	v20 =	vld.idx.msk [tilespmem:v15+s10+$0x0], $0xffff;
	[tilespmem:s14+$0x0] =	vst v13  }
0x2d1: {  	s17 =	sor.u32 s23, s13;
	v11 =	vadd.s32 $0x7400, v8;
	v0 =	vadd.s32 $0x7800, v8;
	v8 =	vadd.s32 $0x6000, v5;
	v3 =	vld.idx.msk [tilespmem:v3+s10+$0x0], $0xffff;
	[tilespmem:s16+$0x0] =	vst v9  }
0x2d2: {  	v24 =	vadd.s32 $0x5C00, v10;
	v26 =	vadd.s32 $0x6000, v10;
	v28 =	vadd.s32 $0x6400, v10;
	s11 =	sadd.s32 $0x12400, s24;
	v12 =	vld.idx.msk [tilespmem:v12+s10+$0x0], $0xffff;
	[tilespmem:s17+$0x0] =	vst v4  }
0x2d3: {  	v27 =	vadd.s32 $0x6800, v10;
	v21 =	vadd.s32 $0x6C00, v10;
	v18 =	vadd.s32 $0x7000, v10;
	s19 =	sor.u32 s22, s11;
	v4 =	vld.idx.msk [tilespmem:v17+s10+$0x0], $0xffff;
	[tilespmem:s8+$0x200] =	vst v14  }
0x2d4: {  	v23 =	vadd.s32 $0x1400, v34;
	v16 =	vadd.s32 $0x7400, v10;
	v15 =	vadd.s32 $0x7800, v10;
	v1 =	vld.idx.msk [tilespmem:v1+s10+$0x0], $0xffff;
	[tilespmem:s19+$0x0] =	vst v2  }
0x2d5: {  	v9 =	vadd.s32 $0x3800, v19;
	v13 =	vadd.s32 $0x7C00, v10;
	v17 =	vadd.s32 $0x4C00, v19;
	v10 =	vld.idx.msk [tilespmem:v22+s10+$0x0], $0xffff;
	[tilespmem:s7+$0x200] =	vst v20  }
0x2d6: {  	s20 =	sor.u32 s26, s21;
	s21 =	sor.u32 $0x11380, s28;
	v14 =	vadd.s32 $0x3C00, v6;
	v8 =	vld.idx.msk [tilespmem:v8+s10+$0x0], $0xffff;
	[tilespmem:$0x1FE10] =	vst v17  }
0x2d7: {  	s13 =	sor.u32 s25, s21;
	[tilespmem:s20+$0x0] =	vst v3  }
0x2d8: {  	v55 =	vadd.s32 $0x4000, v19;
	v3 =	vadd.s32 $0x5000, v19;
	[tilespmem:s13+$0x0] =	vst v12  }
0x2d9: {  	v39 =	vadd.s32 $0x4400, v19;
	v56 =	vadd.s32 $0x4800, v19;
	v62 =	vadd.s32 $0x1800, v7;
	s14 =	sor.u32 s1, s9;
	v22 =	vld.idx.msk [tilespmem:v23+s10+$0x0], $0xffff;
	[tilespmem:$0x1FE20] =	vst v3  }
0x2da: {  	v40 =	vadd.s32 $0x5400, v19;
	v37 =	vadd.s32 $0x5800, v19;
	s4 =	sor.u32 s23, s4;
	v3 =	vld.idx.msk [tilespmem:v9+s10+$0x0], $0xffff;
	v9 =	vadd.s32 $0x6400, v5;
	[tilespmem:s14+$0x0] =	vst v4  }
0x2db: {  	v36 =	vadd.s32 $0x5C00, v19;
	v31 =	vadd.s32 $0x6000, v19;
	v30 =	vadd.s32 $0x6400, v19;
	s9 =	sor.u32 $0x13080, s24;
	v63 =	vld.idx.msk [tilespmem:v14+s10+$0x0], $0xffff;
	[tilespmem:s4+$0x0] =	vst v1  }
0x2dc: {  	v29 =	vadd.s32 $0x6800, v19;
	v33 =	vadd.s32 $0x6C00, v19;
	s16 =	sor.u32 s22, s9;
	v2 =	vadd.s32 $0x3C00, v19;
	[tilespmem:s8+$0x280] =	vst v10;
	v1 =	vld.idx.msk [tilespmem:v11+s10+$0x0], $0xffff  }
0x2dd: {  	v20 =	vadd.s32 $0x7400, v19;
	v17 =	vadd.s32 $0x7800, v19;
	v12 =	vadd.s32 $0x1800, v34;
	v10 =	vld.idx.msk [tilespmem:v24+s10+$0x0], $0xffff;
	[tilespmem:s16+$0x0] =	vst v8  }
0x2de: {  	v23 =	vadd.s32 $0x7000, v19;
	v14 =	vadd.s32 $0x7C00, v19;
	v19 =	vadd.s32 $0x2C00, v34;
	v11 =	vld.idx.msk [tilespmem:v62+s10+$0x0], $0xffff;
	[tilespmem:s7+$0x280] =	vst v22  }
0x2df: {  	s17 =	sor.u32 s26, s21;
	s20 =	sadd.s32 $0x11400, s28;
	v4 =	vadd.s32 $0x4000, v6;
	v9 =	vld.idx.msk [tilespmem:v9+s10+$0x0], $0xffff;
	[tilespmem:$0x1FE30] =	vst v19  }
0x2e0: {  	s6 =	sor.u32 s25, s20;
	[tilespmem:s17+$0x0] =	vst v3  }
0x2e1: {  	[tilespmem:s6+$0x0] =	vst v63;
	v3 =	vadd.s32 $0x3000, v34  }
0x2e2: {  	s2 =	sor.u32 s1, s2;
	s4 =	simm.s32 $0x6;
	v12 =	vld.idx.msk [tilespmem:v12+s10+$0x0], $0xffff;
	[tilespmem:$0x1FE40] =	vst v3  }
0x2e3: {  	s19 =	sand.u32 $0x7, s4;
	v22 =	vld.idx.msk [tilespmem:v2+s10+$0x0], $0xffff;
	[tilespmem:s2+$0x0] =	vst v1;
	v1 =	vadd.s32 $0x4800, v34  }
0x2e4: {  	v54 =	vadd.s32 $0x2000, v34;
	s21 =	sshll.u32 s19, $0x4;
	v19 =	vadd.s32 $0x1C00, v7;
	v60 =	vld.idx.msk [tilespmem:v4+s10+$0x0], $0xffff;
	[tilespmem:$0x1FE50] =	vst v1;
	v1 =	vadd.s32 $0x4C00, v34  }
0x2e5: {  	v52 =	vadd.s32 $0x2400, v34;
	v51 =	vadd.s32 $0x2800, v34;
	s11 =	sor.u32 s23, s11;
	s7 =	sadd.s32 $0x300, s21;
	s6 =	simm.s32 $0x3;
	v3 =	vadd.s32 $0x6800, v5;
	[tilespmem:$0x1FE60] =	vst v1  }
0x2e6: {  	v50 =	vadd.s32 $0x3400, v34;
	s14 =	sor.u32 $0x13100, s24;
	v8 =	vadd.s32 $0x1C00, v34;
	s5 =	sadd.s32 $0x10, s7;
	s8 =	sand.u32 $0x3, s6;
	[tilespmem:s11+$0x0] =	vst v10;
	v58 =	vld.idx.msk [tilespmem:v0+s10+$0x0], $0xffff;
	v0 =	vadd.s32 $0x5000, v34  }
0x2e7: {  	v49 =	vadd.s32 $0x3800, v34;
	v48 =	vadd.s32 $0x3C00, v34;
	v38 =	vadd.s32 $0x4000, v34;
	s16 =	sor.u32 s22, s14;
	s5 =	sor.u32 $0x300, s5;
	s2 =	sshll.u32 s8, $0x5;
	[tilespmem:$0x1FE70] =	vst v0  }
0x2e8: {  	v53 =	vadd.s32 $0x4400, v34;
	v44 =	vadd.s32 $0x5400, v34;
	v41 =	vadd.s32 $0x5800, v34;
	s19 =	sor.u32 s26, s20;
	s20 =	sor.u32 $0x12080, s28;
	s2 =	sadd.s32 $0x300, s2;
	[tilespmem:s5+$0x10080] =	vst v11;
	v59 =	vld.idx.msk [tilespmem:v26+s10+$0x0], $0xffff  }
0x2e9: {  	v32 =	vadd.s32 $0x5C00, v34;
	v46 =	vadd.s32 $0x6400, v34;
	v42 =	vadd.s32 $0x6800, v34;
	s21 =	sor.u32 s25, s20;
	s2 =	sor.u32 $0x300, s2;
	[tilespmem:s16+$0x0] =	vst v9;
	v2 =	vld.idx.msk [tilespmem:v19+s10+$0x0], $0xffff  }
0x2ea: {  	v35 =	vadd.s32 $0x6C00, v34;
	v24 =	vadd.s32 $0x7400, v34;
	s7 =	simm.s32 $0x6;
	s17 =	sor.u32 s15, s18;
	s15 =	simm.s32 $0x80;
	v4 =	vadd.s32 $0x2000, v7;
	[tilespmem:s2+$0x10080] =	vst v12;
	v57 =	vld.idx.msk [tilespmem:v3+s10+$0x0], $0xffff  }
0x2eb: {  	s8 =	sor.u32 s1, s3;
	s1 =	sor.u32 s1, s12;
	s3 =	sor.u32 s26, s20;
	v1 =	vadd.s32 $0x4400, v6;
	v11 =	vadd.s32 $0x6000, v34;
	v26 =	vadd.s32 $0x7000, v34;
	[tilespmem:s19+$0x0] =	vst v22;
	v3 =	vld.idx.msk [tilespmem:v8+s10+$0x0], $0xffff  }
0x2ec: {  	s16 =	sor.u32 $0x380, s17;
	s2 =	sor.u32 s23, s9;
	s17 =	sor.u32 s23, s14;
	[tilespmem:s21+$0x0] =	vst v60;
	v19 =	vadd.s32 $0x7800, v34;
	v34 =	vadd.s32 $0x7C00, v34;
	v0 =	vld.idx.msk [tilespmem:v55+s10+$0x0], $0xffff;
	v55 =	vadd.s32 $0x6C00, v5  }
.LBB2_5:
0x2ed: {  	_ = 	snop  }
0x2ee: {  	[tilespmem:$0x1FDC0] =	vst v11  }
0x2ef: {  	[tilespmem:s8+$0x0] =	vst v58  }
0x2f0: {  	s0 =	sor.u32 s0, s18;
	v8 =	vmov v46;
	[tilespmem:s2+$0x0] =	vst v59  }
0x2f1: {  	v1 =	vld.idx.msk [tilespmem:v1+s10+$0x0], $0xffff;
	s9 =	sor.u32 $0x13180, s24;
	s11 =	sor.u32 $0x380, s0;
	[tilespmem:$0x1FD60] =	vst v8  }
0x2f2: {  	s14 =	sor.u32 s22, s9;
	v9 =	vld.idx.msk [tilespmem:v25+s10+$0x0], $0xffff;
	[tilespmem:s11+$0x10080] =	vst v2  }
0x2f3: {  	s5 =	rddreg [dreg:$0x4];
	s12 =	sand.u32 $0x180, s15;
	s13 =	sadd.s32 $0x10, s15;
	v2 =	vadd.s32 $0x4800, v6;
	v4 =	vld.idx.msk [tilespmem:v4+s10+$0x0], $0xffff;
	[tilespmem:s14+$0x0] =	vst v57  }
0x2f4: {  	s19 =	sand.u32 $0x60, s15;
	s5 =	sadd.s32 s12, s5;
	s2 =	sand.u32 $0x70, s13;
	v10 =	vld.idx.msk [tilespmem:v28+s10+$0x0], $0xffff;
	v11 =	vmov v30;
	[tilespmem:s16+$0x10080] =	vst v3  }
0x2f5: {  	s11 =	sadd.s32 s19, s5;
	s5 =	sadd.s32 s2, s5;
	s16 =	sor.u32 $0x12100, s28;
	[tilespmem:$0x1FDA0] =	vst v11;
	v3 =	vld.idx.msk [tilespmem:v55+s10+$0x0], $0xffff  }
0x2f6: {  	v8 =	vld [tilespmem:s5+$0x0];
	v11 =	vadd.s32 $0x2400, v7;
	[tilespmem:s3+$0x0] =	vst v0;
	s20 =	sor.u32 s25, s16  }
0x2f7: {  	v12 =	vmov v34;
	v34 =	vld [tilespmem:s11+$0x0];
	[tilespmem:s20+$0x0] =	vst v1  }
0x2f8: {  	s21 =	sor.u32 $0x11080, s31;
	v0 =	vadd.s32 $0x7000, v5;
	v2 =	vld.idx.msk [tilespmem:v2+s10+$0x0], $0xffff;
	[tilespmem:s1+$0x0] =	vst v9  }
0x2f9: {  	s12 =	sor.u32 s29, s21;
	v9 =	vld.idx.msk [tilespmem:v54+s10+$0x0], $0xffff;
	[tilespmem:s17+$0x0] =	vst v10  }
0x2fa: {  	[dreg:$0x5] =	wrdreg s13;
	s13 =	sor.u32 $0x13200, s24;
	[tilespmem:s12+$0x0] =	vst v4;
	v10 =	vadd.s32 $0x4C00, v6;
	v4 =	vld.idx.msk [tilespmem:v39+s10+$0x0], $0xffff  }
0x2fb: {  	[tilespmem:$0x1FD40] =	vst v41;
	s14 =	sor.u32 s22, s13;
	v11 =	vld.idx.msk [tilespmem:v11+s10+$0x0], $0xffff  }
0x2fc: {  	v41 =	vmov v35;
	v35 =	vmov v13;
	v13 =	vmov v14;
	s3 =	sor.u32 s26, s16;
	s16 =	sor.u32 $0x12180, s28;
	[tilespmem:s14+$0x0] =	vst v3;
	v60 =	vld.idx.msk [tilespmem:v27+s10+$0x0], $0xffff  }
0x2fd: {  	v43 =	vadd.s32 $0x2800, v7;
	[tilespmem:$0x1FDF0] =	vst v13;
	s5 =	sor.u32 s25, s16;
	v0 =	vld.idx.msk [tilespmem:v0+s10+$0x0], $0xffff  }
0x2fe: {  	s6 =	sadd.s32 $0x1, s6;
	s0 =	sor.u32 s30, s21;
	v39 =	vld.idx.msk [tilespmem:v8+s10+$0x0], $0xffff;
	[tilespmem:s5+$0x0] =	vst v2  }
0x2ff: {  	s20 =	sand.u32 $0x3, s6;
	v2 =	vadd.s32 $0x7400, v5;
	[tilespmem:s0+$0x0] =	vst v9;
	s0 =	sor.u32 $0x11100, s31;
	v10 =	vld.idx.msk [tilespmem:v10+s10+$0x0], $0xffff  }
0x300: {  	s18 =	sadd.s32 $0x100, s18;
	v30 =	vmov v16;
	s21 =	sshll.u32 s20, $0x5;
	v16 =	vadd.s32 $0x400, v8;
	v14 =	vld.idx.msk [tilespmem:v34+s10+$0x0], $0xffff;
	s20 =	sor.u32 s29, s0;
	[tilespmem:s3+$0x0] =	vst v4  }
0x301: {  	s8 =	sor.u32 s23, s9;
	v28 =	vmovc v37;
	v37 =	vmov v29;
	v29 =	vmov v17;
	s12 =	sor.u32 $0x13280, s24;
	s3 =	sand.u32 $0xC00, s18;
	[tilespmem:s20+$0x0] =	vst v11;
	v4 =	vadd.s32 $0x5000, v6;
	v17 =	vld.idx.msk [tilespmem:v52+s10+$0x0], $0xffff  }
0x302: {  	v57 =	vmov v31;
	v31 =	vmov v18;
	s17 =	sor.u32 s23, s13;
	s13 =	sor.u32 s22, s12;
	v63 =	vadd.s32 $0x400, v34;
	s14 =	sor.u32 $0x10080, s3;
	v18 =	vld.idx.msk [tilespmem:v43+s10+$0x0], $0xffff;
	[tilespmem:s8+$0x0] =	vst v60  }
0x303: {  	s20 =	sor.u32 $0x12200, s28;
	[tilespmem:s13+$0x0] =	vst v0;
	v43 =	vmov v36;
	v36 =	vmov v23;
	s13 =	sor.u32 s19, s14;
	s14 =	sor.u32 s2, s14;
	v23 =	vld.idx.msk [tilespmem:v56+s10+$0x0], $0xffff  }
0x304: {  	v47 =	vmovc v44;
	v44 =	vmovc v40;
	v40 =	vmov v33;
	v33 =	vmov v21;
	v22 =	vadd.s32 $0x2C00, v7;
	s8 =	sor.u32 s30, s0;
	s0 =	sor.u32 s25, s20;
	v21 =	vld.idx.msk [tilespmem:v2+s10+$0x0], $0xffff;
	[tilespmem:s14+$0x0] =	vst v39  }
0x305: {  	s5 =	sadd.s32 s21, s18;
	s21 =	sor.u32 s15, s18;
	v16 =	vld.idx.msk [tilespmem:v16+s10+$0x0], $0xffff;
	[tilespmem:s0+$0x0] =	vst v10  }
0x306: {  	s1 =	sor.u32 s26, s16;
	s16 =	sor.u32 $0x380, s21;
	s21 =	sor.u32 $0x11180, s31;
	[tilespmem:s13+$0x0] =	vst v14;
	v25 =	vld.idx.msk [tilespmem:v4+s10+$0x0], $0xffff  }
0x307: {  	s11 =	sor.u32 s29, s21;
	v56 =	vmov v26;
	v39 =	vmov v24;
	v24 =	vadd.s32 $0x7800, v5;
	v26 =	vld.idx.msk [tilespmem:v63+s10+$0x0], $0xffff;
	[tilespmem:s8+$0x0] =	vst v17  }
0x308: {  	v13 =	vadd.s32 $0x2800, v34;
	[tilespmem:s11+$0x0] =	vst v18;
	v17 =	vld.idx.msk [tilespmem:v51+s10+$0x0], $0xffff  }
0x309: {  	[tilespmem:$0x1FDE0] =	vst v38;
	s0 =	sor.u32 $0x13300, s24;
	v51 =	vmov v13;
	v13 =	vld.idx.msk [tilespmem:v22+s10+$0x0], $0xffff  }
0x30a: {  	[tilespmem:$0x1FD90] =	vst v15;
	s9 =	sor.u32 $0x300, s5;
	s5 =	sor.u32 s26, s20;
	s20 =	sor.u32 s22, s0;
	v22 =	vld [tilespmem:$0x1FE10]  }
0x30b: {  	v27 =	vadd.s32 $0x800, v8;
	[tilespmem:s20+$0x0] =	vst v21  }
0x30c: {  	[tilespmem:$0x1FD50] =	vst v12;
	v1 =	vmov v53;
	v18 =	vadd.s32 $0x5400, v6;
	v21 =	vld.idx.msk [tilespmem:v24+s10+$0x0], $0xffff  }
0x30d: {  	[tilespmem:$0x1FD70] =	vst v1;
	v24 =	vld [tilespmem:$0x1FE60]  }
0x30e: {  	v12 =	vadd.s32 $0x800, v34;
	[tilespmem:s1+$0x0] =	vst v23;
	s20 =	sor.u32 $0x12280, s28  }
0x30f: {  	v55 =	vmov v19;
	v19 =	vadd.s32 $0x4C00, v34;
	[tilespmem:s14+$0x80] =	vst v16;
	s1 =	sor.u32 s25, s20  }
0x310: {  	v23 =	vmov v19;
	v16 =	vadd.s32 $0x3000, v7;
	v19 =	vld.idx.msk [tilespmem:v27+s10+$0x0], $0xffff;
	[tilespmem:s1+$0x0] =	vst v25  }
0x311: {  	s11 =	sor.u32 s23, s0;
	s0 =	sor.u32 $0x11200, s31;
	[tilespmem:$0x1FE60] =	vst v23;
	v23 =	vadd.s32 $0x7C00, v5;
	v5 =	vmovc v6;
	v6 =	vmov v7;
	v7 =	vmov v8;
	v8 =	vld.idx.msk [tilespmem:v18+s10+$0x0], $0xffff  }
0x312: {  	s1 =	sor.u32 s29, s0;
	v24 =	vmov v24;
	v22 =	vld.idx.msk [tilespmem:v22+s10+$0x0], $0xffff;
	[tilespmem:s13+$0x80] =	vst v26  }
0x313: {  	s8 =	sor.u32 s30, s21;
	[tilespmem:s1+$0x0] =	vst v13;
	v12 =	vld.idx.msk [tilespmem:v12+s10+$0x0], $0xffff  }
0x314: {  	v15 =	vadd.s32 $0x2C00, v34;
	s21 =	sor.u32 s26, s20;
	s20 =	sor.u32 s30, s0;
	s0 =	sor.u32 $0x13380, s24;
	v18 =	vadd.s32 $0xC00, v7;
	[tilespmem:s8+$0x0] =	vst v17;
	v17 =	vld [tilespmem:$0x1FE30]  }
0x315: {  	v13 =	vadd.s32 $0x5800, v5;
	[tilespmem:$0x1FE10] =	vst v24;
	s8 =	sor.u32 s23, s0;
	s0 =	sor.u32 s22, s0;
	v24 =	vmov v15;
	v15 =	vld.idx.msk [tilespmem:v16+s10+$0x0], $0xffff  }
0x316: {  	v3 =	vmov v42;
	[tilespmem:s0+$0x0] =	vst v21;
	v21 =	vld [tilespmem:$0x1FE20]  }
0x317: {  	[tilespmem:$0x1FDB0] =	vst v3;
	v2 =	vld [tilespmem:$0x1FE50];
	s1 =	sor.u32 $0x12300, s28  }
0x318: {  	s0 =	sor.u32 s25, s1;
	v16 =	vld.idx.msk [tilespmem:v23+s10+$0x0], $0xffff;
	[tilespmem:s14+$0x100] =	vst v19  }
0x319: {  	v3 =	vadd.s32 $0x1800, v34;
	v18 =	vld.idx.msk [tilespmem:v18+s10+$0x0], $0xffff;
	[tilespmem:s0+$0x0] =	vst v8  }
0x31a: {  	[tilespmem:$0x1FD80] =	vst v3;
	v3 =	vadd.s32 $0x1C00, v34;
	v8 =	vld.idx.msk [tilespmem:v13+s10+$0x0], $0xffff  }
0x31b: {  	[tilespmem:$0x1FDD0] =	vst v3;
	v11 =	vadd.s32 $0x4000, v34;
	v13 =	vld [tilespmem:$0x1FE40]  }
0x31c: {  	v1 =	vadd.s32 $0xC00, v34;
	v46 =	vadd.s32 $0x4800, v34;
	[tilespmem:$0x1FE00] =	vst v11;
	v17 =	vld.idx.msk [tilespmem:v17+s10+$0x0], $0xffff  }
0x31d: {  	v45 =	vmov v2;
	v2 =	vmov v46;
	v19 =	vadd.s32 $0x3400, v6;
	[tilespmem:s5+$0x0] =	vst v22  }
0x31e: {  	[tilespmem:$0x1FE50] =	vst v2;
	s5 =	sor.u32 s26, s1;
	s1 =	sor.u32 $0x11280, s31;
	v21 =	vld.idx.msk [tilespmem:v21+s10+$0x0], $0xffff  }
0x31f: {  	[tilespmem:s13+$0x100] =	vst v12;
	s0 =	sor.u32 s29, s1  }
0x320: {  	s24 =	sadd.s32 $0x13400, s24;
	[tilespmem:s0+$0x0] =	vst v15  }
0x321: {  	v9 =	vadd.s32 $0x3000, v34;
	s22 =	sor.u32 s22, s24;
	v12 =	vadd.s32 $0x1000, v7;
	v1 =	vld.idx.msk [tilespmem:v1+s10+$0x0], $0xffff;
	[tilespmem:s20+$0x0] =	vst v17  }
0x322: {  	s12 =	sor.u32 s23, s12;
	v15 =	vadd.s32 $0x5C00, v5;
	s20 =	sor.u32 s30, s1;
	s1 =	sor.u32 s23, s24;
	v17 =	vmov v9;
	v9 =	vld.idx.msk [tilespmem:v19+s10+$0x0], $0xffff;
	[tilespmem:s22+$0x0] =	vst v16  }
0x323: {  	v62 =	vadd.s32 $0x1000, v34;
	s23 =	smov.u32 s26;
	s22 =	smov.u32 s25;
	s24 =	sor.u32 $0x12380, s28;
	v13 =	vld.idx.msk [tilespmem:v13+s10+$0x0], $0xffff;
	[tilespmem:s21+$0x0] =	vst v21  }
0x324: {  	s25 =	smov.u32 s29;
	s29 =	smov.u32 s2;
	[tilespmem:$0x1FE40] =	vst v17;
	s2 =	sor.u32 s23, s24;
	v16 =	vld.idx.msk [tilespmem:v33+s10+$0x0], $0xffff  }
0x325: {  	v11 =	vadd.s32 $0x5400, v34;
	v14 =	vadd.s32 $0x6C00, v34;
	[tilespmem:s14+$0x180] =	vst v18;
	s0 =	sor.u32 s22, s24;
	s24 =	smov.u32 s28;
	s28 =	smov.u32 s31;
	v17 =	vld.idx.msk [tilespmem:v44+s10+$0x0], $0xffff  }
0x326: {  	v25 =	vmovc v35;
	v35 =	vmov v14;
	v14 =	vadd.s32 $0x3800, v6;
	s26 =	smov.u32 s30;
	s30 =	smov.u32 s19;
	v44 =	vmov v11;
	v11 =	vld.idx.msk [tilespmem:v12+s10+$0x0], $0xffff;
	[tilespmem:s0+$0x0] =	vst v8;
	s19 =	sor.u32 $0x11300, s28  }
0x327: {  	[tilespmem:s13+$0x180] =	vst v1;
	v1 =	vld.idx.msk [tilespmem:v15+s10+$0x0], $0xffff;
	s0 =	sor.u32 s25, s19  }
0x328: {  	v8 =	vld.idx.msk [tilespmem:v62+s10+$0x0], $0xffff;
	[tilespmem:s0+$0x0] =	vst v9  }
0x329: {  	v12 =	vadd.s32 $0x1400, v7;
	[tilespmem:s20+$0x0] =	vst v13  }
0x32a: {  	v59 =	vadd.s32 $0x1400, v34;
	v3 =	vadd.s32 $0x3400, v34;
	v13 =	vld.idx.msk [tilespmem:v50+s10+$0x0], $0xffff;
	[tilespmem:s17+$0x0] =	vst v16  }
0x32b: {  	v9 =	vadd.s32 $0x6000, v5;
	v50 =	vmov v3;
	v3 =	vld.idx.msk [tilespmem:v14+s10+$0x0], $0xffff;
	[tilespmem:s5+$0x0] =	vst v17  }
0x32c: {  	v10 =	vadd.s32 $0x7000, v34;
	[tilespmem:s14+$0x200] =	vst v11;
	s5 =	sadd.s32 $0x12400, s24;
	v14 =	vld.idx.msk [tilespmem:v31+s10+$0x0], $0xffff  }
0x32d: {  	v0 =	vadd.s32 $0x5800, v34;
	v26 =	vmov v10;
	v10 =	vadd.s32 $0x3C00, v6;
	v11 =	vld.idx.msk [tilespmem:v28+s10+$0x0], $0xffff;
	s0 =	sor.u32 s22, s5;
	[tilespmem:s13+$0x200] =	vst v8  }
0x32e: {  	v33 =	vmov v41;
	v41 =	vmov v0;
	s21 =	sor.u32 s26, s19;
	s17 =	sor.u32 $0x11380, s28;
	v0 =	vld.idx.msk [tilespmem:v12+s10+$0x0], $0xffff;
	[tilespmem:s0+$0x0] =	vst v1  }
0x32f: {  	v8 =	vld.idx.msk [tilespmem:v59+s10+$0x0], $0xffff;
	s0 =	sor.u32 s25, s17;
	[tilespmem:s21+$0x0] =	vst v13  }
0x330: {  	v1 =	vld.idx.msk [tilespmem:v9+s10+$0x0], $0xffff;
	v9 =	vadd.s32 $0x1800, v7;
	[tilespmem:s0+$0x0] =	vst v3  }
0x331: {  	v12 =	vld.idx.msk [tilespmem:v49+s10+$0x0], $0xffff;
	[tilespmem:s12+$0x0] =	vst v14  }
0x332: {  	v38 =	vmov v32;
	v32 =	vmov v20;
	v3 =	vadd.s32 $0x6400, v5;
	v10 =	vld.idx.msk [tilespmem:v10+s10+$0x0], $0xffff;
	[tilespmem:s2+$0x0] =	vst v11  }
0x333: {  	v4 =	vadd.s32 $0x7400, v34;
	[tilespmem:s14+$0x280] =	vst v0;
	v0 =	vadd.s32 $0x4000, v6;
	v11 =	vld.idx.msk [tilespmem:v30+s10+$0x0], $0xffff  }
0x334: {  	s4 =	sadd.s32 $0x2, s4;
	v2 =	vadd.s32 $0x5C00, v34;
	[tilespmem:$0x1FE30] =	vst v24;
	v24 =	vmov v4;
	s21 =	sor.u32 $0x13080, s24;
	v4 =	vld.idx.msk [tilespmem:v43+s10+$0x0], $0xffff  }
0x335: {  	v16 =	vmov v32;
	v32 =	vmov v2;
	s0 =	sor.u32 s22, s21;
	s12 =	sand.u32 $0x7, s4;
	v2 =	vld.idx.msk [tilespmem:v9+s10+$0x0], $0xffff;
	[tilespmem:s13+$0x280] =	vst v8;
	s13 =	sadd.s32 $0x11400, s28  }
0x336: {  	[tilespmem:s0+$0x0] =	vst v1;
	s0 =	sshll.u32 s12, $0x4;
	v1 =	vld [tilespmem:$0x1FD80];
	s12 =	sor.u32 s25, s13  }
0x337: {  	v3 =	vld.idx.msk [tilespmem:v3+s10+$0x0], $0xffff;
	[tilespmem:s12+$0x0] =	vst v10  }
0x338: {  	v13 =	vld.idx.msk [tilespmem:v0+s10+$0x0], $0xffff  }
0x339: {  	v0 =	vld [tilespmem:$0x1FD90];
	_ =	sdelay $0x3  }
0x33a: {  	s20 =	sor.u32 s26, s17  }
0x33b: {  	v8 =	vld.idx.msk [tilespmem:v1+s10+$0x0], $0xffff;
	[tilespmem:s20+$0x0] =	vst v12  }
0x33c: {  	v58 =	vadd.s32 $0x2400, v34;
	s31 =	smov.u32 s3;
	s3 =	sor.u32 s23, s5;
	v12 =	vld.idx.msk [tilespmem:v48+s10+$0x0], $0xffff;
	[tilespmem:s11+$0x0] =	vst v11  }
0x33d: {  	v52 =	vmov v58;
	v58 =	vadd.s32 $0x3C00, v34;
	[tilespmem:s3+$0x0] =	vst v4  }
0x33e: {  	v48 =	vmov v58;
	v58 =	vld.idx.msk [tilespmem:v0+s10+$0x0], $0xffff  }
0x33f: {  	v0 =	vld [tilespmem:$0x1FDC0];
	_ =	sdelay $0x4  }
0x340: {  	v31 =	vmov v0;
	v0 =	vld [tilespmem:$0x1FDD0]  }
0x341: {  	v20 =	vadd.s32 $0x5000, v34;
	v9 =	vadd.s32 $0x1C00, v7  }
0x342: {  	s0 =	sadd.s32 s18, s0  }
0x343: {  	v23 =	vld [tilespmem:$0x1FE70];
	s0 =	sadd.s32 $0x10, s0  }
0x344: {  	v22 =	vmov v20;
	v20 =	vmov v39;
	v39 =	vld [tilespmem:$0x1FD70];
	s0 =	sor.u32 $0x300, s0  }
0x345: {  	v15 =	vld [tilespmem:$0x1FD40];
	[tilespmem:s0+$0x10080] =	vst v2  }
0x346: {  	s19 =	sor.u32 $0x13100, s24;
	v2 =	vld.idx.msk [tilespmem:v9+s10+$0x0], $0xffff  }
0x347: {  	s20 =	sor.u32 s22, s19;
	v59 =	vld.idx.msk [tilespmem:v57+s10+$0x0], $0xffff;
	[tilespmem:s9+$0x10080] =	vst v8  }
0x348: {  	[tilespmem:s20+$0x0] =	vst v3;
	v3 =	vld.idx.msk [tilespmem:v0+s10+$0x0], $0xffff  }
0x349: {  	v0 =	vld [tilespmem:$0x1FDE0]  }
0x34a: {  	v27 =	vmovc v37;
	v37 =	vmov v15;
	v15 =	vmov v29;
	v29 =	vld [tilespmem:$0x1FDB0];
	v10 =	vadd.s32 $0x6800, v5  }
0x34b: {  	s7 =	sadd.s32 $0x2, s7;
	v28 =	vld [tilespmem:$0x1FDA0]  }
0x34c: {  	p0 =	slt.u32 s7, $0x1E;
	v54 =	vadd.s32 $0x2000, v34;
	v23 =	vmov v23;
	v8 =	vld [tilespmem:$0x1FE00]  }
.Ltmp1:
0x34d: {  	v61 =	vadd.s32 $0x3800, v34;
	v53 =	vadd.s32 $0x4400, v34;
	v42 =	vadd.s32 $0x6800, v34;
	v14 =	vld [tilespmem:$0x1FD50];
	s2 =	sor.u32 s23, s21;
	s21 =	sor.u32 $0x12080, s28;
	(pc) =	sbr.rel @p0 .LBB2_5-.Ltmp1, $4  }
0x34e: {  	v60 =	vadd.s32 $0x6000, v34;
	v63 =	vadd.s32 $0x7800, v34;
	v46 =	vadd.s32 $0x6400, v34;
	[tilespmem:$0x1FE20] =	vst v23;
	v30 =	vld [tilespmem:$0x1FD60];
	s0 =	sor.u32 s25, s21  }
0x34f: {  	v34 =	vadd.s32 $0x7C00, v34;
	v23 =	vmovc v56;
	v56 =	vmovc v45;
	v19 =	vmov v63;
	v21 =	vmov v40;
	s14 =	sor.u32 s26, s13;
	v57 =	vld.idx.msk [tilespmem:v10+s10+$0x0], $0xffff;
	[tilespmem:s0+$0x0] =	vst v13  }
0x350: {  	s15 =	sadd.s32 $0x20, s15;
	v40 =	vmovc v47;
	v18 =	vmovc v36;
	v36 =	vmov v38;
	v17 =	vmov v55;
	v55 =	vadd.s32 $0x6C00, v5;
	v13 =	vld [tilespmem:$0x1FDF0];
	[tilespmem:s14+$0x0] =	vst v12  }
0x351: {  	[tilespmem:$0x1FE70] =	vst v22;
	s17 =	sor.u32 s23, s19;
	v49 =	vmovc v61;
	v1 =	vadd.s32 $0x4400, v6;
	v11 =	vmovc v60;
	v4 =	vadd.s32 $0x2000, v7;
	s3 =	sor.u32 s26, s21;
	s0 =	rddreg [dreg:$0x5];
	v38 =	vmov v8;
	v0 =	vld.idx.msk [tilespmem:v0+s10+$0x0], $0xffff  }
0x352: {  	_ =	sdelay $0x1  }
0x353: {  	s0 =	sor.u32 s0, s18  }
0x354: {  	[tilespmem:s16+$0x10080] =	vst v3;
	s0 =	sor.u32 $0x380, s0  }
0x355: {  	v8 =	vld.idx.msk [tilespmem:v54+s10+$0x0], $0xffff;
	[tilespmem:s0+$0x10080] =	vst v2  }
0x356: {  	v2 =	vld.idx.msk [tilespmem:v4+s10+$0x0], $0xffff  }
0x357: {  	v63 =	vadd.s32 $0x2400, v7  }
0x358: {  	s9 =	sor.u32 $0x11080, s31  }
0x359: {  	s0 =	sor.u32 s30, s9  }
0x35a: {  	s4 =	sor.u32 s29, s9;
	[tilespmem:s0+$0x0] =	vst v8  }
0x35b: {  	v4 =	vld.idx.msk [tilespmem:v52+s10+$0x0], $0xffff;
	[tilespmem:s4+$0x0] =	vst v2  }
0x35c: {  	v2 =	vld.idx.msk [tilespmem:v63+s10+$0x0], $0xffff  }
0x35d: {  	v9 =	vadd.s32 $0x2800, v7  }
0x35e: {  	s11 =	sor.u32 $0x11100, s31  }
0x35f: {  	s0 =	sor.u32 s30, s11  }
0x360: {  	s12 =	sor.u32 s29, s11;
	[tilespmem:s0+$0x0] =	vst v4  }
0x361: {  	v4 =	vld.idx.msk [tilespmem:v51+s10+$0x0], $0xffff;
	[tilespmem:s12+$0x0] =	vst v2  }
0x362: {  	v2 =	vld.idx.msk [tilespmem:v9+s10+$0x0], $0xffff;
	_ =	sdelay $0x1  }
0x363: {  	s13 =	sor.u32 $0x11180, s31  }
0x364: {  	s0 =	sor.u32 s30, s13  }
0x365: {  	s14 =	sor.u32 s29, s13;
	[tilespmem:s0+$0x0] =	vst v4  }
0x366: {  	[tilespmem:s14+$0x0] =	vst v2  }
0x367: {  	v4 =	vld [tilespmem:$0x1FE30];
	_ =	sdelay $0x1  }
0x368: {  	v10 =	vadd.s32 $0x2C00, v7;
	_ =	sdelay $0x4  }
0x369: {  	v2 =	vld.idx.msk [tilespmem:v10+s10+$0x0], $0xffff  }
0x36a: {  	v4 =	vld.idx.msk [tilespmem:v4+s10+$0x0], $0xffff;
	_ =	sdelay $0x1  }
0x36b: {  	s15 =	sor.u32 $0x11200, s31  }
0x36c: {  	s16 =	sor.u32 s29, s15  }
0x36d: {  	s0 =	sor.u32 s30, s15;
	[tilespmem:s16+$0x0] =	vst v2  }
0x36e: {  	[tilespmem:s0+$0x0] =	vst v4  }
0x36f: {  	v4 =	vld [tilespmem:$0x1FE40]  }
0x370: {  	v12 =	vadd.s32 $0x3000, v7;
	_ =	sdelay $0x4  }
0x371: {  	v2 =	vld.idx.msk [tilespmem:v12+s10+$0x0], $0xffff  }
0x372: {  	v22 =	vadd.s32 $0x3400, v7  }
0x373: {  	v4 =	vld.idx.msk [tilespmem:v4+s10+$0x0], $0xffff  }
0x374: {  	s18 =	sor.u32 $0x11280, s31  }
0x375: {  	s19 =	sor.u32 s29, s18  }
0x376: {  	[tilespmem:s19+$0x0] =	vst v2  }
0x377: {  	s0 =	sor.u32 s30, s18;
	v2 =	vld.idx.msk [tilespmem:v22+s10+$0x0], $0xffff  }
0x378: {  	v43 =	vadd.s32 $0x3800, v7;
	[tilespmem:s0+$0x0] =	vst v4  }
0x379: {  	v4 =	vld.idx.msk [tilespmem:v50+s10+$0x0], $0xffff  }
0x37a: {  	s20 =	sor.u32 $0x11300, s31  }
0x37b: {  	s21 =	sor.u32 s29, s20  }
0x37c: {  	[tilespmem:s21+$0x0] =	vst v2  }
0x37d: {  	v2 =	vld.idx.msk [tilespmem:v43+s10+$0x0], $0xffff;
	s0 =	sor.u32 s30, s20  }
0x37e: {  	v45 =	vadd.s32 $0x3C00, v7;
	[tilespmem:s0+$0x0] =	vst v4  }
0x37f: {  	v4 =	vld.idx.msk [tilespmem:v49+s10+$0x0], $0xffff  }
0x380: {  	s5 =	sor.u32 $0x11380, s31  }
0x381: {  	s6 =	sor.u32 s29, s5  }
0x382: {  	[tilespmem:s6+$0x0] =	vst v2  }
0x383: {  	v2 =	vld.idx.msk [tilespmem:v45+s10+$0x0], $0xffff;
	s0 =	sor.u32 s30, s5  }
0x384: {  	v47 =	vadd.s32 $0x4000, v7;
	[tilespmem:s0+$0x0] =	vst v4  }
0x385: {  	v4 =	vld.idx.msk [tilespmem:v48+s10+$0x0], $0xffff  }
0x386: {  	s7 =	sadd.s32 $0x11400, s31  }
0x387: {  	s9 =	sor.u32 s29, s7  }
0x388: {  	[tilespmem:s9+$0x0] =	vst v2  }
0x389: {  	v2 =	vld.idx.msk [tilespmem:v47+s10+$0x0], $0xffff;
	s0 =	sor.u32 s30, s7  }
0x38a: {  	v48 =	vadd.s32 $0x4400, v7;
	[tilespmem:s0+$0x0] =	vst v4  }
0x38b: {  	v4 =	vld.idx.msk [tilespmem:v38+s10+$0x0], $0xffff  }
0x38c: {  	s11 =	sor.u32 $0x12080, s31  }
0x38d: {  	s12 =	sor.u32 s29, s11  }
0x38e: {  	v1 =	vld.idx.msk [tilespmem:v1+s10+$0x0], $0xffff;
	[tilespmem:s12+$0x0] =	vst v2  }
0x38f: {  	[tilespmem:s3+$0x0] =	vst v0;
	s0 =	sor.u32 s30, s11;
	v2 =	vld.idx.msk [tilespmem:v48+s10+$0x0], $0xffff  }
0x390: {  	v8 =	vld.idx.msk [tilespmem:v39+s10+$0x0], $0xffff;
	[tilespmem:s0+$0x0] =	vst v4  }
0x391: {  	s13 =	sor.u32 $0x12100, s28;
	v4 =	vld.idx.msk [tilespmem:v53+s10+$0x0], $0xffff  }
0x392: {  	s15 =	sor.u32 $0x12100, s31;
	s14 =	sor.u32 s25, s13  }
0x393: {  	s16 =	sor.u32 s29, s15;
	[tilespmem:s14+$0x0] =	vst v1  }
0x394: {  	[tilespmem:s16+$0x0] =	vst v2;
	s0 =	sor.u32 s26, s13  }
0x395: {  	s3 =	sor.u32 s30, s15;
	[tilespmem:s0+$0x0] =	vst v8  }
0x396: {  	[tilespmem:s3+$0x0] =	vst v4  }
0x397: {  	v49 =	vadd.s32 $0x4800, v6;
	v4 =	vld [tilespmem:$0x1FE50];
	_ =	sdelay $0x1  }
0x398: {  	v50 =	vadd.s32 $0x4800, v7;
	_ =	sdelay $0x2  }
0x399: {  	v0 =	vld.idx.msk [tilespmem:v49+s10+$0x0], $0xffff  }
0x39a: {  	v8 =	vld.idx.msk [tilespmem:v56+s10+$0x0], $0xffff  }
0x39b: {  	v2 =	vld.idx.msk [tilespmem:v50+s10+$0x0], $0xffff  }
0x39c: {  	s18 =	sor.u32 $0x12180, s28;
	v4 =	vld.idx.msk [tilespmem:v4+s10+$0x0], $0xffff  }
0x39d: {  	s19 =	sor.u32 s25, s18  }
0x39e: {  	s20 =	sor.u32 $0x12180, s31;
	s0 =	sor.u32 s26, s18;
	[tilespmem:s19+$0x0] =	vst v0  }
0x39f: {  	s21 =	sor.u32 s29, s20;
	[tilespmem:s0+$0x0] =	vst v8  }
0x3a0: {  	s3 =	sor.u32 s30, s20;
	v8 =	vld [tilespmem:$0x1FE10];
	[tilespmem:s21+$0x0] =	vst v2  }
0x3a1: {  	[tilespmem:s3+$0x0] =	vst v4  }
0x3a2: {  	v51 =	vadd.s32 $0x4C00, v6;
	v4 =	vld [tilespmem:$0x1FE60];
	_ =	sdelay $0x1  }
0x3a3: {  	v52 =	vadd.s32 $0x4C00, v7;
	_ =	sdelay $0x2  }
0x3a4: {  	v0 =	vld.idx.msk [tilespmem:v51+s10+$0x0], $0xffff  }
0x3a5: {  	v8 =	vld.idx.msk [tilespmem:v8+s10+$0x0], $0xffff  }
0x3a6: {  	v2 =	vld.idx.msk [tilespmem:v52+s10+$0x0], $0xffff  }
0x3a7: {  	s3 =	sor.u32 $0x12200, s28;
	v4 =	vld.idx.msk [tilespmem:v4+s10+$0x0], $0xffff  }
0x3a8: {  	s4 =	sor.u32 s25, s3  }
0x3a9: {  	s5 =	sor.u32 $0x12200, s31;
	s0 =	sor.u32 s26, s3;
	[tilespmem:s4+$0x0] =	vst v0  }
0x3aa: {  	s6 =	sor.u32 s29, s5;
	[tilespmem:s0+$0x0] =	vst v8  }
0x3ab: {  	s3 =	sor.u32 s30, s5;
	v8 =	vld [tilespmem:$0x1FE20];
	[tilespmem:s6+$0x0] =	vst v2  }
0x3ac: {  	[tilespmem:s3+$0x0] =	vst v4  }
0x3ad: {  	v53 =	vadd.s32 $0x5000, v6;
	v4 =	vld [tilespmem:$0x1FE70];
	_ =	sdelay $0x1  }
0x3ae: {  	v54 =	vadd.s32 $0x5000, v7;
	_ =	sdelay $0x2  }
0x3af: {  	v0 =	vld.idx.msk [tilespmem:v53+s10+$0x0], $0xffff  }
0x3b0: {  	v56 =	vadd.s32 $0x5400, v6;
	v8 =	vld.idx.msk [tilespmem:v8+s10+$0x0], $0xffff  }
0x3b1: {  	v2 =	vld.idx.msk [tilespmem:v54+s10+$0x0], $0xffff  }
0x3b2: {  	v60 =	vadd.s32 $0x5400, v7;
	s7 =	sor.u32 $0x12280, s28;
	v4 =	vld.idx.msk [tilespmem:v4+s10+$0x0], $0xffff  }
0x3b3: {  	s9 =	sor.u32 s25, s7  }
0x3b4: {  	s11 =	sor.u32 $0x12280, s31;
	s0 =	sor.u32 s26, s7;
	[tilespmem:s9+$0x0] =	vst v0  }
0x3b5: {  	s12 =	sor.u32 s29, s11;
	v0 =	vld.idx.msk [tilespmem:v56+s10+$0x0], $0xffff;
	[tilespmem:s0+$0x0] =	vst v8  }
0x3b6: {  	v61 =	vadd.s32 $0x5800, v6;
	s3 =	sor.u32 s30, s11;
	[tilespmem:s12+$0x0] =	vst v2;
	v8 =	vld.idx.msk [tilespmem:v40+s10+$0x0], $0xffff  }
0x3b7: {  	v2 =	vld.idx.msk [tilespmem:v60+s10+$0x0], $0xffff;
	[tilespmem:s3+$0x0] =	vst v4  }
0x3b8: {  	v62 =	vadd.s32 $0x5800, v7;
	s13 =	sor.u32 $0x12300, s28;
	v4 =	vld.idx.msk [tilespmem:v44+s10+$0x0], $0xffff  }
0x3b9: {  	s14 =	sor.u32 s25, s13  }
0x3ba: {  	s15 =	sor.u32 $0x12300, s31;
	s0 =	sor.u32 s26, s13;
	[tilespmem:s14+$0x0] =	vst v0  }
0x3bb: {  	s16 =	sor.u32 s29, s15;
	v0 =	vld.idx.msk [tilespmem:v61+s10+$0x0], $0xffff;
	[tilespmem:s0+$0x0] =	vst v8  }
0x3bc: {  	v63 =	vadd.s32 $0x5C00, v6;
	[tilespmem:s16+$0x0] =	vst v2;
	v8 =	vld.idx.msk [tilespmem:v37+s10+$0x0], $0xffff;
	s3 =	sor.u32 s30, s15  }
0x3bd: {  	v2 =	vld.idx.msk [tilespmem:v62+s10+$0x0], $0xffff;
	[tilespmem:s3+$0x0] =	vst v4  }
0x3be: {  	v12 =	vadd.s32 $0x5C00, v7;
	s18 =	sor.u32 $0x12380, s28;
	v4 =	vld.idx.msk [tilespmem:v41+s10+$0x0], $0xffff  }
0x3bf: {  	s19 =	sor.u32 s25, s18  }
0x3c0: {  	s20 =	sor.u32 $0x12380, s31;
	s0 =	sor.u32 s26, s18;
	[tilespmem:s19+$0x0] =	vst v0  }
0x3c1: {  	s21 =	sor.u32 s29, s20;
	v0 =	vld.idx.msk [tilespmem:v63+s10+$0x0], $0xffff;
	[tilespmem:s0+$0x0] =	vst v8  }
0x3c2: {  	v22 =	vadd.s32 $0x6000, v6;
	[tilespmem:s21+$0x0] =	vst v2;
	v8 =	vld.idx.msk [tilespmem:v36+s10+$0x0], $0xffff;
	s3 =	sor.u32 s30, s20  }
0x3c3: {  	v2 =	vld.idx.msk [tilespmem:v12+s10+$0x0], $0xffff;
	[tilespmem:s3+$0x0] =	vst v4  }
0x3c4: {  	s4 =	sadd.s32 $0x12400, s28;
	v37 =	vadd.s32 $0x6000, v7;
	v4 =	vld.idx.msk [tilespmem:v32+s10+$0x0], $0xffff  }
0x3c5: {  	s5 =	sor.u32 s25, s4;
	[tilespmem:s8+$0x0] =	vst v58  }
0x3c6: {  	s6 =	sadd.s32 $0x12400, s31;
	s0 =	sor.u32 s26, s4;
	[tilespmem:s5+$0x0] =	vst v0  }
0x3c7: {  	s7 =	sor.u32 s29, s6;
	v0 =	vld.idx.msk [tilespmem:v22+s10+$0x0], $0xffff;
	[tilespmem:s0+$0x0] =	vst v8  }
0x3c8: {  	v38 =	vadd.s32 $0x6400, v6;
	[tilespmem:s7+$0x0] =	vst v2;
	v8 =	vld.idx.msk [tilespmem:v31+s10+$0x0], $0xffff;
	s3 =	sor.u32 s30, s6  }
0x3c9: {  	v2 =	vld.idx.msk [tilespmem:v37+s10+$0x0], $0xffff;
	[tilespmem:s3+$0x0] =	vst v4  }
0x3ca: {  	v39 =	vadd.s32 $0x6400, v7;
	s8 =	sor.u32 $0x13080, s28;
	[tilespmem:s2+$0x0] =	vst v59;
	v4 =	vld.idx.msk [tilespmem:v11+s10+$0x0], $0xffff  }
0x3cb: {  	s9 =	sor.u32 s25, s8;
	v9 =	vld.idx.msk [tilespmem:v28+s10+$0x0], $0xffff  }
0x3cc: {  	s11 =	sor.u32 $0x13080, s31;
	v10 =	vld.idx.msk [tilespmem:v25+s10+$0x0], $0xffff;
	s0 =	sor.u32 s26, s8;
	[tilespmem:s9+$0x0] =	vst v0  }
0x3cd: {  	s12 =	sor.u32 s29, s11;
	v0 =	vld.idx.msk [tilespmem:v38+s10+$0x0], $0xffff;
	[tilespmem:s0+$0x0] =	vst v8  }
0x3ce: {  	s2 =	sor.u32 s30, s11;
	v40 =	vadd.s32 $0x6800, v6;
	[tilespmem:s12+$0x0] =	vst v2;
	v8 =	vld.idx.msk [tilespmem:v30+s10+$0x0], $0xffff  }
0x3cf: {  	v2 =	vld.idx.msk [tilespmem:v39+s10+$0x0], $0xffff;
	[tilespmem:s2+$0x0] =	vst v4  }
0x3d0: {  	[tilespmem:s17+$0x0] =	vst v9;
	s15 =	sor.u32 $0x13100, s28;
	v41 =	vadd.s32 $0x6800, v7;
	v4 =	vld.idx.msk [tilespmem:v46+s10+$0x0], $0xffff  }
0x3d1: {  	[tilespmem:s1+$0x0] =	vst v10;
	v9 =	vld.idx.msk [tilespmem:v27+s10+$0x0], $0xffff;
	s16 =	sor.u32 s25, s15  }
0x3d2: {  	s17 =	sor.u32 $0x13100, s31;
	s0 =	sor.u32 s26, s15;
	[tilespmem:s16+$0x0] =	vst v0  }
0x3d3: {  	s18 =	sor.u32 s29, s17;
	v0 =	vld.idx.msk [tilespmem:v40+s10+$0x0], $0xffff;
	[tilespmem:s0+$0x0] =	vst v8  }
0x3d4: {  	v43 =	vadd.s32 $0x6C00, v6;
	s13 =	sor.u32 $0x13180, s24;
	[tilespmem:s18+$0x0] =	vst v2;
	v8 =	vld.idx.msk [tilespmem:v29+s10+$0x0], $0xffff;
	s2 =	sor.u32 s30, s17  }
0x3d5: {  	s19 =	sor.u32 s23, s13;
	v2 =	vld.idx.msk [tilespmem:v41+s10+$0x0], $0xffff;
	[tilespmem:s2+$0x0] =	vst v4  }
0x3d6: {  	s14 =	sor.u32 s22, s13;
	[tilespmem:s19+$0x0] =	vst v9;
	v44 =	vadd.s32 $0x6C00, v7;
	s20 =	sor.u32 $0x13180, s28;
	v4 =	vld.idx.msk [tilespmem:v42+s10+$0x0], $0xffff  }
0x3d7: {  	[tilespmem:s14+$0x0] =	vst v57;
	v47 =	vld.idx.msk [tilespmem:v21+s10+$0x0], $0xffff;
	s21 =	sor.u32 s25, s20  }
0x3d8: {  	v45 =	vld.idx.msk [tilespmem:v55+s10+$0x0], $0xffff;
	s1 =	sor.u32 s26, s20;
	[tilespmem:s21+$0x0] =	vst v0;
	s2 =	sor.u32 $0x13180, s31  }
0x3d9: {  	v0 =	vld.idx.msk [tilespmem:v43+s10+$0x0], $0xffff;
	[tilespmem:s1+$0x0] =	vst v8;
	v46 =	vadd.s32 $0x7000, v5;
	s3 =	sor.u32 s29, s2  }
0x3da: {  	v48 =	vadd.s32 $0x7000, v6;
	s4 =	sor.u32 $0x13200, s24;
	v8 =	vld.idx.msk [tilespmem:v33+s10+$0x0], $0xffff;
	s5 =	sor.u32 s30, s2;
	[tilespmem:s3+$0x0] =	vst v2  }
0x3db: {  	s7 =	sor.u32 s23, s4;
	v2 =	vld.idx.msk [tilespmem:v44+s10+$0x0], $0xffff;
	[tilespmem:s5+$0x0] =	vst v4  }
0x3dc: {  	v49 =	vadd.s32 $0x7000, v7;
	s8 =	sor.u32 $0x13200, s28;
	[tilespmem:s7+$0x0] =	vst v47;
	s6 =	sor.u32 s22, s4;
	v4 =	vld.idx.msk [tilespmem:v35+s10+$0x0], $0xffff  }
0x3dd: {  	s9 =	sor.u32 s25, s8;
	[tilespmem:s6+$0x0] =	vst v45;
	v11 =	vld.idx.msk [tilespmem:v18+s10+$0x0], $0xffff  }
0x3de: {  	s11 =	sor.u32 $0x13200, s31;
	s1 =	sor.u32 s26, s8;
	[tilespmem:s9+$0x0] =	vst v0;
	v9 =	vld.idx.msk [tilespmem:v46+s10+$0x0], $0xffff  }
0x3df: {  	v50 =	vadd.s32 $0x7400, v5;
	s12 =	sor.u32 s29, s11;
	v0 =	vld.idx.msk [tilespmem:v48+s10+$0x0], $0xffff;
	[tilespmem:s1+$0x0] =	vst v8  }
0x3e0: {  	v51 =	vadd.s32 $0x7400, v6;
	s13 =	sor.u32 $0x13280, s24;
	s0 =	sor.u32 s30, s11;
	v8 =	vld.idx.msk [tilespmem:v23+s10+$0x0], $0xffff;
	[tilespmem:s12+$0x0] =	vst v2  }
0x3e1: {  	s15 =	sor.u32 s23, s13;
	v2 =	vld.idx.msk [tilespmem:v49+s10+$0x0], $0xffff;
	[tilespmem:s0+$0x0] =	vst v4  }
0x3e2: {  	v52 =	vadd.s32 $0x7400, v7;
	s14 =	sor.u32 s22, s13;
	s16 =	sor.u32 $0x13280, s28;
	[tilespmem:s15+$0x0] =	vst v11;
	v4 =	vld.idx.msk [tilespmem:v26+s10+$0x0], $0xffff  }
0x3e3: {  	s17 =	sor.u32 s25, s16;
	v11 =	vld.idx.msk [tilespmem:v16+s10+$0x0], $0xffff;
	[tilespmem:s14+$0x0] =	vst v9  }
0x3e4: {  	s19 =	sor.u32 $0x13280, s31;
	s18 =	sor.u32 s26, s16;
	[tilespmem:s17+$0x0] =	vst v0;
	v9 =	vld.idx.msk [tilespmem:v50+s10+$0x0], $0xffff  }
0x3e5: {  	v53 =	vadd.s32 $0x7800, v5;
	s20 =	sor.u32 s29, s19;
	v0 =	vld.idx.msk [tilespmem:v51+s10+$0x0], $0xffff;
	[tilespmem:s18+$0x0] =	vst v8  }
0x3e6: {  	v54 =	vadd.s32 $0x7800, v6;
	s21 =	sor.u32 $0x13300, s24;
	s3 =	sor.u32 s30, s19;
	v8 =	vld.idx.msk [tilespmem:v20+s10+$0x0], $0xffff;
	[tilespmem:s20+$0x0] =	vst v2  }
0x3e7: {  	s5 =	sor.u32 s23, s21;
	v2 =	vld.idx.msk [tilespmem:v52+s10+$0x0], $0xffff;
	[tilespmem:s3+$0x0] =	vst v4  }
0x3e8: {  	v55 =	vadd.s32 $0x7800, v7;
	s6 =	sor.u32 $0x13300, s28;
	s4 =	sor.u32 s22, s21;
	[tilespmem:s5+$0x0] =	vst v11;
	v4 =	vld.idx.msk [tilespmem:v24+s10+$0x0], $0xffff  }
0x3e9: {  	s7 =	sor.u32 s25, s6;
	v57 =	vld.idx.msk [tilespmem:v15+s10+$0x0], $0xffff;
	[tilespmem:s4+$0x0] =	vst v9  }
0x3ea: {  	s8 =	sor.u32 $0x13300, s31;
	s1 =	sor.u32 s26, s6;
	[tilespmem:s7+$0x0] =	vst v0;
	v9 =	vld.idx.msk [tilespmem:v53+s10+$0x0], $0xffff  }
0x3eb: {  	v56 =	vadd.s32 $0x7C00, v5;
	s9 =	sor.u32 s29, s8;
	v0 =	vld.idx.msk [tilespmem:v54+s10+$0x0], $0xffff;
	[tilespmem:s1+$0x0] =	vst v8  }
0x3ec: {  	v58 =	vadd.s32 $0x7C00, v6;
	s11 =	sor.u32 $0x13380, s24;
	s0 =	sor.u32 s30, s8;
	v59 =	vld.idx.msk [tilespmem:v17+s10+$0x0], $0xffff;
	[tilespmem:s9+$0x0] =	vst v2  }
0x3ed: {  	s13 =	sor.u32 s23, s11;
	v2 =	vld.idx.msk [tilespmem:v55+s10+$0x0], $0xffff;
	[tilespmem:s0+$0x0] =	vst v4  }
0x3ee: {  	v60 =	vadd.s32 $0x7C00, v7;
	s14 =	sor.u32 $0x13380, s28;
	s12 =	sor.u32 s22, s11;
	[tilespmem:s13+$0x0] =	vst v57;
	v4 =	vld.idx.msk [tilespmem:v19+s10+$0x0], $0xffff  }
0x3ef: {  	s15 =	sor.u32 s25, s14;
	v61 =	vld.idx.msk [tilespmem:v13+s10+$0x0], $0xffff;
	[tilespmem:s12+$0x0] =	vst v9  }
0x3f0: {  	s16 =	sor.u32 $0x13380, s31;
	s1 =	sor.u32 s26, s14;
	[tilespmem:s15+$0x0] =	vst v0;
	v5 =	vld.idx.msk [tilespmem:v56+s10+$0x0], $0xffff  }
0x3f1: {  	s17 =	sor.u32 s29, s16;
	v0 =	vld.idx.msk [tilespmem:v58+s10+$0x0], $0xffff;
	[tilespmem:s1+$0x0] =	vst v59  }
0x3f2: {  	s18 =	sadd.s32 $0x13400, s24;
	v62 =	vld.idx.msk [tilespmem:v14+s10+$0x0], $0xffff;
	s0 =	sor.u32 s30, s16;
	[tilespmem:s17+$0x0] =	vst v2  }
0x3f3: {  	s20 =	sor.u32 s23, s18;
	v2 =	vld.idx.msk [tilespmem:v60+s10+$0x0], $0xffff;
	[tilespmem:s0+$0x0] =	vst v4  }
0x3f4: {  	s21 =	sadd.s32 $0x13400, s28;
	s19 =	sor.u32 s22, s18;
	[tilespmem:s20+$0x0] =	vst v61;
	v63 =	vld.idx.msk [tilespmem:v34+s10+$0x0], $0xffff  }
0x3f5: {  	s22 =	sor.u32 s25, s21;
	[tilespmem:s19+$0x0] =	vst v5  }
0x3f6: {  	s23 =	sadd.s32 $0x13400, s31;
	s1 =	sor.u32 s26, s21;
	[tilespmem:s22+$0x0] =	vst v0  }
0x3f7: {  	s25 =	sor.u32 s29, s23;
	s24 =	rddreg [dreg:$0xf];
	[tilespmem:s1+$0x0] =	vst v62  }
0x3f8: {  	s0 =	sor.u32 s30, s23;
	s26 =	rddreg [dreg:$0x7];
	[tilespmem:s25+$0x0] =	vst v2  }
0x3f9: {  	[tilespmem:s0+$0x0] =	vst v63  }
0x3fa: {  	s16 =	rddreg [dreg:$0xe]  }
0x3fb: {  	s16 =	sadd.s32 $0x1, s16  }
0x3fc: {  	p0 =	sne.s32 s16, $0x10  }
.Ltmp2:
0x3fd: {  	s2 =	sshll.u32 s24, $0xC;
	(pc) =	sbr.rel @p0 .LBB2_2-.Ltmp2, $4  }
0x3fe: {  	s2 =	sadd.s32 s26, s2  }
0x3ff: {  	s31 =	simm.s32 $0x10080;
	s28 =	sshrl.u32 s2, $0x3;
	s0 =	rddreg [dreg:$0x9]  }
0x400: {  	s29 =	simm.s32 $0x1000;
	s30 =	simm.s32 $0x20400;
	s0 =	sadd.s32 s0, s28  }
0x401: {  	[hbm4b:s0+s29] =	stream.strided.scatter [tilespmem:s31], [sflag:$0x2], $0x4000, s30, s29, $0x38;
	[tilespmem:$0x15080] =	vst v63  }
0x402: {  	v0 =	vimm.s32 $0x4000;
	_ =	sdelay $0x3  }
0x403: {  	s5 =	simm.s32 $0x0;
	v1 =	vld [tilespmem:$0x1FFC0]  }
0x404: {  	v0 =	vld.idx.msk [tilespmem:v0+s5+$0x0], $0xffff;
	_ =	sdelay $0x4  }
0x405: {  	v1 =	vadd.s32 v1, v0  }
0x406: {  	v2 =	vld [tilespmem:$0x1FFD0]  }
0x407: {  	v62 =	vld [tilespmem:$0x1FFE0];
	_ =	sdelay $0x2  }
0x408: {  	v1 =	vld.idx.msk [tilespmem:v1+s10+$0x0], $0xffff  }
0x409: {  	v0 =	vadd.s32 v2, v0;
	_ =	sdelay $0x1  }
0x40a: {  	v63 =	vld [tilespmem:$0x1FFF0]  }
0x40b: {  	s2 =	simm.s32 $0x14080  }
0x40c: {  	[tilespmem:v62+s2+$0x0] =	vst.idx.msk $0xffff, v1  }
0x40d: {  	v0 =	vld.idx.msk [tilespmem:v0+s10+$0x0], $0xffff;
	_ =	sdelay $0x4  }
0x40e: {  	s0 =	simm.s32 $0x1;
	[tilespmem:v63+s2+$0x0] =	vst.idx.msk $0xffff, v0  }
0x40f: {  	_ =	swait.ge [sflag:s0], $0x4000  }
0x410: {  	[sflag:s0] =	ssyncset.done $0x0  }
0x411: {  	s28 =	simm.s32 $0x2;
	[sflag:s0] =	ssyncadd.s32 $0xFFFFC000  }
0x412: {  	_ =	swait.ge [sflag:s28], $0x4000  }
0x413: {  	s1 =	simm.s32 $0x20400;
	[sflag:s28] =	ssyncset.done $0x0  }
0x414: {  	s3 =	simm.s32 $0x400;
	s29 =	rddreg [dreg:$0xb];
	[sflag:s28] =	ssyncadd.s32 $0xFFFFC000  }
0x415: {  	[hbm4b:s29+s3] =	stream.strided.scatter [tilespmem:s2], [sflag:$0x3], $0x1000, s1, s3, $0x38;
	[tilespmem:$0x15080] =	vst v63  }
0x416: {  	s1 =	simm.s32 $0x3  }
0x417: {  	_ =	swait.ge [sflag:s1], $0x1000  }
0x418: {  	s30 =	rddreg [dreg:$0xd]  }
0x419: {  	s31 =	rddreg [dreg:$0xc];
	s2 =	sadd.s32 $0x1, s30  }
0x41a: {  	p0 =	sne.s32 s2, s31  }
.Ltmp3:
0x41b: {  	_ = 	snop;
	(pc) =	sbr.rel @p0 .LBB2_1-.Ltmp3, $3  }
0x41c: {  	_ =	sdelay $0x1  }
0x41d: {  	[sflag:s1] =	ssyncset.done $0x0  }
0x41e: {  	[sflag:s1] =	ssyncadd.s32 $0xFFFFF000  }
0x41f: {  	_ =	sfence.sel $0x180000  }
0x420: {  	[bflag:$0x0] =	sbarrier.arrive $0xFFFF  }
0x421: {  	_ =	strace $0x90000047  }
0x422: {  	s0 =	stileid.u32;
	[bflag:$0x2] =	sbarrier.arrive $0xFFFF  }
0x423: {  	p0 =	sne.s32 s0, $0x0;
	s0 =	rddreg [dreg:$0x2]  }
0x424: {  	s0 =	sadd.s32 @!p0 $0x100000, s0  }
0x425: {  	[sflag:s0] =	ssyncadd.tile.s32 @!p0 $0x1;
	_ =	shalt  }
.Lfunc_end2:
_tile_overlayer_lowered:
.L_overlay_start_2:
0x426: {  	(tag) =	ssettag $0x2  }
0x427: {  	s0 =	rddreg [dreg:$0x0];
	s2 =	stileid.u32  }
0x428: {  	s1 =	rddreg [dreg:$0x1];
	p0 =	sne.s32 s2, $0x0  }
0x429: {  	s3 =	rddreg [dreg:$0x2];
	[bflag:$0x3] =	sbarrier.arrive $0xFFFF;
	s2 =	simm.s32 @!p0 $0x1C03  }
0x42a: {  	[timem:s3], [sflag:s2] =	dma.local @!p0 [hbm:s0], s1  }
0x42b: {  	s0 =	simm.s32 @!p0 $0x3  }
0x42c: {  	_ =	swait.ge @!p0 [sflag:s0], s1  }
0x42d: {  	s1 =	ssub.s32 @!p0 $0x0, s1;
	[sflag:s0] =	ssyncset.done @!p0 $0x0  }
0x42e: {  	[sflag:s0] =	ssyncadd.s32 @!p0 s1  }
0x42f: {  	[bflag:$0x3] =	sbarrier.arrive $0xFFFF  }
0x430: {  	_ =	shalt  }

// kernel: sparse-core-data-format-call.cloned.1.call-start
scs
called_computation_lowered:
.L_overlay_start_0:
0x0: {  	s2 =	sld [smem:$0x3FD9]  }
0x1: {  	s3 =	sld [smem:$0x3FFE];
	_ =	sdelay $0x1  }
0x2: {  	s1 =	srdreg.scid  }
0x3: {  	s0 =	sand.u32 $0x1, s1  }
0x4: {  	s18 =	sshll.u32 s0, $0xA;
	s2 =	sadd.s32 s3, s2  }
0x5: {  	s2 =	sadd.s32 s2, s18  }
0x6: {  	[smem:$0x3FC6] =	sst s2  }
0x7: {  	_ = 	snop  }
0x8: {  	s2 =	sld [smem:$0x3FD0];
	(tm) =	ssettm $0x1  }
0x9: {  	s19 =	sld [smem:$0x3FFB];
	_ =	sdelay $0x3  }
0xa: {  	_ =	strace s19  }
0xb: {  	s3 =	sld [smem:$0x3FFC];
	_ =	sdelay $0x3  }
0xc: {  	_ =	strace s3  }
0xd: {  	s3 =	sld [smem:$0x3FFD];
	_ =	sdelay $0x3  }
0xe: {  	_ =	strace s3  }
0xf: {  	_ =	strace $0x8FFFFFFF  }
0x10: {  	s20 =	sld [smem:$0x3FDB];
	_ =	sdelay $0x1  }
0x11: {  	s4 =	simm.s32 $_scs_section_size  }
0x12: {  	s5 =	simm.s32 $_size__tile_overlayer_lowered;
	s6 =	simm.s32 $_tile_overlayer_lowered  }
0x13: {  	s23 =	simm.s32 $0x1BFF;
	s22 =	sshll.u32 s6, $0x1;
	s3 =	sadd.s32 s4, s20  }
0x14: {  	s7 =	simm.s32 $0x0;
	s21 =	sshll.u32 s5, $0x1;
	s5 =	sadd.s32 s22, s3  }
0x15: {  	[timem:s7], [sflag:s23] =	dma.local [hbm:s5], s21  }
0x16: {  	_ =	swait.ge [sflag:s23], s21  }
0x17: {  	s4 =	ssub.s32 $0x0, s21;
	[sflag:s23] =	ssyncset.done $0x0  }
0x18: {  	[sflag:s23] =	ssyncadd.s32 s4;
	_ =	sdelay $0x1  }
0x19: {  	s24 =	simm.s32 $0x1B8B  }
0x1a: {  	_ =	swait.ge [sflag:s24], $0x1  }
0x1b: {  	[sflag:s24] =	ssyncset.done $0x0  }
0x1c: {  	s26 =	simm.s32 $0x1B8E;
	s25 =	sld [smem:$0x3FFE];
	[sflag:s24] =	ssyncadd.s32 $0xFFFFFFFF  }
0x1d: {  	s27 =	simm.s32 $execute0_lowered;
	[smem:$0x3FD2] =	sst s26  }
0x1e: {  	s5 =	sshll.u32 s27, $0x1;
	_ =	strace $0x80000049;
	[dreg:$0x1] =	wrdreg $0xFFFFFFFF  }
0x1f: {  	s28 =	simm.s32 $_size_execute0_lowered;
	s3 =	sadd.s32 s3, s5;
	[dreg:$0x0] =	wrdreg $0x0  }
0x20: {  	s5 =	sshll.u32 s28, $0x1;
	[dreg:$0x2] =	wrdreg s3  }
0x21: {  	[dreg:$0x3] =	wrdreg s5  }
0x22: {  	[dreg:$0x4] =	wrdreg $0xC0  }
0x23: {  	_ =	task [dreg:s7], $0x5FFFF  }
0x24: {  	[dreg:$0x1] =	wrdreg $0xFFFFFFFF  }
0x25: {  	[dreg:$0x0] =	wrdreg $0x60  }
0x26: {  	[dreg:$0x2] =	wrdreg s25  }
0x27: {  	[dreg:$0x3] =	wrdreg s2  }
0x28: {  	[dreg:$0x4] =	wrdreg $0x9  }
0x29: {  	_ =	task.clear_ibuf [dreg:s7], $0x5FFFF;
	_ =	strace $0x90000049  }
0x2a: {  	s29 =	simm.s32 $0x9;
	_ =	strace $0x8000004B  }
0x2b: {  	_ =	swait.ge [sflag:s29], $0x1  }
0x2c: {  	[sflag:s29] =	ssyncadd.s32 $0xFFFFFFFF  }
0x2d: {  	_ =	strace $0x9000004B  }
0x2e: {  	_ =	sfence  }
0x2f: {  	s30 =	sld [smem:$0x0];
	_ =	sdelay $0x2  }
0x30: {  	s31 =	sshll.u32 s1, $0xD;
	s1 =	sshrl.u32 s1, $0x2  }
0x31: {  	s3 =	sand.u32 $0x4000, s31;
	s1 =	sadd.s32 s1, s30  }
0x32: {  	s0 =	sor.u32 s3, s0;
	s1 =	sshll.u32 s1, $0x11  }
0x33: {  	s0 =	sor.u32 s1, s0  }
0x34: {  	s0 =	sadd.s32 $0x8F2B, s0  }
0x35: {  	[sflag:s0] =	ssyncadd.remote.s32 $0x1  }
0x36: {  	_ =	sfence.sel $0xFFFF  }
0x37: {  	[dreg:$0x0] =	wrdreg $0xFFFFFFFF;
	(pc) =	sbr.abs _section_cstart, $3  }
0x38: {  	[dreg:$0x1] =	wrdreg $0xFFFFFFFF  }
0x39: {  	_ =	task.clear_ibuf [dreg:s7], $0x2FFFF;
	_ =	strace $0x9FFFFFFF  }
0x3a: {  	(tm) =	ssettm $0x7FFFFFFF  }
0x3b: {  	_ =	shalt  }
tec
execute0_lowered:
.L_overlay_start_1:
0x0: {  	(tag) =	ssettag $0x1  }
0x1: {  	s0 =	stileid.u32  }
0x2: {  	s2 =	srdreg.scid;
	s7 =	rddreg [dreg:$0x0]  }
0x3: {  	s6 =	simm.s32 $0x1;
	s31 =	simm.s32 $0x2;
	s16 =	simm.s32 $0x0  }
0x4: {  	s9 =	simm.s32 $0x400;
	s15 =	simm.s32 $0x0;
	s10 =	simm.s32 $0x0  }
0x5: {  	s11 =	simm.s32 $0x0;
	s14 =	simm.s32 $0x0;
	s1 =	sshll.u32 s0, $0x7  }
0x6: {  	s3 =	sshll.u32 s0, $0x4;
	s2 =	sshll.u32 s2, $0x8;
	s1 =	sand.u32 $0x380, s1  }
0x7: {  	s7 =	sadd.s32 $0x1400, s7;
	s2 =	sor.u32 s3, s2;
	s5 =	ssub.s32 $0x400, s1  }
0x8: {  	s3 =	rddreg [dreg:$0x1];
	s4 =	sand.u32 $0x180, s2;
	s29 =	sand.u32 $0x380, s5  }
0x9: {  	s30 =	ssub.s32 $0x4000, s4;
	s5 =	sshrl.u32 s5, $0xA;
	p0 =	sne.s32 s29, $0x0  }
.Ltmp0:
0xa: {  	s8 =	sshrl.u32 s30, $0x9;
	s6 =	simm.s32 @!p0 $0x0;
	(pc) =	sbr.rel .LBB1_1-.Ltmp0, $4  }
0xb: {  	s2 =	rddreg [dreg:$0x2];
	s8 =	sadd.s32 $0x1, s8;
	s6 =	sadd.s32 s6, s5  }
0xc: {  	_ =	strace $0x8000004A;
	s5 =	simm.s32 $0x1;
	s6 =	smul.u32 s6, s8  }
0xd: {  	s13 =	smov.u32 s1;
	s12 =	smov.u32 s4;
	[sflag:s5] =	ssyncpa.u1 $0x0  }
0xe: {  	p0 =	por $0x0, $0x0;
	[sflag:s31] =	ssyncpa.u1 $0x0;
	s8 =	sadd.s32 $0x1, s6  }
.LBB1_4:
0xf: {  	v5 =	vld [tilespmem:s18+$0xFFFFFFD0];
	[tilespmem:s20+$0x2040 ss:$0x81] =	vst.msk $0xffff, v3  }
0x10: {  	v58 =	vld [tilespmem:s18+$0xFFFFFFE0];
	[tilespmem:s20+$0x2850 ss:$0x81] =	vst.msk $0xffff, v4;
	s21 =	sshra.s32 s21, $0x2;
	p1 =	sgt.s32 s10, $0x3F81;
	s22 =	smov.u32 s10  }
0x11: {  	v59 =	vld [tilespmem:s18+$0xFFFFFFF0];
	[tilespmem:s20+$0x3060 ss:$0x81] =	vst.msk $0xffff, v2;
	s30 =	sshra.s32 s10, $0x1F;
	s23 =	sshra.s32 s11, $0x1F;
	s19 =	sadd.s32 s21, s19  }
0x12: {  	v60 =	vld [tilespmem:s18+$0x0];
	[tilespmem:s20+$0x0 ss:$0x81] =	vst.msk $0xffff, v1;
	s22 =	simm.s32 @!p1 $0x3F81;
	p1 =	sgt.s32 s11, $0x380;
	s21 =	smov.u32 s11  }
0x13: {  	v61 =	vld [tilespmem:s18+$0x10];
	s31 =	sand.u32 s30, s10;
	s23 =	sand.u32 s23, s11;
	[tilespmem:s19+$0x3870 ss:$0x81] =	vst.msk $0xffff, v0;
	s21 =	simm.s32 @!p1 $0x380  }
0x14: {  	v62 =	vld [tilespmem:s18+$0x20];
	s20 =	ssub.s32 s22, s31;
	s21 =	ssub.s32 s21, s23;
	[tilespmem:s19+$0x810 ss:$0x81] =	vst.msk $0xffff, v5  }
0x15: {  	v63 =	vld [tilespmem:s18+$0xFFFFFFC0];
	s24 =	sadd.s32 $0xFFFFC07F, s20;
	s20 =	ssub.s32 $0x4001, s20;
	s25 =	sadd.s32 $0xFFFFFC80, s21;
	[tilespmem:s19+$0x1020 ss:$0x81] =	vst.msk $0xffff, v58  }
0x16: {  	p1 =	sgt.s32 s24, $0x7F;
	s18 =	ssub.s32 $0x400, s21;
	[tilespmem:s19+$0x1830 ss:$0x81] =	vst.msk $0xffff, v59;
	p2 =	sgt.s32 s25, $0x7F  }
0x17: {  	s26 =	sshrl.u32 s11, $0x3;
	s20 =	simm.s32 @p1 $0x0;
	[tilespmem:s19+$0x2040 ss:$0x81] =	vst.msk $0xffff, v60;
	s18 =	simm.s32 @p2 $0x0  }
0x18: {  	s28 =	sand.u32 $0x7, s11;
	s27 =	sand.u32 $0x7F, s26;
	[tilespmem:s19+$0x2850 ss:$0x81] =	vst.msk $0xffff, v61;
	s18 =	smul.u32 s18, s20  }
0x19: {  	s29 =	sshll.u32 s10, $0x7;
	s21 =	sshll.u32 s28, $0x12;
	[tilespmem:s19+$0x3060 ss:$0x81] =	vst.msk $0xffff, v62;
	s20 =	sadd.s32 s3, s27  }
0x1a: {  	[tilespmem:s19+$0x0 ss:$0x81] =	vst.msk $0xffff, v63;
	s31 =	sor.u32 $0x80, s21;
	s30 =	sadd.s32 s29, s20;
	s18 =	sand.u32 $0x3FFFFFFF, s18  }
0x1b: {  	[hbm4b:s30+s31] =	stream.strided.scatter [tilespmem:s17], [sflag:$0x2], s18, s9, s31, $0x20;
	[tilespmem:$0x10100] =	vst v63  }
.LBB1_5:
0x1c: {  	p1 =	slt.u32 s14, $0x2  }
0x1d: {  	s18 =	smov.u32 s16;
	p2 =	sgt.s32 @!p1 s16, $0x3F81;
	s17 =	sshra.s32 @!p1 s16, $0x1F  }
0x1e: {  	p3 =	sgt.s32 @!p1 s15, $0x380;
	s19 =	sshra.s32 @!p1 s15, $0x1F;
	p2 =	por !p2, p1  }
0x1f: {  	s16 =	sand.u32 @!p1 s17, s16;
	p3 =	por !p3, p1;
	s17 =	smov.u32 s15  }
0x20: {  	s15 =	sand.u32 @!p1 s19, s15;
	s18 =	simm.s32 @p2 $0x3F81;
	s17 =	simm.s32 @p3 $0x380  }
0x21: {  	s16 =	ssub.s32 @!p1 s18, s16;
	s15 =	ssub.s32 @!p1 s17, s15  }
0x22: {  	s19 =	smov.u32 s13;
	s17 =	sadd.s32 @!p1 $0xFFFFC07F, s16;
	s18 =	sadd.s32 @!p1 $0xFFFFFC80, s15  }
0x23: {  	s16 =	ssub.s32 @!p1 $0x4001, s16;
	p2 =	sgt.s32 @!p1 s17, $0x7F;
	p3 =	sgt.s32 @!p1 s18, $0x7F  }
0x24: {  	s15 =	ssub.s32 @!p1 $0x400, s15;
	p2 =	por !p2, p1;
	p3 =	por !p3, p1  }
0x25: {  	s17 =	sadd.s32 $0x200, s12;
	s16 =	simm.s32 @!p2 $0x0;
	s15 =	simm.s32 @!p3 $0x0  }
0x26: {  	p2 =	sgt.s32 s17, $0x4000;
	s15 =	smul.u32 @!p1 s15, s16;
	s16 =	sadd.s32 $0x400, s13  }
0x27: {  	s19 =	smov.u32 @p2 s16  }
0x28: {  	s17 =	smov.u32 @p2 s4;
	p2 =	sgt.s32 s19, $0x3FF  }
0x29: {  	s19 =	smov.u32 @p2 s1;
	p2 =	sne.s32 s14, s8  }
.Ltmp1:
0x2a: {  	p0 =	por !p0, !p0;
	s18 =	simm.s32 @!p1 $0x2;
	(pc) =	sbr.rel @!p2 .LBB1_6-.Ltmp1, $4  }
0x2b: {  	s16 =	smov.u32 s10;
	s10 =	smov.u32 s12;
	s15 =	sand.u32 @!p1 $0x3FFFFFFF, s15  }
0x2c: {  	s12 =	smov.u32 s17;
	_ =	swait.ge @!p1 [sflag:s18], s15;
	s20 =	ssub.s32 @!p1 $0x0, s15  }
0x2d: {  	s15 =	smov.u32 s11;
	s14 =	sadd.s32 $0x1, s14;
	[sflag:s18] =	ssyncset.done @!p1 $0x0  }
0x2e: {  	s11 =	smov.u32 s13;
	s13 =	smov.u32 s19;
	[sflag:s18] =	ssyncadd.s32 @!p1 s20  }
.LBB1_1:
0x2f: {  	p1 =	sge.u32 s14, s6  }
0x30: {  	s17 =	sshrl.u32 @!p1 s13, $0x3  }
0x31: {  	s18 =	sshll.u32 @!p1 s12, $0x3;
	s17 =	smul.u32 @!p1 $0x20400, s17  }
0x32: {  	s19 =	sshll.u32 @!p1 s13, $0x7;
	s18 =	sand.u32 @!p1 $0xFFFFFC00, s18  }
0x33: {  	s17 =	sadd.s32 @!p1 s17, s18;
	s18 =	sand.u32 @!p1 $0x380, s19  }
0x34: {  	s19 =	sand.u32 @!p1 $0x7F, s12;
	s17 =	sor.u32 @!p1 s18, s17  }
0x35: {  	s18 =	sor.u32 @!p1 s19, s17  }
0x36: {  	s19 =	smulhi.u32 @!p1 $0xFE03F81, s18;
	_ =	sdelay $0x1  }
0x37: {  	s17 =	smulhi.u32 @!p1 $0xFE03F81, s17;
	s19 =	sshrl.u32 @!p1 s19, $0xA  }
0x38: {  	s19 =	smul.u32 @!p1 $0x4080, s19  }
0x39: {  	s31 =	sadd.s32 $0xFFFFFFFF, s14;
	s20 =	sxor.u32 @!p1 $0xFFFFFFFF, s14;
	s17 =	sshrl.u32 @!p1 s17, $0xA  }
0x3a: {  	s20 =	sshll.u32 @!p1 s20, $0xE;
	s17 =	sand.u32 @!p1 $0x3FF, s17;
	s18 =	ssub.s32 @!p1 s18, s19  }
0x3b: {  	s17 =	smul.u32 @!p1 $0x810, s17;
	s19 =	sshrl.u32 @!p1 s18, $0x3;
	s18 =	sand.u32 @!p1 $0x7, s18  }
0x3c: {  	s20 =	sand.u32 @!p1 $0x4000, s20;
	s19 =	sadd.s32 @!p1 s7, s19;
	s18 =	sshll.u32 @!p1 s18, $0x12  }
0x3d: {  	s17 =	sadd.s32 @!p1 s17, s19;
	s18 =	sor.u32 @!p1 $0x400, s18;
	s19 =	simm.s32 @!p1 $0x20400  }
0x3e: {  	[tilespmem:s20], [sflag:$0x1] =	stream.strided.gather @!p1 [hbm4b:s17+s18], $0x4000, s19, s18, $0x38;
	[tilespmem:$0x10100] =	vst v63  }
0x3f: {  	p1 =	sge.u32 s31, s6  }
.Ltmp2:
0x40: {  	_ = 	snop;
	(pc) =	sbr.rel @p1 .LBB1_5-.Ltmp2, $1  }
0x41: {  	_ =	sdelay $0x3  }
0x42: {  	s17 =	simm.s32 $0x1  }
0x43: {  	_ =	swait.ge [sflag:s5], $0x4000;
	s17 =	simm.s32 @!p0 $0x0  }
0x44: {  	[sflag:s5] =	ssyncset.done $0x0;
	s18 =	sshll.u32 s17, $0xE  }
0x45: {  	[sflag:s5] =	ssyncadd.s32 $0xFFFFC000;
	s18 =	sor.u32 $0x40, s18  }
0x46: {  	s17 =	smul.u32 $0x10200, s17;
	v0 =	vld [tilespmem:s18+$0x30]  }
0x47: {  	v1 =	vld [tilespmem:s18+$0xFFFFFFD0]  }
0x48: {  	s17 =	sshrl.u32 s17, $0x2;
	v5 =	vld [tilespmem:s18+$0xFFFFFFE0]  }
0x49: {  	v6 =	vld [tilespmem:s18+$0xFFFFFFF0];
	s19 =	sor.u32 $0x8000, s17  }
0x4a: {  	s31 =	sand.u32 $0x1, s14;
	v3 =	vld [tilespmem:s18+$0x0];
	s20 =	sadd.s32 $0x0, s19  }
0x4b: {  	v4 =	vld [tilespmem:s18+$0x10];
	s17 =	smul.u32 $0x10200, s31;
	[tilespmem:s20+$0x3870 ss:$0x81] =	vst.msk $0xffff, v0  }
0x4c: {  	v2 =	vld [tilespmem:s18+$0x20];
	[tilespmem:s20+$0x810 ss:$0x81] =	vst.msk $0xffff, v1  }
0x4d: {  	s17 =	sshrl.u32 s17, $0x2;
	v1 =	vld [tilespmem:s18+$0xFFFFFFC0];
	[tilespmem:s20+$0x1020 ss:$0x81] =	vst.msk $0xffff, v5;
	s18 =	sadd.s32 $0x80, s18  }
0x4e: {  	s21 =	simm.s32 $0x4;
	s22 =	simm.s32 $0x8;
	s17 =	sor.u32 $0x8000, s17;
	[tilespmem:s20+$0x1830 ss:$0x81] =	vst.msk $0xffff, v6;
	v0 =	vld [tilespmem:s18+$0x30]  }
.LBB1_3:
0x4f: {  	p1 =	sne.s32 s22, $0x1FC;
	v5 =	vld [tilespmem:s18+$0xFFFFFFD0];
	[tilespmem:s20+$0x2040 ss:$0x81] =	vst.msk $0xffff, v3  }
0x50: {  	v6 =	vld [tilespmem:s18+$0xFFFFFFE0];
	[tilespmem:s20+$0x2850 ss:$0x81] =	vst.msk $0xffff, v4  }
0x51: {  	s23 =	sshra.s32 s21, $0x2;
	s21 =	smov.u32 s22;
	v7 =	vld [tilespmem:s18+$0xFFFFFFF0];
	[tilespmem:s20+$0x3060 ss:$0x81] =	vst.msk $0xffff, v2  }
.Ltmp3:
0x52: {  	v3 =	vld [tilespmem:s18+$0x0];
	[tilespmem:s20+$0x0 ss:$0x81] =	vst.msk $0xffff, v1;
	s20 =	sadd.s32 s23, s19;
	(pc) =	sbr.rel @p1 .LBB1_3-.Ltmp3, $4  }
0x53: {  	v4 =	vld [tilespmem:s18+$0x10];
	[tilespmem:s20+$0x3870 ss:$0x81] =	vst.msk $0xffff, v0  }
0x54: {  	[tilespmem:s20+$0x810 ss:$0x81] =	vst.msk $0xffff, v5;
	v2 =	vld [tilespmem:s18+$0x20]  }
0x55: {  	v1 =	vld [tilespmem:s18+$0xFFFFFFC0];
	[tilespmem:s20+$0x1020 ss:$0x81] =	vst.msk $0xffff, v6;
	s18 =	sadd.s32 $0x80, s18  }
0x56: {  	s22 =	sadd.s32 $0x4, s22;
	v0 =	vld [tilespmem:s18+$0x30];
	[tilespmem:s20+$0x1830 ss:$0x81] =	vst.msk $0xffff, v7  }
.Ltmp4:
0x57: {  	_ = 	snop;
	(pc) =	sbr.rel .LBB1_4-.Ltmp4, $1  }
0x58: {  	_ =	sdelay $0x3  }
.LBB1_6:
0x59: {  	_ =	sfence.sel $0x180000  }
0x5a: {  	s1 =	simm.s32 $0x1;
	[bflag:$0x0] =	sbarrier.arrive $0xFFFF  }
0x5b: {  	s31 =	simm.s32 $0x2;
	[sflag:s1] =	ssyncpa.u1 $0x1  }
0x5c: {  	[sflag:s31] =	ssyncpa.u1 $0x1  }
0x5d: {  	p0 =	sne.s32 s0, $0x0;
	_ =	strace $0x9000004A  }
0x5e: {  	s0 =	sadd.s32 @!p0 $0x100000, s2;
	[bflag:$0x2] =	sbarrier.arrive $0xFFFF  }
0x5f: {  	[sflag:s0] =	ssyncadd.tile.s32 @!p0 $0x1;
	_ =	shalt  }
.Lfunc_end1:
_tile_overlayer_lowered:
.L_overlay_start_2:
0x60: {  	(tag) =	ssettag $0x2  }
0x61: {  	s0 =	rddreg [dreg:$0x0];
	s2 =	stileid.u32  }
0x62: {  	s1 =	rddreg [dreg:$0x1];
	p0 =	sne.s32 s2, $0x0  }
0x63: {  	s3 =	rddreg [dreg:$0x2];
	[bflag:$0x3] =	sbarrier.arrive $0xFFFF;
	s2 =	simm.s32 @!p0 $0x1C01  }
0x64: {  	[timem:s3], [sflag:s2] =	dma.local @!p0 [hbm:s0], s1  }
0x65: {  	s0 =	simm.s32 @!p0 $0x1  }
0x66: {  	_ =	swait.ge @!p0 [sflag:s0], s1  }
0x67: {  	s1 =	ssub.s32 @!p0 $0x0, s1;
	[sflag:s0] =	ssyncset.done @!p0 $0x0  }
0x68: {  	[sflag:s0] =	ssyncadd.s32 @!p0 s1  }
0x69: {  	[bflag:$0x3] =	sbarrier.arrive $0xFFFF  }
0x6a: {  	_ =	shalt  }

</sc_bundles>
